<compile_context>
chip_gen: v7x
topology: tpu7x:2x2x1
jax: 0.10.2.dev20260603
libtpu: 0.0.44.dev20260713+nightly
codegen_flags: <defaults>
</compile_context>

<pallas_src>
import functools

import jax
import jax.numpy as jnp
from jax import lax
from jax.experimental import pallas as pl
from jax.experimental.pallas import tpu as pltpu, tpu_sc as plsc

NUM_NODES = 1000000
D_MSG = 64
BATCH = 16384

NC = 2
NS = 16
NW = NC * NS
B_PER_W = BATCH // NW
B_PER_S = BATCH // NS
IDX_CHUNK = 128
T_CHUNKS = B_PER_S // IDX_CHUNK
L = 16
WV = 4
LANES = 128


def _sc_kernel_body(node_ids, prev_ts, msg_t, msg_ts, out_flat, out_ts,
                    idx_m, idx_t, buf_a, buf_b, colbuf, ts_v, prev_v,
                    acc_ref, allcnt_v, shared_cnt, sem_a, sem_b, sem_t,
                    sem_o):
    cid = lax.axis_index("c")
    sid = lax.axis_index("s")
    wid = sid * NC + cid
    base = wid * B_PER_W
    tbase = sid * B_PER_S

    pltpu.sync_copy(node_ids.at[pl.ds(base, B_PER_W)],
                    idx_m.at[pl.ds(0, B_PER_W)])
    for j in range(T_CHUNKS):
        pltpu.sync_copy(node_ids.at[pl.ds(tbase + j * IDX_CHUNK, IDX_CHUNK)],
                        idx_t.at[j])

    ts_copies = [
        pltpu.async_copy(msg_ts.at[idx_t.at[j]],
                         ts_v.at[pl.ds(j * IDX_CHUNK, IDX_CHUNK)], sem_t)
        for j in range(T_CHUNKS)
    ]
    pltpu.sync_copy(prev_ts.at[pl.ds(tbase, B_PER_S)], prev_v)
    zero = jnp.full((L,), 0.0, jnp.float32)

    seven_bits = jnp.full((L,), 7, jnp.int32)
    del seven_bits
    cmask = jnp.full((L,), LANES - 1, jnp.int32)
    fvecs = [lax.iota(jnp.int32, L) + c * L for c in range(D_MSG // L)]

    def body(t, carry):
        vec = idx_m[pl.ds(t * 8, L)]
        coff = vec - lax.bitwise_and(vec, cmask)
        lane = lax.bitwise_and(vec, cmask)

        def fire(u, buf, sem):
            off = pl.multiple_of(coff[u], LANES)
            return pltpu.async_copy(
                msg_t.at[pl.ds(0, D_MSG), pl.ds(off, LANES)],
                buf.at[u % WV], sem)
        copies_a = [fire(u, buf_a, sem_a) for u in range(0, WV)]
        copies_b = [fire(u, buf_b, sem_b) for u in range(WV, 2 * WV)]

        def extract(u, buf):
            lane_u = zero.astype(jnp.int32) + lane[u]
            usplat = zero.astype(jnp.int32) + (u % WV)
            for c in range(D_MSG // L):
                v = plsc.load_gather(buf, [usplat, fvecs[c], lane_u])
                colbuf[pl.ds((t * 8 + u) * D_MSG + c * L, L)] = v

        for cpy in copies_a:
            cpy.wait()
        for u in range(0, WV):
            extract(u, buf_a)
        for cpy in copies_b:
            cpy.wait()
        for u in range(WV, 2 * WV):
            extract(u, buf_b)

        pltpu.async_copy(
            colbuf.at[pl.ds((t * 8) * D_MSG, 8 * D_MSG)],
            out_flat.at[pl.ds((base + t * 8) * D_MSG, 8 * D_MSG)],
            sem_o)
        return carry

    lax.fori_loop(0, B_PER_W // 8, body, 0)

    for c in ts_copies:
        c.wait()
    one = jnp.full((L,), 1.0, jnp.float32)
    acc = zero
    for j in range(B_PER_S // L):
        sl = pl.ds(j * L, L)
        acc = acc + jnp.where(prev_v[sl] > ts_v[sl], one, zero)
    acc_ref[...] = acc
    pltpu.sync_copy(acc_ref, shared_cnt.at[sid])
    plsc.subcore_barrier()
    pltpu.sync_copy(shared_cnt, allcnt_v)
    total_vec = zero
    for i in range(NS):
        total_vec = total_vec + allcnt_v[i]
    total = total_vec[0]
    for l in range(1, L):
        total = total + total_vec[l]
    invalid = total > 0.0
    nan_vec = jnp.where(invalid, jnp.full((L,), jnp.nan, jnp.float32), zero)

    for j in range(B_PER_S // L):
        sl = pl.ds(j * L, L)
        ts_v[sl] = ts_v[sl] + nan_vec

    @pl.when(cid == 0)
    def _store_ts():
        pltpu.sync_copy(ts_v, out_ts.at[pl.ds(tbase, B_PER_S)])

    pltpu.make_async_copy(
        out_flat.at[pl.ds(0, B_PER_W * D_MSG)], colbuf, sem_o).wait()

    @pl.when(invalid)
    def _poison():
        nanv = jnp.full((L,), jnp.nan, jnp.float32)

        def fill(i, carry):
            colbuf[pl.ds(i * L, L)] = nanv
            return carry

        lax.fori_loop(0, (B_PER_W * D_MSG) // L, fill, 0)
        pltpu.sync_copy(colbuf,
                        out_flat.at[pl.ds(base * D_MSG, B_PER_W * D_MSG)])


@jax.jit
def _last_message_gather(node_ids, prev_ts, msg_store, msg_ts):
    msg_t = msg_store.T
    mesh = plsc.VectorSubcoreMesh(core_axis_name="c", subcore_axis_name="s")
    kfn = functools.partial(
        pl.kernel,
        out_type=(
            jax.ShapeDtypeStruct((BATCH * D_MSG,), jnp.float32),
            jax.ShapeDtypeStruct((BATCH,), jnp.float32),
        ),
        mesh=mesh,
        compiler_params=pltpu.CompilerParams(needs_layout_passes=False),
        scratch_types=[
            pltpu.VMEM((B_PER_W + 8,), jnp.int32),
            pltpu.VMEM((T_CHUNKS, IDX_CHUNK), jnp.int32),
            pltpu.VMEM((WV, D_MSG, LANES), jnp.float32),
            pltpu.VMEM((WV, D_MSG, LANES), jnp.float32),
            pltpu.VMEM((B_PER_W * D_MSG,), jnp.float32),
            pltpu.VMEM((B_PER_S,), jnp.float32),
            pltpu.VMEM((B_PER_S,), jnp.float32),
            pltpu.VMEM((L,), jnp.float32),
            pltpu.VMEM((NS, L), jnp.float32),
            pltpu.VMEM_SHARED((NS, L), jnp.float32),
            pltpu.SemaphoreType.DMA,
            pltpu.SemaphoreType.DMA,
            pltpu.SemaphoreType.DMA,
            pltpu.SemaphoreType.DMA,
        ],
    )(_sc_kernel_body)
    out_flat, ts = kfn(node_ids, prev_ts, msg_t, msg_ts)
    return jnp.reshape(out_flat, (BATCH, D_MSG)), ts


def kernel(node_ids, prev_ts, msg_store, msg_ts):
    return _last_message_gather(node_ids, prev_ts, msg_store, msg_ts)

# --- scband reference (transcript-rebuilt; emitter-appended) ---
"""Pipeline reference for scband-last-message-aggregator-no-grad-16999480558352 (READ-ONLY COPY).

The authoritative reference and input builder live on the scoring server;
editing this copy changes nothing except your own understanding.
"""

import jax, jax.numpy as jnp
import numpy as np

NUM_NODES = 1000000
D_MSG = 64
BATCH = 16384


def setup_inputs(seed: int = 0) -> dict:
    key = jax.random.key(seed)
    k1, k2, k3 = jax.random.split(key, 3)
    # node ids to fetch last messages for
    node_ids = jax.random.randint(k1, (BATCH,), 0, NUM_NODES, dtype=jnp.int32)
    # prev_ts must be <= message timestamps; zeros guarantee the validity check passes
    prev_ts = jnp.zeros((BATCH,), dtype=jnp.float32)
    # dense materialization of node_msg_dict: last raw message per node and its timestamp
    msg_store = jax.random.normal(k2, (NUM_NODES, D_MSG), dtype=jnp.float32)
    msg_ts = jax.random.uniform(k3, (NUM_NODES,), dtype=jnp.float32, minval=1.0, maxval=2.0)
    return {"node_ids": node_ids, "prev_ts": prev_ts, "msg_store": msg_store, "msg_ts": msg_ts}


def reference(node_ids, prev_ts, msg_store, msg_ts):
    # LastMessageAggregatorNoGrad.forward: for each node, take its most recent
    # message tensor and timestamp, then stack. The python dict-of-lists is
    # materialized as a dense per-node last-message store, so the loop becomes a gather.
    full_msgs = jnp.take(msg_store, node_ids, axis=0)   # torch.stack(nodes_tensors, 0)
    ts = jnp.take(msg_ts, node_ids, axis=0)             # torch.tensor(ts).float()
    # if (prev_ts > ts).any(): raise ValueError(...)
    invalid = jnp.any(prev_ts > ts)
    full_msgs = jnp.where(invalid, jnp.float32(jnp.nan), full_msgs)
    ts = jnp.where(invalid, jnp.float32(jnp.nan), ts)
    return full_msgs, ts

if __name__ == "__main__":
    import jax
    _d = setup_inputs()
    print(jax.jit(kernel)(*tuple(_d.values())))

</pallas_src>

<mosaic_0001>
#map = affine_map<(d0, d1) -> (0)>
#map1 = affine_map<(d0, d1) -> (0, 0)>
module attributes {stable_mosaic.version = 14 : i64} {
  func.func @_sc_kernel_body(%arg0: i32, %arg1: i32, %arg2: memref<16384xi32, #tpu.memory_space<hbm>>, %arg3: memref<16384xf32, #tpu.memory_space<hbm>>, %arg4: memref<64x1000000xf32, #tpu.memory_space<hbm>>, %arg5: memref<1000000xf32, #tpu.memory_space<hbm>>, %arg6: memref<1048576xf32, #tpu.memory_space<hbm>>, %arg7: memref<16384xf32, #tpu.memory_space<hbm>>, %arg8: memref<520xi32, #tpu.memory_space<vmem>>, %arg9: memref<8x128xi32, #tpu.memory_space<vmem>>, %arg10: memref<4x64x128xf32, #tpu.memory_space<vmem>>, %arg11: memref<4x64x128xf32, #tpu.memory_space<vmem>>, %arg12: memref<32768xf32, #tpu.memory_space<vmem>>, %arg13: memref<1024xf32, #tpu.memory_space<vmem>>, %arg14: memref<1024xf32, #tpu.memory_space<vmem>>, %arg15: memref<16xf32, #tpu.memory_space<vmem>>, %arg16: memref<16x16xf32, #tpu.memory_space<vmem>>, %arg17: memref<16x16xf32, #tpu.memory_space<vmem_shared>>, %arg18: memref<!tpu.dma_semaphore, #tpu.memory_space<semaphore_mem>>, %arg19: memref<!tpu.dma_semaphore, #tpu.memory_space<semaphore_mem>>, %arg20: memref<!tpu.dma_semaphore, #tpu.memory_space<semaphore_mem>>, %arg21: memref<!tpu.dma_semaphore, #tpu.memory_space<semaphore_mem>>) attributes {dimension_semantics = [#tpu.dimension_semantics<core_parallel>, #tpu.dimension_semantics<subcore_parallel>], iteration_bounds = array<i64: 2, 16>, scalar_prefetch = 0 : i64, scratch_operands = 14 : i64, tpu.core_type = #tpu.core_type<sc_vector_subcore>, window_params = [{transform_indices = #map}, {transform_indices = #map}, {transform_indices = #map1}, {transform_indices = #map}, {transform_indices = #map}, {transform_indices = #map}]} {
    %mul3A = arith.constant 2 : i32
    %mul3A_0 = arith.muli %arg1, %mul3A : i32
    %add3A = arith.addi %mul3A_0, %arg0 : i32
    %mul3A_1 = arith.constant 512 : i32
    %mul3A_2 = arith.muli %add3A, %mul3A_1 : i32
    %mul3A_3 = arith.constant 1024 : i32
    %mul3A_4 = arith.muli %arg1, %mul3A_3 : i32
    "tpu.region"() ({
      %run_scoped3A_1086 = tpu.sem_alloc : memref<!tpu.dma_semaphore, #tpu.memory_space<semaphore_mem>>
      %dma_start3A_1087 = arith.constant 0 : i32
      %dma_start3A_1088 = tpu.memref_slice %arg8[%dma_start3A_1087] : memref<520xi32, #tpu.memory_space<vmem>> -> memref<512xi32, #tpu.memory_space<vmem>>
      %dma_start3A_1089 = tpu.memref_slice %arg2[%mul3A_2] : memref<16384xi32, #tpu.memory_space<hbm>> -> memref<512xi32, #tpu.memory_space<hbm>>
      %dma_start3A_1090 = arith.constant 0 : i32
      %dma_start3A_1091 = tpu.memref_slice %arg8[%dma_start3A_1090] : memref<520xi32, #tpu.memory_space<vmem>> -> memref<512xi32, #tpu.memory_space<vmem>>
      %dma_start3A_1092 = tpu.memref_slice %arg2[%mul3A_2] : memref<16384xi32, #tpu.memory_space<hbm>> -> memref<512xi32, #tpu.memory_space<hbm>>
      tpu.enqueue_dma source(%dma_start3A_1092 : memref<512xi32, #tpu.memory_space<hbm>>) target(%dma_start3A_1091 : memref<512xi32, #tpu.memory_space<vmem>>) target_semaphore(%run_scoped3A_1086 : memref<!tpu.dma_semaphore, #tpu.memory_space<semaphore_mem>>)
      %dma_wait3A_1093 = arith.constant 0 : i32
      %dma_wait3A_1094 = tpu.memref_slice %arg8[%dma_wait3A_1093] : memref<520xi32, #tpu.memory_space<vmem>> -> memref<512xi32, #tpu.memory_space<vmem>>
      %dma_wait3A_1095 = tpu.memref_slice %arg2[%mul3A_2] : memref<16384xi32, #tpu.memory_space<hbm>> -> memref<512xi32, #tpu.memory_space<hbm>>
      %dma_wait3A_1096 = arith.constant 0 : i32
      %dma_wait3A_1097 = tpu.memref_slice %arg8[%dma_wait3A_1096] : memref<520xi32, #tpu.memory_space<vmem>> -> memref<512xi32, #tpu.memory_space<vmem>>
      %dma_wait3A_1098 = tpu.memref_slice %arg2[%mul3A_2] : memref<16384xi32, #tpu.memory_space<hbm>> -> memref<512xi32, #tpu.memory_space<hbm>>
      tpu.wait_dma2 semaphore(%run_scoped3A_1086 : memref<!tpu.dma_semaphore, #tpu.memory_space<semaphore_mem>>) src(%dma_wait3A_1098 : memref<512xi32, #tpu.memory_space<hbm>>) dst(%dma_wait3A_1097 : memref<512xi32, #tpu.memory_space<vmem>>)
      tpu.yield
    }) : () -> ()
    %add3A_5 = arith.constant 0 : i32
    %add3A_6 = arith.addi %mul3A_4, %add3A_5 : i32
    %run_scoped3A = arith.constant 0 : i32
    "tpu.region"() ({
      %run_scoped3A_1086 = tpu.sem_alloc : memref<!tpu.dma_semaphore, #tpu.memory_space<semaphore_mem>>
      %dma_start3A_1087 = arith.constant 0 : i32
      %dma_start3A_1088 = tpu.memref_slice %arg9[%run_scoped3A, %dma_start3A_1087] : memref<8x128xi32, #tpu.memory_space<vmem>> -> memref<1x128xi32, #tpu.memory_space<vmem>>
      %dma_start3A_1089 = tpu.memref_squeeze %dma_start3A_1088 : memref<1x128xi32, #tpu.memory_space<vmem>> -> memref<128xi32, #tpu.memory_space<vmem>>
      %dma_start3A_1090 = tpu.memref_slice %arg2[%add3A_6] : memref<16384xi32, #tpu.memory_space<hbm>> -> memref<128xi32, #tpu.memory_space<hbm>>
      %dma_start3A_1091 = arith.constant 0 : i32
      %dma_start3A_1092 = tpu.memref_slice %arg9[%run_scoped3A, %dma_start3A_1091] : memref<8x128xi32, #tpu.memory_space<vmem>> -> memref<1x128xi32, #tpu.memory_space<vmem>>
      %dma_start3A_1093 = tpu.memref_squeeze %dma_start3A_1092 : memref<1x128xi32, #tpu.memory_space<vmem>> -> memref<128xi32, #tpu.memory_space<vmem>>
      %dma_start3A_1094 = tpu.memref_slice %arg2[%add3A_6] : memref<16384xi32, #tpu.memory_space<hbm>> -> memref<128xi32, #tpu.memory_space<hbm>>
      tpu.enqueue_dma source(%dma_start3A_1094 : memref<128xi32, #tpu.memory_space<hbm>>) target(%dma_start3A_1093 : memref<128xi32, #tpu.memory_space<vmem>>) target_semaphore(%run_scoped3A_1086 : memref<!tpu.dma_semaphore, #tpu.memory_space<semaphore_mem>>)
      %dma_wait3A_1095 = arith.constant 0 : i32
      %dma_wait3A_1096 = tpu.memref_slice %arg9[%run_scoped3A, %dma_wait3A_1095] : memref<8x128xi32, #tpu.memory_space<vmem>> -> memref<1x128xi32, #tpu.memory_space<vmem>>
      %dma_wait3A_1097 = tpu.memref_squeeze %dma_wait3A_1096 : memref<1x128xi32, #tpu.memory_space<vmem>> -> memref<128xi32, #tpu.memory_space<vmem>>
      %dma_wait3A_1098 = tpu.memref_slice %arg2[%add3A_6] : memref<16384xi32, #tpu.memory_space<hbm>> -> memref<128xi32, #tpu.memory_space<hbm>>
      %dma_wait3A_1099 = arith.constant 0 : i32
      %dma_wait3A_1100 = tpu.memref_slice %arg9[%run_scoped3A, %dma_wait3A_1099] : memref<8x128xi32, #tpu.memory_space<vmem>> -> memref<1x128xi32, #tpu.memory_space<vmem>>
      %dma_wait3A_1101 = tpu.memref_squeeze %dma_wait3A_1100 : memref<1x128xi32, #tpu.memory_space<vmem>> -> memref<128xi32, #tpu.memory_space<vmem>>
      %dma_wait3A_1102 = tpu.memref_slice %arg2[%add3A_6] : memref<16384xi32, #tpu.memory_space<hbm>> -> memref<128xi32, #tpu.memory_space<hbm>>
      tpu.wait_dma2 semaphore(%run_scoped3A_1086 : memref<!tpu.dma_semaphore, #tpu.memory_space<semaphore_mem>>) src(%dma_wait3A_1102 : memref<128xi32, #tpu.memory_space<hbm>>) dst(%dma_wait3A_1101 : memref<128xi32, #tpu.memory_space<vmem>>)
      tpu.yield
    }) : () -> ()
    %add3A_7 = arith.constant 128 : i32
    %add3A_8 = arith.addi %mul3A_4, %add3A_7 : i32
    %run_scoped3A_9 = arith.constant 1 : i32
    "tpu.region"() ({
      %run_scoped3A_1086 = tpu.sem_alloc : memref<!tpu.dma_semaphore, #tpu.memory_space<semaphore_mem>>
      %dma_start3A_1087 = arith.constant 0 : i32
      %dma_start3A_1088 = tpu.memref_slice %arg9[%run_scoped3A_9, %dma_start3A_1087] : memref<8x128xi32, #tpu.memory_space<vmem>> -> memref<1x128xi32, #tpu.memory_space<vmem>>
      %dma_start3A_1089 = tpu.memref_squeeze %dma_start3A_1088 : memref<1x128xi32, #tpu.memory_space<vmem>> -> memref<128xi32, #tpu.memory_space<vmem>>
      %dma_start3A_1090 = tpu.memref_slice %arg2[%add3A_8] : memref<16384xi32, #tpu.memory_space<hbm>> -> memref<128xi32, #tpu.memory_space<hbm>>
      %dma_start3A_1091 = arith.constant 0 : i32
      %dma_start3A_1092 = tpu.memref_slice %arg9[%run_scoped3A_9, %dma_start3A_1091] : memref<8x128xi32, #tpu.memory_space<vmem>> -> memref<1x128xi32, #tpu.memory_space<vmem>>
      %dma_start3A_1093 = tpu.memref_squeeze %dma_start3A_1092 : memref<1x128xi32, #tpu.memory_space<vmem>> -> memref<128xi32, #tpu.memory_space<vmem>>
      %dma_start3A_1094 = tpu.memref_slice %arg2[%add3A_8] : memref<16384xi32, #tpu.memory_space<hbm>> -> memref<128xi32, #tpu.memory_space<hbm>>
      tpu.enqueue_dma source(%dma_start3A_1094 : memref<128xi32, #tpu.memory_space<hbm>>) target(%dma_start3A_1093 : memref<128xi32, #tpu.memory_space<vmem>>) target_semaphore(%run_scoped3A_1086 : memref<!tpu.dma_semaphore, #tpu.memory_space<semaphore_mem>>)
      %dma_wait3A_1095 = arith.constant 0 : i32
      %dma_wait3A_1096 = tpu.memref_slice %arg9[%run_scoped3A_9, %dma_wait3A_1095] : memref<8x128xi32, #tpu.memory_space<vmem>> -> memref<1x128xi32, #tpu.memory_space<vmem>>
      %dma_wait3A_1097 = tpu.memref_squeeze %dma_wait3A_1096 : memref<1x128xi32, #tpu.memory_space<vmem>> -> memref<128xi32, #tpu.memory_space<vmem>>
      %dma_wait3A_1098 = tpu.memref_slice %arg2[%add3A_8] : memref<16384xi32, #tpu.memory_space<hbm>> -> memref<128xi32, #tpu.memory_space<hbm>>
      %dma_wait3A_1099 = arith.constant 0 : i32
      %dma_wait3A_1100 = tpu.memref_slice %arg9[%run_scoped3A_9, %dma_wait3A_1099] : memref<8x128xi32, #tpu.memory_space<vmem>> -> memref<1x128xi32, #tpu.memory_space<vmem>>
      %dma_wait3A_1101 = tpu.memref_squeeze %dma_wait3A_1100 : memref<1x128xi32, #tpu.memory_space<vmem>> -> memref<128xi32, #tpu.memory_space<vmem>>
      %dma_wait3A_1102 = tpu.memref_slice %arg2[%add3A_8] : memref<16384xi32, #tpu.memory_space<hbm>> -> memref<128xi32, #tpu.memory_space<hbm>>
      tpu.wait_dma2 semaphore(%run_scoped3A_1086 : memref<!tpu.dma_semaphore, #tpu.memory_space<semaphore_mem>>) src(%dma_wait3A_1102 : memref<128xi32, #tpu.memory_space<hbm>>) dst(%dma_wait3A_1101 : memref<128xi32, #tpu.memory_space<vmem>>)
      tpu.yield
    }) : () -> ()
    %add3A_10 = arith.constant 256 : i32
    %add3A_11 = arith.addi %mul3A_4, %add3A_10 : i32
    %run_scoped3A_12 = arith.constant 2 : i32
    "tpu.region"() ({
      %run_scoped3A_1086 = tpu.sem_alloc : memref<!tpu.dma_semaphore, #tpu.memory_space<semaphore_mem>>
      %dma_start3A_1087 = arith.constant 0 : i32
      %dma_start3A_1088 = tpu.memref_slice %arg9[%run_scoped3A_12, %dma_start3A_1087] : memref<8x128xi32, #tpu.memory_space<vmem>> -> memref<1x128xi32, #tpu.memory_space<vmem>>
      %dma_start3A_1089 = tpu.memref_squeeze %dma_start3A_1088 : memref<1x128xi32, #tpu.memory_space<vmem>> -> memref<128xi32, #tpu.memory_space<vmem>>
      %dma_start3A_1090 = tpu.memref_slice %arg2[%add3A_11] : memref<16384xi32, #tpu.memory_space<hbm>> -> memref<128xi32, #tpu.memory_space<hbm>>
      %dma_start3A_1091 = arith.constant 0 : i32
      %dma_start3A_1092 = tpu.memref_slice %arg9[%run_scoped3A_12, %dma_start3A_1091] : memref<8x128xi32, #tpu.memory_space<vmem>> -> memref<1x128xi32, #tpu.memory_space<vmem>>
      %dma_start3A_1093 = tpu.memref_squeeze %dma_start3A_1092 : memref<1x128xi32, #tpu.memory_space<vmem>> -> memref<128xi32, #tpu.memory_space<vmem>>
      %dma_start3A_1094 = tpu.memref_slice %arg2[%add3A_11] : memref<16384xi32, #tpu.memory_space<hbm>> -> memref<128xi32, #tpu.memory_space<hbm>>
      tpu.enqueue_dma source(%dma_start3A_1094 : memref<128xi32, #tpu.memory_space<hbm>>) target(%dma_start3A_1093 : memref<128xi32, #tpu.memory_space<vmem>>) target_semaphore(%run_scoped3A_1086 : memref<!tpu.dma_semaphore, #tpu.memory_space<semaphore_mem>>)
      %dma_wait3A_1095 = arith.constant 0 : i32
      %dma_wait3A_1096 = tpu.memref_slice %arg9[%run_scoped3A_12, %dma_wait3A_1095] : memref<8x128xi32, #tpu.memory_space<vmem>> -> memref<1x128xi32, #tpu.memory_space<vmem>>
      %dma_wait3A_1097 = tpu.memref_squeeze %dma_wait3A_1096 : memref<1x128xi32, #tpu.memory_space<vmem>> -> memref<128xi32, #tpu.memory_space<vmem>>
      %dma_wait3A_1098 = tpu.memref_slice %arg2[%add3A_11] : memref<16384xi32, #tpu.memory_space<hbm>> -> memref<128xi32, #tpu.memory_space<hbm>>
      %dma_wait3A_1099 = arith.constant 0 : i32
      %dma_wait3A_1100 = tpu.memref_slice %arg9[%run_scoped3A_12, %dma_wait3A_1099] : memref<8x128xi32, #tpu.memory_space<vmem>> -> memref<1x128xi32, #tpu.memory_space<vmem>>
      %dma_wait3A_1101 = tpu.memref_squeeze %dma_wait3A_1100 : memref<1x128xi32, #tpu.memory_space<vmem>> -> memref<128xi32, #tpu.memory_space<vmem>>
      %dma_wait3A_1102 = tpu.memref_slice %arg2[%add3A_11] : memref<16384xi32, #tpu.memory_space<hbm>> -> memref<128xi32, #tpu.memory_space<hbm>>
      tpu.wait_dma2 semaphore(%run_scoped3A_1086 : memref<!tpu.dma_semaphore, #tpu.memory_space<semaphore_mem>>) src(%dma_wait3A_1102 : memref<128xi32, #tpu.memory_space<hbm>>) dst(%dma_wait3A_1101 : memref<128xi32, #tpu.memory_space<vmem>>)
      tpu.yield
    }) : () -> ()
    %add3A_13 = arith.constant 384 : i32
    %add3A_14 = arith.addi %mul3A_4, %add3A_13 : i32
    %run_scoped3A_15 = arith.constant 3 : i32
    "tpu.region"() ({
      %run_scoped3A_1086 = tpu.sem_alloc : memref<!tpu.dma_semaphore, #tpu.memory_space<semaphore_mem>>
      %dma_start3A_1087 = arith.constant 0 : i32
      %dma_start3A_1088 = tpu.memref_slice %arg9[%run_scoped3A_15, %dma_start3A_1087] : memref<8x128xi32, #tpu.memory_space<vmem>> -> memref<1x128xi32, #tpu.memory_space<vmem>>
      %dma_start3A_1089 = tpu.memref_squeeze %dma_start3A_1088 : memref<1x128xi32, #tpu.memory_space<vmem>> -> memref<128xi32, #tpu.memory_space<vmem>>
      %dma_start3A_1090 = tpu.memref_slice %arg2[%add3A_14] : memref<16384xi32, #tpu.memory_space<hbm>> -> memref<128xi32, #tpu.memory_space<hbm>>
      %dma_start3A_1091 = arith.constant 0 : i32
      %dma_start3A_1092 = tpu.memref_slice %arg9[%run_scoped3A_15, %dma_start3A_1091] : memref<8x128xi32, #tpu.memory_space<vmem>> -> memref<1x128xi32, #tpu.memory_space<vmem>>
      %dma_start3A_1093 = tpu.memref_squeeze %dma_start3A_1092 : memref<1x128xi32, #tpu.memory_space<vmem>> -> memref<128xi32, #tpu.memory_space<vmem>>
      %dma_start3A_1094 = tpu.memref_slice %arg2[%add3A_14] : memref<16384xi32, #tpu.memory_space<hbm>> -> memref<128xi32, #tpu.memory_space<hbm>>
      tpu.enqueue_dma source(%dma_start3A_1094 : memref<128xi32, #tpu.memory_space<hbm>>) target(%dma_start3A_1093 : memref<128xi32, #tpu.memory_space<vmem>>) target_semaphore(%run_scoped3A_1086 : memref<!tpu.dma_semaphore, #tpu.memory_space<semaphore_mem>>)
      %dma_wait3A_1095 = arith.constant 0 : i32
      %dma_wait3A_1096 = tpu.memref_slice %arg9[%run_scoped3A_15, %dma_wait3A_1095] : memref<8x128xi32, #tpu.memory_space<vmem>> -> memref<1x128xi32, #tpu.memory_space<vmem>>
      %dma_wait3A_1097 = tpu.memref_squeeze %dma_wait3A_1096 : memref<1x128xi32, #tpu.memory_space<vmem>> -> memref<128xi32, #tpu.memory_space<vmem>>
      %dma_wait3A_1098 = tpu.memref_slice %arg2[%add3A_14] : memref<16384xi32, #tpu.memory_space<hbm>> -> memref<128xi32, #tpu.memory_space<hbm>>
      %dma_wait3A_1099 = arith.constant 0 : i32
      %dma_wait3A_1100 = tpu.memref_slice %arg9[%run_scoped3A_15, %dma_wait3A_1099] : memref<8x128xi32, #tpu.memory_space<vmem>> -> memref<1x128xi32, #tpu.memory_space<vmem>>
      %dma_wait3A_1101 = tpu.memref_squeeze %dma_wait3A_1100 : memref<1x128xi32, #tpu.memory_space<vmem>> -> memref<128xi32, #tpu.memory_space<vmem>>
      %dma_wait3A_1102 = tpu.memref_slice %arg2[%add3A_14] : memref<16384xi32, #tpu.memory_space<hbm>> -> memref<128xi32, #tpu.memory_space<hbm>>
      tpu.wait_dma2 semaphore(%run_scoped3A_1086 : memref<!tpu.dma_semaphore, #tpu.memory_space<semaphore_mem>>) src(%dma_wait3A_1102 : memref<128xi32, #tpu.memory_space<hbm>>) dst(%dma_wait3A_1101 : memref<128xi32, #tpu.memory_space<vmem>>)
      tpu.yield
    }) : () -> ()
    %add3A_16 = arith.constant 512 : i32
    %add3A_17 = arith.addi %mul3A_4, %add3A_16 : i32
    %run_scoped3A_18 = arith.constant 4 : i32
    "tpu.region"() ({
      %run_scoped3A_1086 = tpu.sem_alloc : memref<!tpu.dma_semaphore, #tpu.memory_space<semaphore_mem>>
      %dma_start3A_1087 = arith.constant 0 : i32
      %dma_start3A_1088 = tpu.memref_slice %arg9[%run_scoped3A_18, %dma_start3A_1087] : memref<8x128xi32, #tpu.memory_space<vmem>> -> memref<1x128xi32, #tpu.memory_space<vmem>>
      %dma_start3A_1089 = tpu.memref_squeeze %dma_start3A_1088 : memref<1x128xi32, #tpu.memory_space<vmem>> -> memref<128xi32, #tpu.memory_space<vmem>>
      %dma_start3A_1090 = tpu.memref_slice %arg2[%add3A_17] : memref<16384xi32, #tpu.memory_space<hbm>> -> memref<128xi32, #tpu.memory_space<hbm>>
      %dma_start3A_1091 = arith.constant 0 : i32
      %dma_start3A_1092 = tpu.memref_slice %arg9[%run_scoped3A_18, %dma_start3A_1091] : memref<8x128xi32, #tpu.memory_space<vmem>> -> memref<1x128xi32, #tpu.memory_space<vmem>>
      %dma_start3A_1093 = tpu.memref_squeeze %dma_start3A_1092 : memref<1x128xi32, #tpu.memory_space<vmem>> -> memref<128xi32, #tpu.memory_space<vmem>>
      %dma_start3A_1094 = tpu.memref_slice %arg2[%add3A_17] : memref<16384xi32, #tpu.memory_space<hbm>> -> memref<128xi32, #tpu.memory_space<hbm>>
      tpu.enqueue_dma source(%dma_start3A_1094 : memref<128xi32, #tpu.memory_space<hbm>>) target(%dma_start3A_1093 : memref<128xi32, #tpu.memory_space<vmem>>) target_semaphore(%run_scoped3A_1086 : memref<!tpu.dma_semaphore, #tpu.memory_space<semaphore_mem>>)
      %dma_wait3A_1095 = arith.constant 0 : i32
      %dma_wait3A_1096 = tpu.memref_slice %arg9[%run_scoped3A_18, %dma_wait3A_1095] : memref<8x128xi32, #tpu.memory_space<vmem>> -> memref<1x128xi32, #tpu.memory_space<vmem>>
      %dma_wait3A_1097 = tpu.memref_squeeze %dma_wait3A_1096 : memref<1x128xi32, #tpu.memory_space<vmem>> -> memref<128xi32, #tpu.memory_space<vmem>>
      %dma_wait3A_1098 = tpu.memref_slice %arg2[%add3A_17] : memref<16384xi32, #tpu.memory_space<hbm>> -> memref<128xi32, #tpu.memory_space<hbm>>
      %dma_wait3A_1099 = arith.constant 0 : i32
      %dma_wait3A_1100 = tpu.memref_slice %arg9[%run_scoped3A_18, %dma_wait3A_1099] : memref<8x128xi32, #tpu.memory_space<vmem>> -> memref<1x128xi32, #tpu.memory_space<vmem>>
      %dma_wait3A_1101 = tpu.memref_squeeze %dma_wait3A_1100 : memref<1x128xi32, #tpu.memory_space<vmem>> -> memref<128xi32, #tpu.memory_space<vmem>>
      %dma_wait3A_1102 = tpu.memref_slice %arg2[%add3A_17] : memref<16384xi32, #tpu.memory_space<hbm>> -> memref<128xi32, #tpu.memory_space<hbm>>
      tpu.wait_dma2 semaphore(%run_scoped3A_1086 : memref<!tpu.dma_semaphore, #tpu.memory_space<semaphore_mem>>) src(%dma_wait3A_1102 : memref<128xi32, #tpu.memory_space<hbm>>) dst(%dma_wait3A_1101 : memref<128xi32, #tpu.memory_space<vmem>>)
      tpu.yield
    }) : () -> ()
    %add3A_19 = arith.constant 640 : i32
    %add3A_20 = arith.addi %mul3A_4, %add3A_19 : i32
    %run_scoped3A_21 = arith.constant 5 : i32
    "tpu.region"() ({
      %run_scoped3A_1086 = tpu.sem_alloc : memref<!tpu.dma_semaphore, #tpu.memory_space<semaphore_mem>>
      %dma_start3A_1087 = arith.constant 0 : i32
      %dma_start3A_1088 = tpu.memref_slice %arg9[%run_scoped3A_21, %dma_start3A_1087] : memref<8x128xi32, #tpu.memory_space<vmem>> -> memref<1x128xi32, #tpu.memory_space<vmem>>
      %dma_start3A_1089 = tpu.memref_squeeze %dma_start3A_1088 : memref<1x128xi32, #tpu.memory_space<vmem>> -> memref<128xi32, #tpu.memory_space<vmem>>
      %dma_start3A_1090 = tpu.memref_slice %arg2[%add3A_20] : memref<16384xi32, #tpu.memory_space<hbm>> -> memref<128xi32, #tpu.memory_space<hbm>>
      %dma_start3A_1091 = arith.constant 0 : i32
      %dma_start3A_1092 = tpu.memref_slice %arg9[%run_scoped3A_21, %dma_start3A_1091] : memref<8x128xi32, #tpu.memory_space<vmem>> -> memref<1x128xi32, #tpu.memory_space<vmem>>
      %dma_start3A_1093 = tpu.memref_squeeze %dma_start3A_1092 : memref<1x128xi32, #tpu.memory_space<vmem>> -> memref<128xi32, #tpu.memory_space<vmem>>
      %dma_start3A_1094 = tpu.memref_slice %arg2[%add3A_20] : memref<16384xi32, #tpu.memory_space<hbm>> -> memref<128xi32, #tpu.memory_space<hbm>>
      tpu.enqueue_dma source(%dma_start3A_1094 : memref<128xi32, #tpu.memory_space<hbm>>) target(%dma_start3A_1093 : memref<128xi32, #tpu.memory_space<vmem>>) target_semaphore(%run_scoped3A_1086 : memref<!tpu.dma_semaphore, #tpu.memory_space<semaphore_mem>>)
      %dma_wait3A_1095 = arith.constant 0 : i32
      %dma_wait3A_1096 = tpu.memref_slice %arg9[%run_scoped3A_21, %dma_wait3A_1095] : memref<8x128xi32, #tpu.memory_space<vmem>> -> memref<1x128xi32, #tpu.memory_space<vmem>>
      %dma_wait3A_1097 = tpu.memref_squeeze %dma_wait3A_1096 : memref<1x128xi32, #tpu.memory_space<vmem>> -> memref<128xi32, #tpu.memory_space<vmem>>
      %dma_wait3A_1098 = tpu.memref_slice %arg2[%add3A_20] : memref<16384xi32, #tpu.memory_space<hbm>> -> memref<128xi32, #tpu.memory_space<hbm>>
      %dma_wait3A_1099 = arith.constant 0 : i32
      %dma_wait3A_1100 = tpu.memref_slice %arg9[%run_scoped3A_21, %dma_wait3A_1099] : memref<8x128xi32, #tpu.memory_space<vmem>> -> memref<1x128xi32, #tpu.memory_space<vmem>>
      %dma_wait3A_1101 = tpu.memref_squeeze %dma_wait3A_1100 : memref<1x128xi32, #tpu.memory_space<vmem>> -> memref<128xi32, #tpu.memory_space<vmem>>
      %dma_wait3A_1102 = tpu.memref_slice %arg2[%add3A_20] : memref<16384xi32, #tpu.memory_space<hbm>> -> memref<128xi32, #tpu.memory_space<hbm>>
      tpu.wait_dma2 semaphore(%run_scoped3A_1086 : memref<!tpu.dma_semaphore, #tpu.memory_space<semaphore_mem>>) src(%dma_wait3A_1102 : memref<128xi32, #tpu.memory_space<hbm>>) dst(%dma_wait3A_1101 : memref<128xi32, #tpu.memory_space<vmem>>)
      tpu.yield
    }) : () -> ()
    %add3A_22 = arith.constant 768 : i32
    %add3A_23 = arith.addi %mul3A_4, %add3A_22 : i32
    %run_scoped3A_24 = arith.constant 6 : i32
    "tpu.region"() ({
      %run_scoped3A_1086 = tpu.sem_alloc : memref<!tpu.dma_semaphore, #tpu.memory_space<semaphore_mem>>
      %dma_start3A_1087 = arith.constant 0 : i32
      %dma_start3A_1088 = tpu.memref_slice %arg9[%run_scoped3A_24, %dma_start3A_1087] : memref<8x128xi32, #tpu.memory_space<vmem>> -> memref<1x128xi32, #tpu.memory_space<vmem>>
      %dma_start3A_1089 = tpu.memref_squeeze %dma_start3A_1088 : memref<1x128xi32, #tpu.memory_space<vmem>> -> memref<128xi32, #tpu.memory_space<vmem>>
      %dma_start3A_1090 = tpu.memref_slice %arg2[%add3A_23] : memref<16384xi32, #tpu.memory_space<hbm>> -> memref<128xi32, #tpu.memory_space<hbm>>
      %dma_start3A_1091 = arith.constant 0 : i32
      %dma_start3A_1092 = tpu.memref_slice %arg9[%run_scoped3A_24, %dma_start3A_1091] : memref<8x128xi32, #tpu.memory_space<vmem>> -> memref<1x128xi32, #tpu.memory_space<vmem>>
      %dma_start3A_1093 = tpu.memref_squeeze %dma_start3A_1092 : memref<1x128xi32, #tpu.memory_space<vmem>> -> memref<128xi32, #tpu.memory_space<vmem>>
      %dma_start3A_1094 = tpu.memref_slice %arg2[%add3A_23] : memref<16384xi32, #tpu.memory_space<hbm>> -> memref<128xi32, #tpu.memory_space<hbm>>
      tpu.enqueue_dma source(%dma_start3A_1094 : memref<128xi32, #tpu.memory_space<hbm>>) target(%dma_start3A_1093 : memref<128xi32, #tpu.memory_space<vmem>>) target_semaphore(%run_scoped3A_1086 : memref<!tpu.dma_semaphore, #tpu.memory_space<semaphore_mem>>)
      %dma_wait3A_1095 = arith.constant 0 : i32
      %dma_wait3A_1096 = tpu.memref_slice %arg9[%run_scoped3A_24, %dma_wait3A_1095] : memref<8x128xi32, #tpu.memory_space<vmem>> -> memref<1x128xi32, #tpu.memory_space<vmem>>
      %dma_wait3A_1097 = tpu.memref_squeeze %dma_wait3A_1096 : memref<1x128xi32, #tpu.memory_space<vmem>> -> memref<128xi32, #tpu.memory_space<vmem>>
      %dma_wait3A_1098 = tpu.memref_slice %arg2[%add3A_23] : memref<16384xi32, #tpu.memory_space<hbm>> -> memref<128xi32, #tpu.memory_space<hbm>>
      %dma_wait3A_1099 = arith.constant 0 : i32
      %dma_wait3A_1100 = tpu.memref_slice %arg9[%run_scoped3A_24, %dma_wait3A_1099] : memref<8x128xi32, #tpu.memory_space<vmem>> -> memref<1x128xi32, #tpu.memory_space<vmem>>
      %dma_wait3A_1101 = tpu.memref_squeeze %dma_wait3A_1100 : memref<1x128xi32, #tpu.memory_space<vmem>> -> memref<128xi32, #tpu.memory_space<vmem>>
      %dma_wait3A_1102 = tpu.memref_slice %arg2[%add3A_23] : memref<16384xi32, #tpu.memory_space<hbm>> -> memref<128xi32, #tpu.memory_space<hbm>>
      tpu.wait_dma2 semaphore(%run_scoped3A_1086 : memref<!tpu.dma_semaphore, #tpu.memory_space<semaphore_mem>>) src(%dma_wait3A_1102 : memref<128xi32, #tpu.memory_space<hbm>>) dst(%dma_wait3A_1101 : memref<128xi32, #tpu.memory_space<vmem>>)
      tpu.yield
    }) : () -> ()
    %add3A_25 = arith.constant 896 : i32
    %add3A_26 = arith.addi %mul3A_4, %add3A_25 : i32
    %run_scoped3A_27 = arith.constant 7 : i32
    "tpu.region"() ({
      %run_scoped3A_1086 = tpu.sem_alloc : memref<!tpu.dma_semaphore, #tpu.memory_space<semaphore_mem>>
      %dma_start3A_1087 = arith.constant 0 : i32
      %dma_start3A_1088 = tpu.memref_slice %arg9[%run_scoped3A_27, %dma_start3A_1087] : memref<8x128xi32, #tpu.memory_space<vmem>> -> memref<1x128xi32, #tpu.memory_space<vmem>>
      %dma_start3A_1089 = tpu.memref_squeeze %dma_start3A_1088 : memref<1x128xi32, #tpu.memory_space<vmem>> -> memref<128xi32, #tpu.memory_space<vmem>>
      %dma_start3A_1090 = tpu.memref_slice %arg2[%add3A_26] : memref<16384xi32, #tpu.memory_space<hbm>> -> memref<128xi32, #tpu.memory_space<hbm>>
      %dma_start3A_1091 = arith.constant 0 : i32
      %dma_start3A_1092 = tpu.memref_slice %arg9[%run_scoped3A_27, %dma_start3A_1091] : memref<8x128xi32, #tpu.memory_space<vmem>> -> memref<1x128xi32, #tpu.memory_space<vmem>>
      %dma_start3A_1093 = tpu.memref_squeeze %dma_start3A_1092 : memref<1x128xi32, #tpu.memory_space<vmem>> -> memref<128xi32, #tpu.memory_space<vmem>>
      %dma_start3A_1094 = tpu.memref_slice %arg2[%add3A_26] : memref<16384xi32, #tpu.memory_space<hbm>> -> memref<128xi32, #tpu.memory_space<hbm>>
      tpu.enqueue_dma source(%dma_start3A_1094 : memref<128xi32, #tpu.memory_space<hbm>>) target(%dma_start3A_1093 : memref<128xi32, #tpu.memory_space<vmem>>) target_semaphore(%run_scoped3A_1086 : memref<!tpu.dma_semaphore, #tpu.memory_space<semaphore_mem>>)
      %dma_wait3A_1095 = arith.constant 0 : i32
      %dma_wait3A_1096 = tpu.memref_slice %arg9[%run_scoped3A_27, %dma_wait3A_1095] : memref<8x128xi32, #tpu.memory_space<vmem>> -> memref<1x128xi32, #tpu.memory_space<vmem>>
      %dma_wait3A_1097 = tpu.memref_squeeze %dma_wait3A_1096 : memref<1x128xi32, #tpu.memory_space<vmem>> -> memref<128xi32, #tpu.memory_space<vmem>>
      %dma_wait3A_1098 = tpu.memref_slice %arg2[%add3A_26] : memref<16384xi32, #tpu.memory_space<hbm>> -> memref<128xi32, #tpu.memory_space<hbm>>
      %dma_wait3A_1099 = arith.constant 0 : i32
      %dma_wait3A_1100 = tpu.memref_slice %arg9[%run_scoped3A_27, %dma_wait3A_1099] : memref<8x128xi32, #tpu.memory_space<vmem>> -> memref<1x128xi32, #tpu.memory_space<vmem>>
      %dma_wait3A_1101 = tpu.memref_squeeze %dma_wait3A_1100 : memref<1x128xi32, #tpu.memory_space<vmem>> -> memref<128xi32, #tpu.memory_space<vmem>>
      %dma_wait3A_1102 = tpu.memref_slice %arg2[%add3A_26] : memref<16384xi32, #tpu.memory_space<hbm>> -> memref<128xi32, #tpu.memory_space<hbm>>
      tpu.wait_dma2 semaphore(%run_scoped3A_1086 : memref<!tpu.dma_semaphore, #tpu.memory_space<semaphore_mem>>) src(%dma_wait3A_1102 : memref<128xi32, #tpu.memory_space<hbm>>) dst(%dma_wait3A_1101 : memref<128xi32, #tpu.memory_space<vmem>>)
      tpu.yield
    }) : () -> ()
    %dma_start3A = arith.constant 0 : i32
    %dma_start3A_28 = arith.constant 0 : i32
    %dma_start3A_29 = tpu.memref_slice %arg13[%dma_start3A_28] : memref<1024xf32, #tpu.memory_space<vmem>> -> memref<128xf32, #tpu.memory_space<vmem>>
    %dma_start3A_30 = arith.constant 0 : i32
    %dma_start3A_31 = tpu.memref_slice %arg9[%dma_start3A, %dma_start3A_30] : memref<8x128xi32, #tpu.memory_space<vmem>> -> memref<1x128xi32, #tpu.memory_space<vmem>>
    %dma_start3A_32 = tpu.memref_squeeze %dma_start3A_31 : memref<1x128xi32, #tpu.memory_space<vmem>> -> memref<128xi32, #tpu.memory_space<vmem>>
    %dma_start3A_33 = arith.constant 0 : i32
    %dma_start3A_34 = tpu.memref_slice %arg5[%dma_start3A_33] : memref<1000000xf32, #tpu.memory_space<hbm>> -> memref<1000000xf32, #tpu.memory_space<hbm>>
    tpu.enqueue_indirect_dma source(%dma_start3A_34 : memref<1000000xf32, #tpu.memory_space<hbm>>) target(%dma_start3A_29 : memref<128xf32, #tpu.memory_space<vmem>>) offsets(%dma_start3A_32 : memref<128xi32, #tpu.memory_space<vmem>>) semaphore(%arg20 : memref<!tpu.dma_semaphore, #tpu.memory_space<semaphore_mem>>)
    %dma_start3A_35 = arith.constant 1 : i32
    %dma_start3A_36 = arith.constant 128 : i32
    %dma_start3A_37 = tpu.memref_slice %arg13[%dma_start3A_36] : memref<1024xf32, #tpu.memory_space<vmem>> -> memref<128xf32, #tpu.memory_space<vmem>>
    %dma_start3A_38 = arith.constant 0 : i32
    %dma_start3A_39 = tpu.memref_slice %arg9[%dma_start3A_35, %dma_start3A_38] : memref<8x128xi32, #tpu.memory_space<vmem>> -> memref<1x128xi32, #tpu.memory_space<vmem>>
    %dma_start3A_40 = tpu.memref_squeeze %dma_start3A_39 : memref<1x128xi32, #tpu.memory_space<vmem>> -> memref<128xi32, #tpu.memory_space<vmem>>
    %dma_start3A_41 = arith.constant 0 : i32
    %dma_start3A_42 = tpu.memref_slice %arg5[%dma_start3A_41] : memref<1000000xf32, #tpu.memory_space<hbm>> -> memref<1000000xf32, #tpu.memory_space<hbm>>
    tpu.enqueue_indirect_dma source(%dma_start3A_42 : memref<1000000xf32, #tpu.memory_space<hbm>>) target(%dma_start3A_37 : memref<128xf32, #tpu.memory_space<vmem>>) offsets(%dma_start3A_40 : memref<128xi32, #tpu.memory_space<vmem>>) semaphore(%arg20 : memref<!tpu.dma_semaphore, #tpu.memory_space<semaphore_mem>>)
    %dma_start3A_43 = arith.constant 2 : i32
    %dma_start3A_44 = arith.constant 256 : i32
    %dma_start3A_45 = tpu.memref_slice %arg13[%dma_start3A_44] : memref<1024xf32, #tpu.memory_space<vmem>> -> memref<128xf32, #tpu.memory_space<vmem>>
    %dma_start3A_46 = arith.constant 0 : i32
    %dma_start3A_47 = tpu.memref_slice %arg9[%dma_start3A_43, %dma_start3A_46] : memref<8x128xi32, #tpu.memory_space<vmem>> -> memref<1x128xi32, #tpu.memory_space<vmem>>
    %dma_start3A_48 = tpu.memref_squeeze %dma_start3A_47 : memref<1x128xi32, #tpu.memory_space<vmem>> -> memref<128xi32, #tpu.memory_space<vmem>>
    %dma_start3A_49 = arith.constant 0 : i32
    %dma_start3A_50 = tpu.memref_slice %arg5[%dma_start3A_49] : memref<1000000xf32, #tpu.memory_space<hbm>> -> memref<1000000xf32, #tpu.memory_space<hbm>>
    tpu.enqueue_indirect_dma source(%dma_start3A_50 : memref<1000000xf32, #tpu.memory_space<hbm>>) target(%dma_start3A_45 : memref<128xf32, #tpu.memory_space<vmem>>) offsets(%dma_start3A_48 : memref<128xi32, #tpu.memory_space<vmem>>) semaphore(%arg20 : memref<!tpu.dma_semaphore, #tpu.memory_space<semaphore_mem>>)
    %dma_start3A_51 = arith.constant 3 : i32
    %dma_start3A_52 = arith.constant 384 : i32
    %dma_start3A_53 = tpu.memref_slice %arg13[%dma_start3A_52] : memref<1024xf32, #tpu.memory_space<vmem>> -> memref<128xf32, #tpu.memory_space<vmem>>
    %dma_start3A_54 = arith.constant 0 : i32
    %dma_start3A_55 = tpu.memref_slice %arg9[%dma_start3A_51, %dma_start3A_54] : memref<8x128xi32, #tpu.memory_space<vmem>> -> memref<1x128xi32, #tpu.memory_space<vmem>>
    %dma_start3A_56 = tpu.memref_squeeze %dma_start3A_55 : memref<1x128xi32, #tpu.memory_space<vmem>> -> memref<128xi32, #tpu.memory_space<vmem>>
    %dma_start3A_57 = arith.constant 0 : i32
    %dma_start3A_58 = tpu.memref_slice %arg5[%dma_start3A_57] : memref<1000000xf32, #tpu.memory_space<hbm>> -> memref<1000000xf32, #tpu.memory_space<hbm>>
    tpu.enqueue_indirect_dma source(%dma_start3A_58 : memref<1000000xf32, #tpu.memory_space<hbm>>) target(%dma_start3A_53 : memref<128xf32, #tpu.memory_space<vmem>>) offsets(%dma_start3A_56 : memref<128xi32, #tpu.memory_space<vmem>>) semaphore(%arg20 : memref<!tpu.dma_semaphore, #tpu.memory_space<semaphore_mem>>)
    %dma_start3A_59 = arith.constant 4 : i32
    %dma_start3A_60 = arith.constant 512 : i32
    %dma_start3A_61 = tpu.memref_slice %arg13[%dma_start3A_60] : memref<1024xf32, #tpu.memory_space<vmem>> -> memref<128xf32, #tpu.memory_space<vmem>>
    %dma_start3A_62 = arith.constant 0 : i32
    %dma_start3A_63 = tpu.memref_slice %arg9[%dma_start3A_59, %dma_start3A_62] : memref<8x128xi32, #tpu.memory_space<vmem>> -> memref<1x128xi32, #tpu.memory_space<vmem>>
    %dma_start3A_64 = tpu.memref_squeeze %dma_start3A_63 : memref<1x128xi32, #tpu.memory_space<vmem>> -> memref<128xi32, #tpu.memory_space<vmem>>
    %dma_start3A_65 = arith.constant 0 : i32
    %dma_start3A_66 = tpu.memref_slice %arg5[%dma_start3A_65] : memref<1000000xf32, #tpu.memory_space<hbm>> -> memref<1000000xf32, #tpu.memory_space<hbm>>
    tpu.enqueue_indirect_dma source(%dma_start3A_66 : memref<1000000xf32, #tpu.memory_space<hbm>>) target(%dma_start3A_61 : memref<128xf32, #tpu.memory_space<vmem>>) offsets(%dma_start3A_64 : memref<128xi32, #tpu.memory_space<vmem>>) semaphore(%arg20 : memref<!tpu.dma_semaphore, #tpu.memory_space<semaphore_mem>>)
    %dma_start3A_67 = arith.constant 5 : i32
    %dma_start3A_68 = arith.constant 640 : i32
    %dma_start3A_69 = tpu.memref_slice %arg13[%dma_start3A_68] : memref<1024xf32, #tpu.memory_space<vmem>> -> memref<128xf32, #tpu.memory_space<vmem>>
    %dma_start3A_70 = arith.constant 0 : i32
    %dma_start3A_71 = tpu.memref_slice %arg9[%dma_start3A_67, %dma_start3A_70] : memref<8x128xi32, #tpu.memory_space<vmem>> -> memref<1x128xi32, #tpu.memory_space<vmem>>
    %dma_start3A_72 = tpu.memref_squeeze %dma_start3A_71 : memref<1x128xi32, #tpu.memory_space<vmem>> -> memref<128xi32, #tpu.memory_space<vmem>>
    %dma_start3A_73 = arith.constant 0 : i32
    %dma_start3A_74 = tpu.memref_slice %arg5[%dma_start3A_73] : memref<1000000xf32, #tpu.memory_space<hbm>> -> memref<1000000xf32, #tpu.memory_space<hbm>>
    tpu.enqueue_indirect_dma source(%dma_start3A_74 : memref<1000000xf32, #tpu.memory_space<hbm>>) target(%dma_start3A_69 : memref<128xf32, #tpu.memory_space<vmem>>) offsets(%dma_start3A_72 : memref<128xi32, #tpu.memory_space<vmem>>) semaphore(%arg20 : memref<!tpu.dma_semaphore, #tpu.memory_space<semaphore_mem>>)
    %dma_start3A_75 = arith.constant 6 : i32
    %dma_start3A_76 = arith.constant 768 : i32
    %dma_start3A_77 = tpu.memref_slice %arg13[%dma_start3A_76] : memref<1024xf32, #tpu.memory_space<vmem>> -> memref<128xf32, #tpu.memory_space<vmem>>
    %dma_start3A_78 = arith.constant 0 : i32
    %dma_start3A_79 = tpu.memref_slice %arg9[%dma_start3A_75, %dma_start3A_78] : memref<8x128xi32, #tpu.memory_space<vmem>> -> memref<1x128xi32, #tpu.memory_space<vmem>>
    %dma_start3A_80 = tpu.memref_squeeze %dma_start3A_79 : memref<1x128xi32, #tpu.memory_space<vmem>> -> memref<128xi32, #tpu.memory_space<vmem>>
    %dma_start3A_81 = arith.constant 0 : i32
    %dma_start3A_82 = tpu.memref_slice %arg5[%dma_start3A_81] : memref<1000000xf32, #tpu.memory_space<hbm>> -> memref<1000000xf32, #tpu.memory_space<hbm>>
    tpu.enqueue_indirect_dma source(%dma_start3A_82 : memref<1000000xf32, #tpu.memory_space<hbm>>) target(%dma_start3A_77 : memref<128xf32, #tpu.memory_space<vmem>>) offsets(%dma_start3A_80 : memref<128xi32, #tpu.memory_space<vmem>>) semaphore(%arg20 : memref<!tpu.dma_semaphore, #tpu.memory_space<semaphore_mem>>)
    %dma_start3A_83 = arith.constant 7 : i32
    %dma_start3A_84 = arith.constant 896 : i32
    %dma_start3A_85 = tpu.memref_slice %arg13[%dma_start3A_84] : memref<1024xf32, #tpu.memory_space<vmem>> -> memref<128xf32, #tpu.memory_space<vmem>>
    %dma_start3A_86 = arith.constant 0 : i32
    %dma_start3A_87 = tpu.memref_slice %arg9[%dma_start3A_83, %dma_start3A_86] : memref<8x128xi32, #tpu.memory_space<vmem>> -> memref<1x128xi32, #tpu.memory_space<vmem>>
    %dma_start3A_88 = tpu.memref_squeeze %dma_start3A_87 : memref<1x128xi32, #tpu.memory_space<vmem>> -> memref<128xi32, #tpu.memory_space<vmem>>
    %dma_start3A_89 = arith.constant 0 : i32
    %dma_start3A_90 = tpu.memref_slice %arg5[%dma_start3A_89] : memref<1000000xf32, #tpu.memory_space<hbm>> -> memref<1000000xf32, #tpu.memory_space<hbm>>
    tpu.enqueue_indirect_dma source(%dma_start3A_90 : memref<1000000xf32, #tpu.memory_space<hbm>>) target(%dma_start3A_85 : memref<128xf32, #tpu.memory_space<vmem>>) offsets(%dma_start3A_88 : memref<128xi32, #tpu.memory_space<vmem>>) semaphore(%arg20 : memref<!tpu.dma_semaphore, #tpu.memory_space<semaphore_mem>>)
    "tpu.region"() ({
      %run_scoped3A_1086 = tpu.sem_alloc : memref<!tpu.dma_semaphore, #tpu.memory_space<semaphore_mem>>
      %dma_start3A_1087 = tpu.memref_slice %arg3[%mul3A_4] : memref<16384xf32, #tpu.memory_space<hbm>> -> memref<1024xf32, #tpu.memory_space<hbm>>
      %dma_start3A_1088 = tpu.memref_slice %arg3[%mul3A_4] : memref<16384xf32, #tpu.memory_space<hbm>> -> memref<1024xf32, #tpu.memory_space<hbm>>
      tpu.enqueue_dma source(%dma_start3A_1088 : memref<1024xf32, #tpu.memory_space<hbm>>) target(%arg14 : memref<1024xf32, #tpu.memory_space<vmem>>) target_semaphore(%run_scoped3A_1086 : memref<!tpu.dma_semaphore, #tpu.memory_space<semaphore_mem>>)
      %dma_wait3A_1089 = tpu.memref_slice %arg3[%mul3A_4] : memref<16384xf32, #tpu.memory_space<hbm>> -> memref<1024xf32, #tpu.memory_space<hbm>>
      %dma_wait3A_1090 = tpu.memref_slice %arg3[%mul3A_4] : memref<16384xf32, #tpu.memory_space<hbm>> -> memref<1024xf32, #tpu.memory_space<hbm>>
      tpu.wait_dma2 semaphore(%run_scoped3A_1086 : memref<!tpu.dma_semaphore, #tpu.memory_space<semaphore_mem>>) src(%dma_wait3A_1090 : memref<1024xf32, #tpu.memory_space<hbm>>) dst(%arg14 : memref<1024xf32, #tpu.memory_space<vmem>>)
      tpu.yield
    }) : () -> ()
    %broadcast_in_dim3A = arith.constant 0.000000e+00 : f32
    %broadcast_in_dim3A_91 = vector.broadcast %broadcast_in_dim3A : f32 to vector<16xf32>
    %broadcast_in_dim3A_92 = arith.constant 7 : i32
    %broadcast_in_dim3A_93 = vector.broadcast %broadcast_in_dim3A_92 : i32 to vector<16xi32>
    %broadcast_in_dim3A_94 = arith.constant 127 : i32
    %broadcast_in_dim3A_95 = vector.broadcast %broadcast_in_dim3A_94 : i32 to vector<16xi32>
    %iota3A = tpu.iota {dimensions = array<i32: 0>} : vector<16xi32>
    %add3A_96 = arith.constant 0 : i32
    %add3A_97 = vector.broadcast %add3A_96 : i32 to vector<16xi32>
    %add3A_98 = arith.addi %iota3A, %add3A_97 : vector<16xi32>
    %iota3A_99 = tpu.iota {dimensions = array<i32: 0>} : vector<16xi32>
    %add3A_100 = arith.constant 16 : i32
    %add3A_101 = vector.broadcast %add3A_100 : i32 to vector<16xi32>
    %add3A_102 = arith.addi %iota3A_99, %add3A_101 : vector<16xi32>
    %iota3A_103 = tpu.iota {dimensions = array<i32: 0>} : vector<16xi32>
    %add3A_104 = arith.constant 32 : i32
    %add3A_105 = vector.broadcast %add3A_104 : i32 to vector<16xi32>
    %add3A_106 = arith.addi %iota3A_103, %add3A_105 : vector<16xi32>
    %iota3A_107 = tpu.iota {dimensions = array<i32: 0>} : vector<16xi32>
    %add3A_108 = arith.constant 48 : i32
    %add3A_109 = vector.broadcast %add3A_108 : i32 to vector<16xi32>
    %add3A_110 = arith.addi %iota3A_107, %add3A_109 : vector<16xi32>
    %scan3A = arith.constant 0 : i32
    %scan3A_111 = arith.constant 0 : i32
    %scan3A_112 = arith.constant 64 : i32
    %scan3A_113 = arith.addi %scan3A_111, %scan3A_112 : i32
    %scan3A_114 = arith.constant 1 : i32
    scf.for %scan3A_1086 = %scan3A_111 to %scan3A_113 step %scan3A_114  : i32 {
      %mul3A_1087 = arith.constant 8 : i32
      %mul3A_1088 = arith.muli %scan3A_1086, %mul3A_1087 : i32
      %get3A_1089 = arith.index_cast %mul3A_1088 : i32 to index
      %get3A_1090 = tpu.vector_load %arg8[%get3A_1089] {strides = array<i32>} : memref<520xi32, #tpu.memory_space<vmem>>, vector<16xi32>,
      %and3A = arith.andi %get3A_1090, %broadcast_in_dim3A_95 : vector<16xi32>
      %sub3A = arith.subi %get3A_1090, %and3A : vector<16xi32>
      %and3A_1091 = arith.andi %get3A_1090, %broadcast_in_dim3A_95 : vector<16xi32>
      %slice3A_1092 = vector.extract_strided_slice %sub3A {offsets = [0], sizes = [1], strides = [1]} : vector<16xi32> to vector<1xi32>
      %squeeze3A_1093 = vector.extract %slice3A_1092[0] : i32 from vector<1xi32>
      %multiple_of3A = tpu.assume_multiple %squeeze3A_1093, 128 : i32
      %dma_start3A_1094 = arith.constant 0 : i32
      %dma_start3A_1095 = arith.constant 0 : i32
      %dma_start3A_1096 = arith.constant 0 : i32
      %dma_start3A_1097 = tpu.memref_slice %arg10[%dma_start3A_1094, %dma_start3A_1095, %dma_start3A_1096] : memref<4x64x128xf32, #tpu.memory_space<vmem>> -> memref<1x64x128xf32, #tpu.memory_space<vmem>>
      %dma_start3A_1098 = tpu.memref_squeeze %dma_start3A_1097 : memref<1x64x128xf32, #tpu.memory_space<vmem>> -> memref<64x128xf32, #tpu.memory_space<vmem>>
      %dma_start3A_1099 = arith.constant 0 : i32
      %dma_start3A_1100 = tpu.memref_slice %arg4[%dma_start3A_1099, %multiple_of3A] : memref<64x1000000xf32, #tpu.memory_space<hbm>> -> memref<64x128xf32, #tpu.memory_space<hbm>>
      %dma_start3A_1101 = arith.constant 0 : i32
      %dma_start3A_1102 = arith.constant 0 : i32
      %dma_start3A_1103 = tpu.memref_slice %arg10[%dma_start3A_1094, %dma_start3A_1101, %dma_start3A_1102] : memref<4x64x128xf32, #tpu.memory_space<vmem>> -> memref<1x64x128xf32, #tpu.memory_space<vmem>>
      %dma_start3A_1104 = tpu.memref_squeeze %dma_start3A_1103 : memref<1x64x128xf32, #tpu.memory_space<vmem>> -> memref<64x128xf32, #tpu.memory_space<vmem>>
      %dma_start3A_1105 = arith.constant 0 : i32
      %dma_start3A_1106 = tpu.memref_slice %arg4[%dma_start3A_1105, %multiple_of3A] : memref<64x1000000xf32, #tpu.memory_space<hbm>> -> memref<64x128xf32, #tpu.memory_space<hbm>>
      tpu.enqueue_dma source(%dma_start3A_1106 : memref<64x128xf32, #tpu.memory_space<hbm>>) target(%dma_start3A_1104 : memref<64x128xf32, #tpu.memory_space<vmem>>) target_semaphore(%arg18 : memref<!tpu.dma_semaphore, #tpu.memory_space<semaphore_mem>>)
      %slice3A_1107 = vector.extract_strided_slice %sub3A {offsets = [1], sizes = [1], strides = [1]} : vector<16xi32> to vector<1xi32>
      %squeeze3A_1108 = vector.extract %slice3A_1107[0] : i32 from vector<1xi32>
      %multiple_of3A_1109 = tpu.assume_multiple %squeeze3A_1108, 128 : i32
      %dma_start3A_1110 = arith.constant 1 : i32
      %dma_start3A_1111 = arith.constant 0 : i32
      %dma_start3A_1112 = arith.constant 0 : i32
      %dma_start3A_1113 = tpu.memref_slice %arg10[%dma_start3A_1110, %dma_start3A_1111, %dma_start3A_1112] : memref<4x64x128xf32, #tpu.memory_space<vmem>> -> memref<1x64x128xf32, #tpu.memory_space<vmem>>
      %dma_start3A_1114 = tpu.memref_squeeze %dma_start3A_1113 : memref<1x64x128xf32, #tpu.memory_space<vmem>> -> memref<64x128xf32, #tpu.memory_space<vmem>>
      %dma_start3A_1115 = arith.constant 0 : i32
      %dma_start3A_1116 = tpu.memref_slice %arg4[%dma_start3A_1115, %multiple_of3A_1109] : memref<64x1000000xf32, #tpu.memory_space<hbm>> -> memref<64x128xf32, #tpu.memory_space<hbm>>
      %dma_start3A_1117 = arith.constant 0 : i32
      %dma_start3A_1118 = arith.constant 0 : i32
      %dma_start3A_1119 = tpu.memref_slice %arg10[%dma_start3A_1110, %dma_start3A_1117, %dma_start3A_1118] : memref<4x64x128xf32, #tpu.memory_space<vmem>> -> memref<1x64x128xf32, #tpu.memory_space<vmem>>
      %dma_start3A_1120 = tpu.memref_squeeze %dma_start3A_1119 : memref<1x64x128xf32, #tpu.memory_space<vmem>> -> memref<64x128xf32, #tpu.memory_space<vmem>>
      %dma_start3A_1121 = arith.constant 0 : i32
      %dma_start3A_1122 = tpu.memref_slice %arg4[%dma_start3A_1121, %multiple_of3A_1109] : memref<64x1000000xf32, #tpu.memory_space<hbm>> -> memref<64x128xf32, #tpu.memory_space<hbm>>
      tpu.enqueue_dma source(%dma_start3A_1122 : memref<64x128xf32, #tpu.memory_space<hbm>>) target(%dma_start3A_1120 : memref<64x128xf32, #tpu.memory_space<vmem>>) target_semaphore(%arg18 : memref<!tpu.dma_semaphore, #tpu.memory_space<semaphore_mem>>)
      %slice3A_1123 = vector.extract_strided_slice %sub3A {offsets = [2], sizes = [1], strides = [1]} : vector<16xi32> to vector<1xi32>
      %squeeze3A_1124 = vector.extract %slice3A_1123[0] : i32 from vector<1xi32>
      %multiple_of3A_1125 = tpu.assume_multiple %squeeze3A_1124, 128 : i32
      %dma_start3A_1126 = arith.constant 2 : i32
      %dma_start3A_1127 = arith.constant 0 : i32
      %dma_start3A_1128 = arith.constant 0 : i32
      %dma_start3A_1129 = tpu.memref_slice %arg10[%dma_start3A_1126, %dma_start3A_1127, %dma_start3A_1128] : memref<4x64x128xf32, #tpu.memory_space<vmem>> -> memref<1x64x128xf32, #tpu.memory_space<vmem>>
      %dma_start3A_1130 = tpu.memref_squeeze %dma_start3A_1129 : memref<1x64x128xf32, #tpu.memory_space<vmem>> -> memref<64x128xf32, #tpu.memory_space<vmem>>
      %dma_start3A_1131 = arith.constant 0 : i32
      %dma_start3A_1132 = tpu.memref_slice %arg4[%dma_start3A_1131, %multiple_of3A_1125] : memref<64x1000000xf32, #tpu.memory_space<hbm>> -> memref<64x128xf32, #tpu.memory_space<hbm>>
      %dma_start3A_1133 = arith.constant 0 : i32
      %dma_start3A_1134 = arith.constant 0 : i32
      %dma_start3A_1135 = tpu.memref_slice %arg10[%dma_start3A_1126, %dma_start3A_1133, %dma_start3A_1134] : memref<4x64x128xf32, #tpu.memory_space<vmem>> -> memref<1x64x128xf32, #tpu.memory_space<vmem>>
      %dma_start3A_1136 = tpu.memref_squeeze %dma_start3A_1135 : memref<1x64x128xf32, #tpu.memory_space<vmem>> -> memref<64x128xf32, #tpu.memory_space<vmem>>
      %dma_start3A_1137 = arith.constant 0 : i32
      %dma_start3A_1138 = tpu.memref_slice %arg4[%dma_start3A_1137, %multiple_of3A_1125] : memref<64x1000000xf32, #tpu.memory_space<hbm>> -> memref<64x128xf32, #tpu.memory_space<hbm>>
      tpu.enqueue_dma source(%dma_start3A_1138 : memref<64x128xf32, #tpu.memory_space<hbm>>) target(%dma_start3A_1136 : memref<64x128xf32, #tpu.memory_space<vmem>>) target_semaphore(%arg18 : memref<!tpu.dma_semaphore, #tpu.memory_space<semaphore_mem>>)
      %slice3A_1139 = vector.extract_strided_slice %sub3A {offsets = [3], sizes = [1], strides = [1]} : vector<16xi32> to vector<1xi32>
      %squeeze3A_1140 = vector.extract %slice3A_1139[0] : i32 from vector<1xi32>
      %multiple_of3A_1141 = tpu.assume_multiple %squeeze3A_1140, 128 : i32
      %dma_start3A_1142 = arith.constant 3 : i32
      %dma_start3A_1143 = arith.constant 0 : i32
      %dma_start3A_1144 = arith.constant 0 : i32
      %dma_start3A_1145 = tpu.memref_slice %arg10[%dma_start3A_1142, %dma_start3A_1143, %dma_start3A_1144] : memref<4x64x128xf32, #tpu.memory_space<vmem>> -> memref<1x64x128xf32, #tpu.memory_space<vmem>>
      %dma_start3A_1146 = tpu.memref_squeeze %dma_start3A_1145 : memref<1x64x128xf32, #tpu.memory_space<vmem>> -> memref<64x128xf32, #tpu.memory_space<vmem>>
      %dma_start3A_1147 = arith.constant 0 : i32
      %dma_start3A_1148 = tpu.memref_slice %arg4[%dma_start3A_1147, %multiple_of3A_1141] : memref<64x1000000xf32, #tpu.memory_space<hbm>> -> memref<64x128xf32, #tpu.memory_space<hbm>>
      %dma_start3A_1149 = arith.constant 0 : i32
      %dma_start3A_1150 = arith.constant 0 : i32
      %dma_start3A_1151 = tpu.memref_slice %arg10[%dma_start3A_1142, %dma_start3A_1149, %dma_start3A_1150] : memref<4x64x128xf32, #tpu.memory_space<vmem>> -> memref<1x64x128xf32, #tpu.memory_space<vmem>>
      %dma_start3A_1152 = tpu.memref_squeeze %dma_start3A_1151 : memref<1x64x128xf32, #tpu.memory_space<vmem>> -> memref<64x128xf32, #tpu.memory_space<vmem>>
      %dma_start3A_1153 = arith.constant 0 : i32
      %dma_start3A_1154 = tpu.memref_slice %arg4[%dma_start3A_1153, %multiple_of3A_1141] : memref<64x1000000xf32, #tpu.memory_space<hbm>> -> memref<64x128xf32, #tpu.memory_space<hbm>>
      tpu.enqueue_dma source(%dma_start3A_1154 : memref<64x128xf32, #tpu.memory_space<hbm>>) target(%dma_start3A_1152 : memref<64x128xf32, #tpu.memory_space<vmem>>) target_semaphore(%arg18 : memref<!tpu.dma_semaphore, #tpu.memory_space<semaphore_mem>>)
      %slice3A_1155 = vector.extract_strided_slice %sub3A {offsets = [4], sizes = [1], strides = [1]} : vector<16xi32> to vector<1xi32>
      %squeeze3A_1156 = vector.extract %slice3A_1155[0] : i32 from vector<1xi32>
      %multiple_of3A_1157 = tpu.assume_multiple %squeeze3A_1156, 128 : i32
      %dma_start3A_1158 = arith.constant 0 : i32
      %dma_start3A_1159 = arith.constant 0 : i32
      %dma_start3A_1160 = arith.constant 0 : i32
      %dma_start3A_1161 = tpu.memref_slice %arg11[%dma_start3A_1158, %dma_start3A_1159, %dma_start3A_1160] : memref<4x64x128xf32, #tpu.memory_space<vmem>> -> memref<1x64x128xf32, #tpu.memory_space<vmem>>
      %dma_start3A_1162 = tpu.memref_squeeze %dma_start3A_1161 : memref<1x64x128xf32, #tpu.memory_space<vmem>> -> memref<64x128xf32, #tpu.memory_space<vmem>>
      %dma_start3A_1163 = arith.constant 0 : i32
      %dma_start3A_1164 = tpu.memref_slice %arg4[%dma_start3A_1163, %multiple_of3A_1157] : memref<64x1000000xf32, #tpu.memory_space<hbm>> -> memref<64x128xf32, #tpu.memory_space<hbm>>
      %dma_start3A_1165 = arith.constant 0 : i32
      %dma_start3A_1166 = arith.constant 0 : i32
      %dma_start3A_1167 = tpu.memref_slice %arg11[%dma_start3A_1158, %dma_start3A_1165, %dma_start3A_1166] : memref<4x64x128xf32, #tpu.memory_space<vmem>> -> memref<1x64x128xf32, #tpu.memory_space<vmem>>
      %dma_start3A_1168 = tpu.memref_squeeze %dma_start3A_1167 : memref<1x64x128xf32, #tpu.memory_space<vmem>> -> memref<64x128xf32, #tpu.memory_space<vmem>>
      %dma_start3A_1169 = arith.constant 0 : i32
      %dma_start3A_1170 = tpu.memref_slice %arg4[%dma_start3A_1169, %multiple_of3A_1157] : memref<64x1000000xf32, #tpu.memory_space<hbm>> -> memref<64x128xf32, #tpu.memory_space<hbm>>
      tpu.enqueue_dma source(%dma_start3A_1170 : memref<64x128xf32, #tpu.memory_space<hbm>>) target(%dma_start3A_1168 : memref<64x128xf32, #tpu.memory_space<vmem>>) target_semaphore(%arg19 : memref<!tpu.dma_semaphore, #tpu.memory_space<semaphore_mem>>)
      %slice3A_1171 = vector.extract_strided_slice %sub3A {offsets = [5], sizes = [1], strides = [1]} : vector<16xi32> to vector<1xi32>
      %squeeze3A_1172 = vector.extract %slice3A_1171[0] : i32 from vector<1xi32>
      %multiple_of3A_1173 = tpu.assume_multiple %squeeze3A_1172, 128 : i32
      %dma_start3A_1174 = arith.constant 1 : i32
      %dma_start3A_1175 = arith.constant 0 : i32
      %dma_start3A_1176 = arith.constant 0 : i32
      %dma_start3A_1177 = tpu.memref_slice %arg11[%dma_start3A_1174, %dma_start3A_1175, %dma_start3A_1176] : memref<4x64x128xf32, #tpu.memory_space<vmem>> -> memref<1x64x128xf32, #tpu.memory_space<vmem>>
      %dma_start3A_1178 = tpu.memref_squeeze %dma_start3A_1177 : memref<1x64x128xf32, #tpu.memory_space<vmem>> -> memref<64x128xf32, #tpu.memory_space<vmem>>
      %dma_start3A_1179 = arith.constant 0 : i32
      %dma_start3A_1180 = tpu.memref_slice %arg4[%dma_start3A_1179, %multiple_of3A_1173] : memref<64x1000000xf32, #tpu.memory_space<hbm>> -> memref<64x128xf32, #tpu.memory_space<hbm>>
      %dma_start3A_1181 = arith.constant 0 : i32
      %dma_start3A_1182 = arith.constant 0 : i32
      %dma_start3A_1183 = tpu.memref_slice %arg11[%dma_start3A_1174, %dma_start3A_1181, %dma_start3A_1182] : memref<4x64x128xf32, #tpu.memory_space<vmem>> -> memref<1x64x128xf32, #tpu.memory_space<vmem>>
      %dma_start3A_1184 = tpu.memref_squeeze %dma_start3A_1183 : memref<1x64x128xf32, #tpu.memory_space<vmem>> -> memref<64x128xf32, #tpu.memory_space<vmem>>
      %dma_start3A_1185 = arith.constant 0 : i32
      %dma_start3A_1186 = tpu.memref_slice %arg4[%dma_start3A_1185, %multiple_of3A_1173] : memref<64x1000000xf32, #tpu.memory_space<hbm>> -> memref<64x128xf32, #tpu.memory_space<hbm>>
      tpu.enqueue_dma source(%dma_start3A_1186 : memref<64x128xf32, #tpu.memory_space<hbm>>) target(%dma_start3A_1184 : memref<64x128xf32, #tpu.memory_space<vmem>>) target_semaphore(%arg19 : memref<!tpu.dma_semaphore, #tpu.memory_space<semaphore_mem>>)
      %slice3A_1187 = vector.extract_strided_slice %sub3A {offsets = [6], sizes = [1], strides = [1]} : vector<16xi32> to vector<1xi32>
      %squeeze3A_1188 = vector.extract %slice3A_1187[0] : i32 from vector<1xi32>
      %multiple_of3A_1189 = tpu.assume_multiple %squeeze3A_1188, 128 : i32
      %dma_start3A_1190 = arith.constant 2 : i32
      %dma_start3A_1191 = arith.constant 0 : i32
      %dma_start3A_1192 = arith.constant 0 : i32
      %dma_start3A_1193 = tpu.memref_slice %arg11[%dma_start3A_1190, %dma_start3A_1191, %dma_start3A_1192] : memref<4x64x128xf32, #tpu.memory_space<vmem>> -> memref<1x64x128xf32, #tpu.memory_space<vmem>>
      %dma_start3A_1194 = tpu.memref_squeeze %dma_start3A_1193 : memref<1x64x128xf32, #tpu.memory_space<vmem>> -> memref<64x128xf32, #tpu.memory_space<vmem>>
      %dma_start3A_1195 = arith.constant 0 : i32
      %dma_start3A_1196 = tpu.memref_slice %arg4[%dma_start3A_1195, %multiple_of3A_1189] : memref<64x1000000xf32, #tpu.memory_space<hbm>> -> memref<64x128xf32, #tpu.memory_space<hbm>>
      %dma_start3A_1197 = arith.constant 0 : i32
      %dma_start3A_1198 = arith.constant 0 : i32
      %dma_start3A_1199 = tpu.memref_slice %arg11[%dma_start3A_1190, %dma_start3A_1197, %dma_start3A_1198] : memref<4x64x128xf32, #tpu.memory_space<vmem>> -> memref<1x64x128xf32, #tpu.memory_space<vmem>>
      %dma_start3A_1200 = tpu.memref_squeeze %dma_start3A_1199 : memref<1x64x128xf32, #tpu.memory_space<vmem>> -> memref<64x128xf32, #tpu.memory_space<vmem>>
      %dma_start3A_1201 = arith.constant 0 : i32
      %dma_start3A_1202 = tpu.memref_slice %arg4[%dma_start3A_1201, %multiple_of3A_1189] : memref<64x1000000xf32, #tpu.memory_space<hbm>> -> memref<64x128xf32, #tpu.memory_space<hbm>>
      tpu.enqueue_dma source(%dma_start3A_1202 : memref<64x128xf32, #tpu.memory_space<hbm>>) target(%dma_start3A_1200 : memref<64x128xf32, #tpu.memory_space<vmem>>) target_semaphore(%arg19 : memref<!tpu.dma_semaphore, #tpu.memory_space<semaphore_mem>>)
      %slice3A_1203 = vector.extract_strided_slice %sub3A {offsets = [7], sizes = [1], strides = [1]} : vector<16xi32> to vector<1xi32>
      %squeeze3A_1204 = vector.extract %slice3A_1203[0] : i32 from vector<1xi32>
      %multiple_of3A_1205 = tpu.assume_multiple %squeeze3A_1204, 128 : i32
      %dma_start3A_1206 = arith.constant 3 : i32
      %dma_start3A_1207 = arith.constant 0 : i32
      %dma_start3A_1208 = arith.constant 0 : i32
      %dma_start3A_1209 = tpu.memref_slice %arg11[%dma_start3A_1206, %dma_start3A_1207, %dma_start3A_1208] : memref<4x64x128xf32, #tpu.memory_space<vmem>> -> memref<1x64x128xf32, #tpu.memory_space<vmem>>
      %dma_start3A_1210 = tpu.memref_squeeze %dma_start3A_1209 : memref<1x64x128xf32, #tpu.memory_space<vmem>> -> memref<64x128xf32, #tpu.memory_space<vmem>>
      %dma_start3A_1211 = arith.constant 0 : i32
      %dma_start3A_1212 = tpu.memref_slice %arg4[%dma_start3A_1211, %multiple_of3A_1205] : memref<64x1000000xf32, #tpu.memory_space<hbm>> -> memref<64x128xf32, #tpu.memory_space<hbm>>
      %dma_start3A_1213 = arith.constant 0 : i32
      %dma_start3A_1214 = arith.constant 0 : i32
      %dma_start3A_1215 = tpu.memref_slice %arg11[%dma_start3A_1206, %dma_start3A_1213, %dma_start3A_1214] : memref<4x64x128xf32, #tpu.memory_space<vmem>> -> memref<1x64x128xf32, #tpu.memory_space<vmem>>
      %dma_start3A_1216 = tpu.memref_squeeze %dma_start3A_1215 : memref<1x64x128xf32, #tpu.memory_space<vmem>> -> memref<64x128xf32, #tpu.memory_space<vmem>>
      %dma_start3A_1217 = arith.constant 0 : i32
      %dma_start3A_1218 = tpu.memref_slice %arg4[%dma_start3A_1217, %multiple_of3A_1205] : memref<64x1000000xf32, #tpu.memory_space<hbm>> -> memref<64x128xf32, #tpu.memory_space<hbm>>
      tpu.enqueue_dma source(%dma_start3A_1218 : memref<64x128xf32, #tpu.memory_space<hbm>>) target(%dma_start3A_1216 : memref<64x128xf32, #tpu.memory_space<vmem>>) target_semaphore(%arg19 : memref<!tpu.dma_semaphore, #tpu.memory_space<semaphore_mem>>)
      %dma_wait3A_1219 = arith.constant 0 : i32
      %dma_wait3A_1220 = arith.constant 0 : i32
      %dma_wait3A_1221 = arith.constant 0 : i32
      %dma_wait3A_1222 = tpu.memref_slice %arg10[%dma_wait3A_1219, %dma_wait3A_1220, %dma_wait3A_1221] : memref<4x64x128xf32, #tpu.memory_space<vmem>> -> memref<1x64x128xf32, #tpu.memory_space<vmem>>
      %dma_wait3A_1223 = tpu.memref_squeeze %dma_wait3A_1222 : memref<1x64x128xf32, #tpu.memory_space<vmem>> -> memref<64x128xf32, #tpu.memory_space<vmem>>
      %dma_wait3A_1224 = arith.constant 0 : i32
      %dma_wait3A_1225 = tpu.memref_slice %arg4[%dma_wait3A_1224, %multiple_of3A] : memref<64x1000000xf32, #tpu.memory_space<hbm>> -> memref<64x128xf32, #tpu.memory_space<hbm>>
      %dma_wait3A_1226 = arith.constant 0 : i32
      %dma_wait3A_1227 = arith.constant 0 : i32
      %dma_wait3A_1228 = tpu.memref_slice %arg10[%dma_wait3A_1219, %dma_wait3A_1226, %dma_wait3A_1227] : memref<4x64x128xf32, #tpu.memory_space<vmem>> -> memref<1x64x128xf32, #tpu.memory_space<vmem>>
      %dma_wait3A_1229 = tpu.memref_squeeze %dma_wait3A_1228 : memref<1x64x128xf32, #tpu.memory_space<vmem>> -> memref<64x128xf32, #tpu.memory_space<vmem>>
      %dma_wait3A_1230 = arith.constant 0 : i32
      %dma_wait3A_1231 = tpu.memref_slice %arg4[%dma_wait3A_1230, %multiple_of3A] : memref<64x1000000xf32, #tpu.memory_space<hbm>> -> memref<64x128xf32, #tpu.memory_space<hbm>>
      tpu.wait_dma2 semaphore(%arg18 : memref<!tpu.dma_semaphore, #tpu.memory_space<semaphore_mem>>) src(%dma_wait3A_1231 : memref<64x128xf32, #tpu.memory_space<hbm>>) dst(%dma_wait3A_1229 : memref<64x128xf32, #tpu.memory_space<vmem>>)
      %dma_wait3A_1232 = arith.constant 1 : i32
      %dma_wait3A_1233 = arith.constant 0 : i32
      %dma_wait3A_1234 = arith.constant 0 : i32
      %dma_wait3A_1235 = tpu.memref_slice %arg10[%dma_wait3A_1232, %dma_wait3A_1233, %dma_wait3A_1234] : memref<4x64x128xf32, #tpu.memory_space<vmem>> -> memref<1x64x128xf32, #tpu.memory_space<vmem>>
      %dma_wait3A_1236 = tpu.memref_squeeze %dma_wait3A_1235 : memref<1x64x128xf32, #tpu.memory_space<vmem>> -> memref<64x128xf32, #tpu.memory_space<vmem>>
      %dma_wait3A_1237 = arith.constant 0 : i32
      %dma_wait3A_1238 = tpu.memref_slice %arg4[%dma_wait3A_1237, %multiple_of3A_1109] : memref<64x1000000xf32, #tpu.memory_space<hbm>> -> memref<64x128xf32, #tpu.memory_space<hbm>>
      %dma_wait3A_1239 = arith.constant 0 : i32
      %dma_wait3A_1240 = arith.constant 0 : i32
      %dma_wait3A_1241 = tpu.memref_slice %arg10[%dma_wait3A_1232, %dma_wait3A_1239, %dma_wait3A_1240] : memref<4x64x128xf32, #tpu.memory_space<vmem>> -> memref<1x64x128xf32, #tpu.memory_space<vmem>>
      %dma_wait3A_1242 = tpu.memref_squeeze %dma_wait3A_1241 : memref<1x64x128xf32, #tpu.memory_space<vmem>> -> memref<64x128xf32, #tpu.memory_space<vmem>>
      %dma_wait3A_1243 = arith.constant 0 : i32
      %dma_wait3A_1244 = tpu.memref_slice %arg4[%dma_wait3A_1243, %multiple_of3A_1109] : memref<64x1000000xf32, #tpu.memory_space<hbm>> -> memref<64x128xf32, #tpu.memory_space<hbm>>
      tpu.wait_dma2 semaphore(%arg18 : memref<!tpu.dma_semaphore, #tpu.memory_space<semaphore_mem>>) src(%dma_wait3A_1244 : memref<64x128xf32, #tpu.memory_space<hbm>>) dst(%dma_wait3A_1242 : memref<64x128xf32, #tpu.memory_space<vmem>>)
      %dma_wait3A_1245 = arith.constant 2 : i32
      %dma_wait3A_1246 = arith.constant 0 : i32
      %dma_wait3A_1247 = arith.constant 0 : i32
      %dma_wait3A_1248 = tpu.memref_slice %arg10[%dma_wait3A_1245, %dma_wait3A_1246, %dma_wait3A_1247] : memref<4x64x128xf32, #tpu.memory_space<vmem>> -> memref<1x64x128xf32, #tpu.memory_space<vmem>>
      %dma_wait3A_1249 = tpu.memref_squeeze %dma_wait3A_1248 : memref<1x64x128xf32, #tpu.memory_space<vmem>> -> memref<64x128xf32, #tpu.memory_space<vmem>>
      %dma_wait3A_1250 = arith.constant 0 : i32
      %dma_wait3A_1251 = tpu.memref_slice %arg4[%dma_wait3A_1250, %multiple_of3A_1125] : memref<64x1000000xf32, #tpu.memory_space<hbm>> -> memref<64x128xf32, #tpu.memory_space<hbm>>
      %dma_wait3A_1252 = arith.constant 0 : i32
      %dma_wait3A_1253 = arith.constant 0 : i32
      %dma_wait3A_1254 = tpu.memref_slice %arg10[%dma_wait3A_1245, %dma_wait3A_1252, %dma_wait3A_1253] : memref<4x64x128xf32, #tpu.memory_space<vmem>> -> memref<1x64x128xf32, #tpu.memory_space<vmem>>
      %dma_wait3A_1255 = tpu.memref_squeeze %dma_wait3A_1254 : memref<1x64x128xf32, #tpu.memory_space<vmem>> -> memref<64x128xf32, #tpu.memory_space<vmem>>
      %dma_wait3A_1256 = arith.constant 0 : i32
      %dma_wait3A_1257 = tpu.memref_slice %arg4[%dma_wait3A_1256, %multiple_of3A_1125] : memref<64x1000000xf32, #tpu.memory_space<hbm>> -> memref<64x128xf32, #tpu.memory_space<hbm>>
      tpu.wait_dma2 semaphore(%arg18 : memref<!tpu.dma_semaphore, #tpu.memory_space<semaphore_mem>>) src(%dma_wait3A_1257 : memref<64x128xf32, #tpu.memory_space<hbm>>) dst(%dma_wait3A_1255 : memref<64x128xf32, #tpu.memory_space<vmem>>)
      %dma_wait3A_1258 = arith.constant 3 : i32
      %dma_wait3A_1259 = arith.constant 0 : i32
      %dma_wait3A_1260 = arith.constant 0 : i32
      %dma_wait3A_1261 = tpu.memref_slice %arg10[%dma_wait3A_1258, %dma_wait3A_1259, %dma_wait3A_1260] : memref<4x64x128xf32, #tpu.memory_space<vmem>> -> memref<1x64x128xf32, #tpu.memory_space<vmem>>
      %dma_wait3A_1262 = tpu.memref_squeeze %dma_wait3A_1261 : memref<1x64x128xf32, #tpu.memory_space<vmem>> -> memref<64x128xf32, #tpu.memory_space<vmem>>
      %dma_wait3A_1263 = arith.constant 0 : i32
      %dma_wait3A_1264 = tpu.memref_slice %arg4[%dma_wait3A_1263, %multiple_of3A_1141] : memref<64x1000000xf32, #tpu.memory_space<hbm>> -> memref<64x128xf32, #tpu.memory_space<hbm>>
      %dma_wait3A_1265 = arith.constant 0 : i32
      %dma_wait3A_1266 = arith.constant 0 : i32
      %dma_wait3A_1267 = tpu.memref_slice %arg10[%dma_wait3A_1258, %dma_wait3A_1265, %dma_wait3A_1266] : memref<4x64x128xf32, #tpu.memory_space<vmem>> -> memref<1x64x128xf32, #tpu.memory_space<vmem>>
      %dma_wait3A_1268 = tpu.memref_squeeze %dma_wait3A_1267 : memref<1x64x128xf32, #tpu.memory_space<vmem>> -> memref<64x128xf32, #tpu.memory_space<vmem>>
      %dma_wait3A_1269 = arith.constant 0 : i32
      %dma_wait3A_1270 = tpu.memref_slice %arg4[%dma_wait3A_1269, %multiple_of3A_1141] : memref<64x1000000xf32, #tpu.memory_space<hbm>> -> memref<64x128xf32, #tpu.memory_space<hbm>>
      tpu.wait_dma2 semaphore(%arg18 : memref<!tpu.dma_semaphore, #tpu.memory_space<semaphore_mem>>) src(%dma_wait3A_1270 : memref<64x128xf32, #tpu.memory_space<hbm>>) dst(%dma_wait3A_1268 : memref<64x128xf32, #tpu.memory_space<vmem>>)
      %convert_element_type3A_1271 = arith.fptosi %broadcast_in_dim3A_91 : vector<16xf32> to vector<16xi32>
      %slice3A_1272 = vector.extract_strided_slice %and3A_1091 {offsets = [0], sizes = [1], strides = [1]} : vector<16xi32> to vector<1xi32>
      %squeeze3A_1273 = vector.extract %slice3A_1272[0] : i32 from vector<1xi32>
      %add3A_1274 = vector.broadcast %squeeze3A_1273 : i32 to vector<16xi32>
      %add3A_1275 = arith.addi %convert_element_type3A_1271, %add3A_1274 : vector<16xi32>
      %convert_element_type3A_1276 = arith.fptosi %broadcast_in_dim3A_91 : vector<16xf32> to vector<16xi32>
      %add3A_1277 = arith.constant 0 : i32
      %add3A_1278 = vector.broadcast %add3A_1277 : i32 to vector<16xi32>
      %add3A_1279 = arith.addi %convert_element_type3A_1276, %add3A_1278 : vector<16xi32>
      %gather3A = tpu.vector_load_idx %arg10[%add3A_1279, %add3A_98, %add3A_1275] : memref<4x64x128xf32, #tpu.memory_space<vmem>>[vector<16xi32>, vector<16xi32>, vector<16xi32>], vector<16xf32>,
      %mul3A_1280 = arith.constant 8 : i32
      %mul3A_1281 = arith.muli %scan3A_1086, %mul3A_1280 : i32
      %add3A_1282 = arith.constant 0 : i32
      %add3A_1283 = arith.addi %mul3A_1281, %add3A_1282 : i32
      %mul3A_1284 = arith.constant 64 : i32
      %mul3A_1285 = arith.muli %add3A_1283, %mul3A_1284 : i32
      %add3A_1286 = arith.constant 0 : i32
      %add3A_1287 = arith.addi %mul3A_1285, %add3A_1286 : i32
      %swap3A_1288 = arith.index_cast %add3A_1287 : i32 to index
      %swap3A_1289 = tpu.vector_load %arg12[%swap3A_1288] {strides = array<i32>} : memref<32768xf32, #tpu.memory_space<vmem>>, vector<16xf32>,
      tpu.vector_store %arg12[%swap3A_1288], %gather3A {strides = array<i32>} : memref<32768xf32, #tpu.memory_space<vmem>>, vector<16xf32>,
      %gather3A_1290 = tpu.vector_load_idx %arg10[%add3A_1279, %add3A_102, %add3A_1275] : memref<4x64x128xf32, #tpu.memory_space<vmem>>[vector<16xi32>, vector<16xi32>, vector<16xi32>], vector<16xf32>,
      %mul3A_1291 = arith.constant 8 : i32
      %mul3A_1292 = arith.muli %scan3A_1086, %mul3A_1291 : i32
      %add3A_1293 = arith.constant 0 : i32
      %add3A_1294 = arith.addi %mul3A_1292, %add3A_1293 : i32
      %mul3A_1295 = arith.constant 64 : i32
      %mul3A_1296 = arith.muli %add3A_1294, %mul3A_1295 : i32
      %add3A_1297 = arith.constant 16 : i32
      %add3A_1298 = arith.addi %mul3A_1296, %add3A_1297 : i32
      %swap3A_1299 = arith.index_cast %add3A_1298 : i32 to index
      %swap3A_1300 = tpu.vector_load %arg12[%swap3A_1299] {strides = array<i32>} : memref<32768xf32, #tpu.memory_space<vmem>>, vector<16xf32>,
      tpu.vector_store %arg12[%swap3A_1299], %gather3A_1290 {strides = array<i32>} : memref<32768xf32, #tpu.memory_space<vmem>>, vector<16xf32>,
      %gather3A_1301 = tpu.vector_load_idx %arg10[%add3A_1279, %add3A_106, %add3A_1275] : memref<4x64x128xf32, #tpu.memory_space<vmem>>[vector<16xi32>, vector<16xi32>, vector<16xi32>], vector<16xf32>,
      %mul3A_1302 = arith.constant 8 : i32
      %mul3A_1303 = arith.muli %scan3A_1086, %mul3A_1302 : i32
      %add3A_1304 = arith.constant 0 : i32
      %add3A_1305 = arith.addi %mul3A_1303, %add3A_1304 : i32
      %mul3A_1306 = arith.constant 64 : i32
      %mul3A_1307 = arith.muli %add3A_1305, %mul3A_1306 : i32
      %add3A_1308 = arith.constant 32 : i32
      %add3A_1309 = arith.addi %mul3A_1307, %add3A_1308 : i32
      %swap3A_1310 = arith.index_cast %add3A_1309 : i32 to index
      %swap3A_1311 = tpu.vector_load %arg12[%swap3A_1310] {strides = array<i32>} : memref<32768xf32, #tpu.memory_space<vmem>>, vector<16xf32>,
      tpu.vector_store %arg12[%swap3A_1310], %gather3A_1301 {strides = array<i32>} : memref<32768xf32, #tpu.memory_space<vmem>>, vector<16xf32>,
      %gather3A_1312 = tpu.vector_load_idx %arg10[%add3A_1279, %add3A_110, %add3A_1275] : memref<4x64x128xf32, #tpu.memory_space<vmem>>[vector<16xi32>, vector<16xi32>, vector<16xi32>], vector<16xf32>,
      %mul3A_1313 = arith.constant 8 : i32
      %mul3A_1314 = arith.muli %scan3A_1086, %mul3A_1313 : i32
      %add3A_1315 = arith.constant 0 : i32
      %add3A_1316 = arith.addi %mul3A_1314, %add3A_1315 : i32
      %mul3A_1317 = arith.constant 64 : i32
      %mul3A_1318 = arith.muli %add3A_1316, %mul3A_1317 : i32
      %add3A_1319 = arith.constant 48 : i32
      %add3A_1320 = arith.addi %mul3A_1318, %add3A_1319 : i32
      %swap3A_1321 = arith.index_cast %add3A_1320 : i32 to index
      %swap3A_1322 = tpu.vector_load %arg12[%swap3A_1321] {strides = array<i32>} : memref<32768xf32, #tpu.memory_space<vmem>>, vector<16xf32>,
      tpu.vector_store %arg12[%swap3A_1321], %gather3A_1312 {strides = array<i32>} : memref<32768xf32, #tpu.memory_space<vmem>>, vector<16xf32>,
      %convert_element_type3A_1323 = arith.fptosi %broadcast_in_dim3A_91 : vector<16xf32> to vector<16xi32>
      %slice3A_1324 = vector.extract_strided_slice %and3A_1091 {offsets = [1], sizes = [1], strides = [1]} : vector<16xi32> to vector<1xi32>
      %squeeze3A_1325 = vector.extract %slice3A_1324[0] : i32 from vector<1xi32>
      %add3A_1326 = vector.broadcast %squeeze3A_1325 : i32 to vector<16xi32>
      %add3A_1327 = arith.addi %convert_element_type3A_1323, %add3A_1326 : vector<16xi32>
      %convert_element_type3A_1328 = arith.fptosi %broadcast_in_dim3A_91 : vector<16xf32> to vector<16xi32>
      %add3A_1329 = arith.constant 1 : i32
      %add3A_1330 = vector.broadcast %add3A_1329 : i32 to vector<16xi32>
      %add3A_1331 = arith.addi %convert_element_type3A_1328, %add3A_1330 : vector<16xi32>
      %gather3A_1332 = tpu.vector_load_idx %arg10[%add3A_1331, %add3A_98, %add3A_1327] : memref<4x64x128xf32, #tpu.memory_space<vmem>>[vector<16xi32>, vector<16xi32>, vector<16xi32>], vector<16xf32>,
      %mul3A_1333 = arith.constant 8 : i32
      %mul3A_1334 = arith.muli %scan3A_1086, %mul3A_1333 : i32
      %add3A_1335 = arith.constant 1 : i32
      %add3A_1336 = arith.addi %mul3A_1334, %add3A_1335 : i32
      %mul3A_1337 = arith.constant 64 : i32
      %mul3A_1338 = arith.muli %add3A_1336, %mul3A_1337 : i32
      %add3A_1339 = arith.constant 0 : i32
      %add3A_1340 = arith.addi %mul3A_1338, %add3A_1339 : i32
      %swap3A_1341 = arith.index_cast %add3A_1340 : i32 to index
      %swap3A_1342 = tpu.vector_load %arg12[%swap3A_1341] {strides = array<i32>} : memref<32768xf32, #tpu.memory_space<vmem>>, vector<16xf32>,
      tpu.vector_store %arg12[%swap3A_1341], %gather3A_1332 {strides = array<i32>} : memref<32768xf32, #tpu.memory_space<vmem>>, vector<16xf32>,
      %gather3A_1343 = tpu.vector_load_idx %arg10[%add3A_1331, %add3A_102, %add3A_1327] : memref<4x64x128xf32, #tpu.memory_space<vmem>>[vector<16xi32>, vector<16xi32>, vector<16xi32>], vector<16xf32>,
      %mul3A_1344 = arith.constant 8 : i32
      %mul3A_1345 = arith.muli %scan3A_1086, %mul3A_1344 : i32
      %add3A_1346 = arith.constant 1 : i32
      %add3A_1347 = arith.addi %mul3A_1345, %add3A_1346 : i32
      %mul3A_1348 = arith.constant 64 : i32
      %mul3A_1349 = arith.muli %add3A_1347, %mul3A_1348 : i32
      %add3A_1350 = arith.constant 16 : i32
      %add3A_1351 = arith.addi %mul3A_1349, %add3A_1350 : i32
      %swap3A_1352 = arith.index_cast %add3A_1351 : i32 to index
      %swap3A_1353 = tpu.vector_load %arg12[%swap3A_1352] {strides = array<i32>} : memref<32768xf32, #tpu.memory_space<vmem>>, vector<16xf32>,
      tpu.vector_store %arg12[%swap3A_1352], %gather3A_1343 {strides = array<i32>} : memref<32768xf32, #tpu.memory_space<vmem>>, vector<16xf32>,
      %gather3A_1354 = tpu.vector_load_idx %arg10[%add3A_1331, %add3A_106, %add3A_1327] : memref<4x64x128xf32, #tpu.memory_space<vmem>>[vector<16xi32>, vector<16xi32>, vector<16xi32>], vector<16xf32>,
      %mul3A_1355 = arith.constant 8 : i32
      %mul3A_1356 = arith.muli %scan3A_1086, %mul3A_1355 : i32
      %add3A_1357 = arith.constant 1 : i32
      %add3A_1358 = arith.addi %mul3A_1356, %add3A_1357 : i32
      %mul3A_1359 = arith.constant 64 : i32
      %mul3A_1360 = arith.muli %add3A_1358, %mul3A_1359 : i32
      %add3A_1361 = arith.constant 32 : i32
      %add3A_1362 = arith.addi %mul3A_1360, %add3A_1361 : i32
      %swap3A_1363 = arith.index_cast %add3A_1362 : i32 to index
      %swap3A_1364 = tpu.vector_load %arg12[%swap3A_1363] {strides = array<i32>} : memref<32768xf32, #tpu.memory_space<vmem>>, vector<16xf32>,
      tpu.vector_store %arg12[%swap3A_1363], %gather3A_1354 {strides = array<i32>} : memref<32768xf32, #tpu.memory_space<vmem>>, vector<16xf32>,
      %gather3A_1365 = tpu.vector_load_idx %arg10[%add3A_1331, %add3A_110, %add3A_1327] : memref<4x64x128xf32, #tpu.memory_space<vmem>>[vector<16xi32>, vector<16xi32>, vector<16xi32>], vector<16xf32>,
      %mul3A_1366 = arith.constant 8 : i32
      %mul3A_1367 = arith.muli %scan3A_1086, %mul3A_1366 : i32
      %add3A_1368 = arith.constant 1 : i32
      %add3A_1369 = arith.addi %mul3A_1367, %add3A_1368 : i32
      %mul3A_1370 = arith.constant 64 : i32
      %mul3A_1371 = arith.muli %add3A_1369, %mul3A_1370 : i32
      %add3A_1372 = arith.constant 48 : i32
      %add3A_1373 = arith.addi %mul3A_1371, %add3A_1372 : i32
      %swap3A_1374 = arith.index_cast %add3A_1373 : i32 to index
      %swap3A_1375 = tpu.vector_load %arg12[%swap3A_1374] {strides = array<i32>} : memref<32768xf32, #tpu.memory_space<vmem>>, vector<16xf32>,
      tpu.vector_store %arg12[%swap3A_1374], %gather3A_1365 {strides = array<i32>} : memref<32768xf32, #tpu.memory_space<vmem>>, vector<16xf32>,
      %convert_element_type3A_1376 = arith.fptosi %broadcast_in_dim3A_91 : vector<16xf32> to vector<16xi32>
      %slice3A_1377 = vector.extract_strided_slice %and3A_1091 {offsets = [2], sizes = [1], strides = [1]} : vector<16xi32> to vector<1xi32>
      %squeeze3A_1378 = vector.extract %slice3A_1377[0] : i32 from vector<1xi32>
      %add3A_1379 = vector.broadcast %squeeze3A_1378 : i32 to vector<16xi32>
      %add3A_1380 = arith.addi %convert_element_type3A_1376, %add3A_1379 : vector<16xi32>
      %convert_element_type3A_1381 = arith.fptosi %broadcast_in_dim3A_91 : vector<16xf32> to vector<16xi32>
      %add3A_1382 = arith.constant 2 : i32
      %add3A_1383 = vector.broadcast %add3A_1382 : i32 to vector<16xi32>
      %add3A_1384 = arith.addi %convert_element_type3A_1381, %add3A_1383 : vector<16xi32>
      %gather3A_1385 = tpu.vector_load_idx %arg10[%add3A_1384, %add3A_98, %add3A_1380] : memref<4x64x128xf32, #tpu.memory_space<vmem>>[vector<16xi32>, vector<16xi32>, vector<16xi32>], vector<16xf32>,
      %mul3A_1386 = arith.constant 8 : i32
      %mul3A_1387 = arith.muli %scan3A_1086, %mul3A_1386 : i32
      %add3A_1388 = arith.constant 2 : i32
      %add3A_1389 = arith.addi %mul3A_1387, %add3A_1388 : i32
      %mul3A_1390 = arith.constant 64 : i32
      %mul3A_1391 = arith.muli %add3A_1389, %mul3A_1390 : i32
      %add3A_1392 = arith.constant 0 : i32
      %add3A_1393 = arith.addi %mul3A_1391, %add3A_1392 : i32
      %swap3A_1394 = arith.index_cast %add3A_1393 : i32 to index
      %swap3A_1395 = tpu.vector_load %arg12[%swap3A_1394] {strides = array<i32>} : memref<32768xf32, #tpu.memory_space<vmem>>, vector<16xf32>,
      tpu.vector_store %arg12[%swap3A_1394], %gather3A_1385 {strides = array<i32>} : memref<32768xf32, #tpu.memory_space<vmem>>, vector<16xf32>,
      %gather3A_1396 = tpu.vector_load_idx %arg10[%add3A_1384, %add3A_102, %add3A_1380] : memref<4x64x128xf32, #tpu.memory_space<vmem>>[vector<16xi32>, vector<16xi32>, vector<16xi32>], vector<16xf32>,
      %mul3A_1397 = arith.constant 8 : i32
      %mul3A_1398 = arith.muli %scan3A_1086, %mul3A_1397 : i32
      %add3A_1399 = arith.constant 2 : i32
      %add3A_1400 = arith.addi %mul3A_1398, %add3A_1399 : i32
      %mul3A_1401 = arith.constant 64 : i32
      %mul3A_1402 = arith.muli %add3A_1400, %mul3A_1401 : i32
      %add3A_1403 = arith.constant 16 : i32
      %add3A_1404 = arith.addi %mul3A_1402, %add3A_1403 : i32
      %swap3A_1405 = arith.index_cast %add3A_1404 : i32 to index
      %swap3A_1406 = tpu.vector_load %arg12[%swap3A_1405] {strides = array<i32>} : memref<32768xf32, #tpu.memory_space<vmem>>, vector<16xf32>,
      tpu.vector_store %arg12[%swap3A_1405], %gather3A_1396 {strides = array<i32>} : memref<32768xf32, #tpu.memory_space<vmem>>, vector<16xf32>,
      %gather3A_1407 = tpu.vector_load_idx %arg10[%add3A_1384, %add3A_106, %add3A_1380] : memref<4x64x128xf32, #tpu.memory_space<vmem>>[vector<16xi32>, vector<16xi32>, vector<16xi32>], vector<16xf32>,
      %mul3A_1408 = arith.constant 8 : i32
      %mul3A_1409 = arith.muli %scan3A_1086, %mul3A_1408 : i32
      %add3A_1410 = arith.constant 2 : i32
      %add3A_1411 = arith.addi %mul3A_1409, %add3A_1410 : i32
      %mul3A_1412 = arith.constant 64 : i32
      %mul3A_1413 = arith.muli %add3A_1411, %mul3A_1412 : i32
      %add3A_1414 = arith.constant 32 : i32
      %add3A_1415 = arith.addi %mul3A_1413, %add3A_1414 : i32
      %swap3A_1416 = arith.index_cast %add3A_1415 : i32 to index
      %swap3A_1417 = tpu.vector_load %arg12[%swap3A_1416] {strides = array<i32>} : memref<32768xf32, #tpu.memory_space<vmem>>, vector<16xf32>,
      tpu.vector_store %arg12[%swap3A_1416], %gather3A_1407 {strides = array<i32>} : memref<32768xf32, #tpu.memory_space<vmem>>, vector<16xf32>,
      %gather3A_1418 = tpu.vector_load_idx %arg10[%add3A_1384, %add3A_110, %add3A_1380] : memref<4x64x128xf32, #tpu.memory_space<vmem>>[vector<16xi32>, vector<16xi32>, vector<16xi32>], vector<16xf32>,
      %mul3A_1419 = arith.constant 8 : i32
      %mul3A_1420 = arith.muli %scan3A_1086, %mul3A_1419 : i32
      %add3A_1421 = arith.constant 2 : i32
      %add3A_1422 = arith.addi %mul3A_1420, %add3A_1421 : i32
      %mul3A_1423 = arith.constant 64 : i32
      %mul3A_1424 = arith.muli %add3A_1422, %mul3A_1423 : i32
      %add3A_1425 = arith.constant 48 : i32
      %add3A_1426 = arith.addi %mul3A_1424, %add3A_1425 : i32
      %swap3A_1427 = arith.index_cast %add3A_1426 : i32 to index
      %swap3A_1428 = tpu.vector_load %arg12[%swap3A_1427] {strides = array<i32>} : memref<32768xf32, #tpu.memory_space<vmem>>, vector<16xf32>,
      tpu.vector_store %arg12[%swap3A_1427], %gather3A_1418 {strides = array<i32>} : memref<32768xf32, #tpu.memory_space<vmem>>, vector<16xf32>,
      %convert_element_type3A_1429 = arith.fptosi %broadcast_in_dim3A_91 : vector<16xf32> to vector<16xi32>
      %slice3A_1430 = vector.extract_strided_slice %and3A_1091 {offsets = [3], sizes = [1], strides = [1]} : vector<16xi32> to vector<1xi32>
      %squeeze3A_1431 = vector.extract %slice3A_1430[0] : i32 from vector<1xi32>
      %add3A_1432 = vector.broadcast %squeeze3A_1431 : i32 to vector<16xi32>
      %add3A_1433 = arith.addi %convert_element_type3A_1429, %add3A_1432 : vector<16xi32>
      %convert_element_type3A_1434 = arith.fptosi %broadcast_in_dim3A_91 : vector<16xf32> to vector<16xi32>
      %add3A_1435 = arith.constant 3 : i32
      %add3A_1436 = vector.broadcast %add3A_1435 : i32 to vector<16xi32>
      %add3A_1437 = arith.addi %convert_element_type3A_1434, %add3A_1436 : vector<16xi32>
      %gather3A_1438 = tpu.vector_load_idx %arg10[%add3A_1437, %add3A_98, %add3A_1433] : memref<4x64x128xf32, #tpu.memory_space<vmem>>[vector<16xi32>, vector<16xi32>, vector<16xi32>], vector<16xf32>,
      %mul3A_1439 = arith.constant 8 : i32
      %mul3A_1440 = arith.muli %scan3A_1086, %mul3A_1439 : i32
      %add3A_1441 = arith.constant 3 : i32
      %add3A_1442 = arith.addi %mul3A_1440, %add3A_1441 : i32
      %mul3A_1443 = arith.constant 64 : i32
      %mul3A_1444 = arith.muli %add3A_1442, %mul3A_1443 : i32
      %add3A_1445 = arith.constant 0 : i32
      %add3A_1446 = arith.addi %mul3A_1444, %add3A_1445 : i32
      %swap3A_1447 = arith.index_cast %add3A_1446 : i32 to index
      %swap3A_1448 = tpu.vector_load %arg12[%swap3A_1447] {strides = array<i32>} : memref<32768xf32, #tpu.memory_space<vmem>>, vector<16xf32>,
      tpu.vector_store %arg12[%swap3A_1447], %gather3A_1438 {strides = array<i32>} : memref<32768xf32, #tpu.memory_space<vmem>>, vector<16xf32>,
      %gather3A_1449 = tpu.vector_load_idx %arg10[%add3A_1437, %add3A_102, %add3A_1433] : memref<4x64x128xf32, #tpu.memory_space<vmem>>[vector<16xi32>, vector<16xi32>, vector<16xi32>], vector<16xf32>,
      %mul3A_1450 = arith.constant 8 : i32
      %mul3A_1451 = arith.muli %scan3A_1086, %mul3A_1450 : i32
      %add3A_1452 = arith.constant 3 : i32
      %add3A_1453 = arith.addi %mul3A_1451, %add3A_1452 : i32
      %mul3A_1454 = arith.constant 64 : i32
      %mul3A_1455 = arith.muli %add3A_1453, %mul3A_1454 : i32
      %add3A_1456 = arith.constant 16 : i32
      %add3A_1457 = arith.addi %mul3A_1455, %add3A_1456 : i32
      %swap3A_1458 = arith.index_cast %add3A_1457 : i32 to index
      %swap3A_1459 = tpu.vector_load %arg12[%swap3A_1458] {strides = array<i32>} : memref<32768xf32, #tpu.memory_space<vmem>>, vector<16xf32>,
      tpu.vector_store %arg12[%swap3A_1458], %gather3A_1449 {strides = array<i32>} : memref<32768xf32, #tpu.memory_space<vmem>>, vector<16xf32>,
      %gather3A_1460 = tpu.vector_load_idx %arg10[%add3A_1437, %add3A_106, %add3A_1433] : memref<4x64x128xf32, #tpu.memory_space<vmem>>[vector<16xi32>, vector<16xi32>, vector<16xi32>], vector<16xf32>,
      %mul3A_1461 = arith.constant 8 : i32
      %mul3A_1462 = arith.muli %scan3A_1086, %mul3A_1461 : i32
      %add3A_1463 = arith.constant 3 : i32
      %add3A_1464 = arith.addi %mul3A_1462, %add3A_1463 : i32
      %mul3A_1465 = arith.constant 64 : i32
      %mul3A_1466 = arith.muli %add3A_1464, %mul3A_1465 : i32
      %add3A_1467 = arith.constant 32 : i32
      %add3A_1468 = arith.addi %mul3A_1466, %add3A_1467 : i32
      %swap3A_1469 = arith.index_cast %add3A_1468 : i32 to index
      %swap3A_1470 = tpu.vector_load %arg12[%swap3A_1469] {strides = array<i32>} : memref<32768xf32, #tpu.memory_space<vmem>>, vector<16xf32>,
      tpu.vector_store %arg12[%swap3A_1469], %gather3A_1460 {strides = array<i32>} : memref<32768xf32, #tpu.memory_space<vmem>>, vector<16xf32>,
      %gather3A_1471 = tpu.vector_load_idx %arg10[%add3A_1437, %add3A_110, %add3A_1433] : memref<4x64x128xf32, #tpu.memory_space<vmem>>[vector<16xi32>, vector<16xi32>, vector<16xi32>], vector<16xf32>,
      %mul3A_1472 = arith.constant 8 : i32
      %mul3A_1473 = arith.muli %scan3A_1086, %mul3A_1472 : i32
      %add3A_1474 = arith.constant 3 : i32
      %add3A_1475 = arith.addi %mul3A_1473, %add3A_1474 : i32
      %mul3A_1476 = arith.constant 64 : i32
      %mul3A_1477 = arith.muli %add3A_1475, %mul3A_1476 : i32
      %add3A_1478 = arith.constant 48 : i32
      %add3A_1479 = arith.addi %mul3A_1477, %add3A_1478 : i32
      %swap3A_1480 = arith.index_cast %add3A_1479 : i32 to index
      %swap3A_1481 = tpu.vector_load %arg12[%swap3A_1480] {strides = array<i32>} : memref<32768xf32, #tpu.memory_space<vmem>>, vector<16xf32>,
      tpu.vector_store %arg12[%swap3A_1480], %gather3A_1471 {strides = array<i32>} : memref<32768xf32, #tpu.memory_space<vmem>>, vector<16xf32>,
      %dma_wait3A_1482 = arith.constant 0 : i32
      %dma_wait3A_1483 = arith.constant 0 : i32
      %dma_wait3A_1484 = arith.constant 0 : i32
      %dma_wait3A_1485 = tpu.memref_slice %arg11[%dma_wait3A_1482, %dma_wait3A_1483, %dma_wait3A_1484] : memref<4x64x128xf32, #tpu.memory_space<vmem>> -> memref<1x64x128xf32, #tpu.memory_space<vmem>>
      %dma_wait3A_1486 = tpu.memref_squeeze %dma_wait3A_1485 : memref<1x64x128xf32, #tpu.memory_space<vmem>> -> memref<64x128xf32, #tpu.memory_space<vmem>>
      %dma_wait3A_1487 = arith.constant 0 : i32
      %dma_wait3A_1488 = tpu.memref_slice %arg4[%dma_wait3A_1487, %multiple_of3A_1157] : memref<64x1000000xf32, #tpu.memory_space<hbm>> -> memref<64x128xf32, #tpu.memory_space<hbm>>
      %dma_wait3A_1489 = arith.constant 0 : i32
      %dma_wait3A_1490 = arith.constant 0 : i32
      %dma_wait3A_1491 = tpu.memref_slice %arg11[%dma_wait3A_1482, %dma_wait3A_1489, %dma_wait3A_1490] : memref<4x64x128xf32, #tpu.memory_space<vmem>> -> memref<1x64x128xf32, #tpu.memory_space<vmem>>
      %dma_wait3A_1492 = tpu.memref_squeeze %dma_wait3A_1491 : memref<1x64x128xf32, #tpu.memory_space<vmem>> -> memref<64x128xf32, #tpu.memory_space<vmem>>
      %dma_wait3A_1493 = arith.constant 0 : i32
      %dma_wait3A_1494 = tpu.memref_slice %arg4[%dma_wait3A_1493, %multiple_of3A_1157] : memref<64x1000000xf32, #tpu.memory_space<hbm>> -> memref<64x128xf32, #tpu.memory_space<hbm>>
      tpu.wait_dma2 semaphore(%arg19 : memref<!tpu.dma_semaphore, #tpu.memory_space<semaphore_mem>>) src(%dma_wait3A_1494 : memref<64x128xf32, #tpu.memory_space<hbm>>) dst(%dma_wait3A_1492 : memref<64x128xf32, #tpu.memory_space<vmem>>)
      %dma_wait3A_1495 = arith.constant 1 : i32
      %dma_wait3A_1496 = arith.constant 0 : i32
      %dma_wait3A_1497 = arith.constant 0 : i32
      %dma_wait3A_1498 = tpu.memref_slice %arg11[%dma_wait3A_1495, %dma_wait3A_1496, %dma_wait3A_1497] : memref<4x64x128xf32, #tpu.memory_space<vmem>> -> memref<1x64x128xf32, #tpu.memory_space<vmem>>
      %dma_wait3A_1499 = tpu.memref_squeeze %dma_wait3A_1498 : memref<1x64x128xf32, #tpu.memory_space<vmem>> -> memref<64x128xf32, #tpu.memory_space<vmem>>
      %dma_wait3A_1500 = arith.constant 0 : i32
      %dma_wait3A_1501 = tpu.memref_slice %arg4[%dma_wait3A_1500, %multiple_of3A_1173] : memref<64x1000000xf32, #tpu.memory_space<hbm>> -> memref<64x128xf32, #tpu.memory_space<hbm>>
      %dma_wait3A_1502 = arith.constant 0 : i32
      %dma_wait3A_1503 = arith.constant 0 : i32
      %dma_wait3A_1504 = tpu.memref_slice %arg11[%dma_wait3A_1495, %dma_wait3A_1502, %dma_wait3A_1503] : memref<4x64x128xf32, #tpu.memory_space<vmem>> -> memref<1x64x128xf32, #tpu.memory_space<vmem>>
      %dma_wait3A_1505 = tpu.memref_squeeze %dma_wait3A_1504 : memref<1x64x128xf32, #tpu.memory_space<vmem>> -> memref<64x128xf32, #tpu.memory_space<vmem>>
      %dma_wait3A_1506 = arith.constant 0 : i32
      %dma_wait3A_1507 = tpu.memref_slice %arg4[%dma_wait3A_1506, %multiple_of3A_1173] : memref<64x1000000xf32, #tpu.memory_space<hbm>> -> memref<64x128xf32, #tpu.memory_space<hbm>>
      tpu.wait_dma2 semaphore(%arg19 : memref<!tpu.dma_semaphore, #tpu.memory_space<semaphore_mem>>) src(%dma_wait3A_1507 : memref<64x128xf32, #tpu.memory_space<hbm>>) dst(%dma_wait3A_1505 : memref<64x128xf32, #tpu.memory_space<vmem>>)
      %dma_wait3A_1508 = arith.constant 2 : i32
      %dma_wait3A_1509 = arith.constant 0 : i32
      %dma_wait3A_1510 = arith.constant 0 : i32
      %dma_wait3A_1511 = tpu.memref_slice %arg11[%dma_wait3A_1508, %dma_wait3A_1509, %dma_wait3A_1510] : memref<4x64x128xf32, #tpu.memory_space<vmem>> -> memref<1x64x128xf32, #tpu.memory_space<vmem>>
      %dma_wait3A_1512 = tpu.memref_squeeze %dma_wait3A_1511 : memref<1x64x128xf32, #tpu.memory_space<vmem>> -> memref<64x128xf32, #tpu.memory_space<vmem>>
      %dma_wait3A_1513 = arith.constant 0 : i32
      %dma_wait3A_1514 = tpu.memref_slice %arg4[%dma_wait3A_1513, %multiple_of3A_1189] : memref<64x1000000xf32, #tpu.memory_space<hbm>> -> memref<64x128xf32, #tpu.memory_space<hbm>>
      %dma_wait3A_1515 = arith.constant 0 : i32
      %dma_wait3A_1516 = arith.constant 0 : i32
      %dma_wait3A_1517 = tpu.memref_slice %arg11[%dma_wait3A_1508, %dma_wait3A_1515, %dma_wait3A_1516] : memref<4x64x128xf32, #tpu.memory_space<vmem>> -> memref<1x64x128xf32, #tpu.memory_space<vmem>>
      %dma_wait3A_1518 = tpu.memref_squeeze %dma_wait3A_1517 : memref<1x64x128xf32, #tpu.memory_space<vmem>> -> memref<64x128xf32, #tpu.memory_space<vmem>>
      %dma_wait3A_1519 = arith.constant 0 : i32
      %dma_wait3A_1520 = tpu.memref_slice %arg4[%dma_wait3A_1519, %multiple_of3A_1189] : memref<64x1000000xf32, #tpu.memory_space<hbm>> -> memref<64x128xf32, #tpu.memory_space<hbm>>
      tpu.wait_dma2 semaphore(%arg19 : memref<!tpu.dma_semaphore, #tpu.memory_space<semaphore_mem>>) src(%dma_wait3A_1520 : memref<64x128xf32, #tpu.memory_space<hbm>>) dst(%dma_wait3A_1518 : memref<64x128xf32, #tpu.memory_space<vmem>>)
      %dma_wait3A_1521 = arith.constant 3 : i32
      %dma_wait3A_1522 = arith.constant 0 : i32
      %dma_wait3A_1523 = arith.constant 0 : i32
      %dma_wait3A_1524 = tpu.memref_slice %arg11[%dma_wait3A_1521, %dma_wait3A_1522, %dma_wait3A_1523] : memref<4x64x128xf32, #tpu.memory_space<vmem>> -> memref<1x64x128xf32, #tpu.memory_space<vmem>>
      %dma_wait3A_1525 = tpu.memref_squeeze %dma_wait3A_1524 : memref<1x64x128xf32, #tpu.memory_space<vmem>> -> memref<64x128xf32, #tpu.memory_space<vmem>>
      %dma_wait3A_1526 = arith.constant 0 : i32
      %dma_wait3A_1527 = tpu.memref_slice %arg4[%dma_wait3A_1526, %multiple_of3A_1205] : memref<64x1000000xf32, #tpu.memory_space<hbm>> -> memref<64x128xf32, #tpu.memory_space<hbm>>
      %dma_wait3A_1528 = arith.constant 0 : i32
      %dma_wait3A_1529 = arith.constant 0 : i32
      %dma_wait3A_1530 = tpu.memref_slice %arg11[%dma_wait3A_1521, %dma_wait3A_1528, %dma_wait3A_1529] : memref<4x64x128xf32, #tpu.memory_space<vmem>> -> memref<1x64x128xf32, #tpu.memory_space<vmem>>
      %dma_wait3A_1531 = tpu.memref_squeeze %dma_wait3A_1530 : memref<1x64x128xf32, #tpu.memory_space<vmem>> -> memref<64x128xf32, #tpu.memory_space<vmem>>
      %dma_wait3A_1532 = arith.constant 0 : i32
      %dma_wait3A_1533 = tpu.memref_slice %arg4[%dma_wait3A_1532, %multiple_of3A_1205] : memref<64x1000000xf32, #tpu.memory_space<hbm>> -> memref<64x128xf32, #tpu.memory_space<hbm>>
      tpu.wait_dma2 semaphore(%arg19 : memref<!tpu.dma_semaphore, #tpu.memory_space<semaphore_mem>>) src(%dma_wait3A_1533 : memref<64x128xf32, #tpu.memory_space<hbm>>) dst(%dma_wait3A_1531 : memref<64x128xf32, #tpu.memory_space<vmem>>)
      %convert_element_type3A_1534 = arith.fptosi %broadcast_in_dim3A_91 : vector<16xf32> to vector<16xi32>
      %slice3A_1535 = vector.extract_strided_slice %and3A_1091 {offsets = [4], sizes = [1], strides = [1]} : vector<16xi32> to vector<1xi32>
      %squeeze3A_1536 = vector.extract %slice3A_1535[0] : i32 from vector<1xi32>
      %add3A_1537 = vector.broadcast %squeeze3A_1536 : i32 to vector<16xi32>
      %add3A_1538 = arith.addi %convert_element_type3A_1534, %add3A_1537 : vector<16xi32>
      %convert_element_type3A_1539 = arith.fptosi %broadcast_in_dim3A_91 : vector<16xf32> to vector<16xi32>
      %add3A_1540 = arith.constant 0 : i32
      %add3A_1541 = vector.broadcast %add3A_1540 : i32 to vector<16xi32>
      %add3A_1542 = arith.addi %convert_element_type3A_1539, %add3A_1541 : vector<16xi32>
      %gather3A_1543 = tpu.vector_load_idx %arg11[%add3A_1542, %add3A_98, %add3A_1538] : memref<4x64x128xf32, #tpu.memory_space<vmem>>[vector<16xi32>, vector<16xi32>, vector<16xi32>], vector<16xf32>,
      %mul3A_1544 = arith.constant 8 : i32
      %mul3A_1545 = arith.muli %scan3A_1086, %mul3A_1544 : i32
      %add3A_1546 = arith.constant 4 : i32
      %add3A_1547 = arith.addi %mul3A_1545, %add3A_1546 : i32
      %mul3A_1548 = arith.constant 64 : i32
      %mul3A_1549 = arith.muli %add3A_1547, %mul3A_1548 : i32
      %add3A_1550 = arith.constant 0 : i32
      %add3A_1551 = arith.addi %mul3A_1549, %add3A_1550 : i32
      %swap3A_1552 = arith.index_cast %add3A_1551 : i32 to index
      %swap3A_1553 = tpu.vector_load %arg12[%swap3A_1552] {strides = array<i32>} : memref<32768xf32, #tpu.memory_space<vmem>>, vector<16xf32>,
      tpu.vector_store %arg12[%swap3A_1552], %gather3A_1543 {strides = array<i32>} : memref<32768xf32, #tpu.memory_space<vmem>>, vector<16xf32>,
      %gather3A_1554 = tpu.vector_load_idx %arg11[%add3A_1542, %add3A_102, %add3A_1538] : memref<4x64x128xf32, #tpu.memory_space<vmem>>[vector<16xi32>, vector<16xi32>, vector<16xi32>], vector<16xf32>,
      %mul3A_1555 = arith.constant 8 : i32
      %mul3A_1556 = arith.muli %scan3A_1086, %mul3A_1555 : i32
      %add3A_1557 = arith.constant 4 : i32
      %add3A_1558 = arith.addi %mul3A_1556, %add3A_1557 : i32
      %mul3A_1559 = arith.constant 64 : i32
      %mul3A_1560 = arith.muli %add3A_1558, %mul3A_1559 : i32
      %add3A_1561 = arith.constant 16 : i32
      %add3A_1562 = arith.addi %mul3A_1560, %add3A_1561 : i32
      %swap3A_1563 = arith.index_cast %add3A_1562 : i32 to index
      %swap3A_1564 = tpu.vector_load %arg12[%swap3A_1563] {strides = array<i32>} : memref<32768xf32, #tpu.memory_space<vmem>>, vector<16xf32>,
      tpu.vector_store %arg12[%swap3A_1563], %gather3A_1554 {strides = array<i32>} : memref<32768xf32, #tpu.memory_space<vmem>>, vector<16xf32>,
      %gather3A_1565 = tpu.vector_load_idx %arg11[%add3A_1542, %add3A_106, %add3A_1538] : memref<4x64x128xf32, #tpu.memory_space<vmem>>[vector<16xi32>, vector<16xi32>, vector<16xi32>], vector<16xf32>,
      %mul3A_1566 = arith.constant 8 : i32
      %mul3A_1567 = arith.muli %scan3A_1086, %mul3A_1566 : i32
      %add3A_1568 = arith.constant 4 : i32
      %add3A_1569 = arith.addi %mul3A_1567, %add3A_1568 : i32
      %mul3A_1570 = arith.constant 64 : i32
      %mul3A_1571 = arith.muli %add3A_1569, %mul3A_1570 : i32
      %add3A_1572 = arith.constant 32 : i32
      %add3A_1573 = arith.addi %mul3A_1571, %add3A_1572 : i32
      %swap3A_1574 = arith.index_cast %add3A_1573 : i32 to index
      %swap3A_1575 = tpu.vector_load %arg12[%swap3A_1574] {strides = array<i32>} : memref<32768xf32, #tpu.memory_space<vmem>>, vector<16xf32>,
      tpu.vector_store %arg12[%swap3A_1574], %gather3A_1565 {strides = array<i32>} : memref<32768xf32, #tpu.memory_space<vmem>>, vector<16xf32>,
      %gather3A_1576 = tpu.vector_load_idx %arg11[%add3A_1542, %add3A_110, %add3A_1538] : memref<4x64x128xf32, #tpu.memory_space<vmem>>[vector<16xi32>, vector<16xi32>, vector<16xi32>], vector<16xf32>,
      %mul3A_1577 = arith.constant 8 : i32
      %mul3A_1578 = arith.muli %scan3A_1086, %mul3A_1577 : i32
      %add3A_1579 = arith.constant 4 : i32
      %add3A_1580 = arith.addi %mul3A_1578, %add3A_1579 : i32
      %mul3A_1581 = arith.constant 64 : i32
      %mul3A_1582 = arith.muli %add3A_1580, %mul3A_1581 : i32
      %add3A_1583 = arith.constant 48 : i32
      %add3A_1584 = arith.addi %mul3A_1582, %add3A_1583 : i32
      %swap3A_1585 = arith.index_cast %add3A_1584 : i32 to index
      %swap3A_1586 = tpu.vector_load %arg12[%swap3A_1585] {strides = array<i32>} : memref<32768xf32, #tpu.memory_space<vmem>>, vector<16xf32>,
      tpu.vector_store %arg12[%swap3A_1585], %gather3A_1576 {strides = array<i32>} : memref<32768xf32, #tpu.memory_space<vmem>>, vector<16xf32>,
      %convert_element_type3A_1587 = arith.fptosi %broadcast_in_dim3A_91 : vector<16xf32> to vector<16xi32>
      %slice3A_1588 = vector.extract_strided_slice %and3A_1091 {offsets = [5], sizes = [1], strides = [1]} : vector<16xi32> to vector<1xi32>
      %squeeze3A_1589 = vector.extract %slice3A_1588[0] : i32 from vector<1xi32>
      %add3A_1590 = vector.broadcast %squeeze3A_1589 : i32 to vector<16xi32>
      %add3A_1591 = arith.addi %convert_element_type3A_1587, %add3A_1590 : vector<16xi32>
      %convert_element_type3A_1592 = arith.fptosi %broadcast_in_dim3A_91 : vector<16xf32> to vector<16xi32>
      %add3A_1593 = arith.constant 1 : i32
      %add3A_1594 = vector.broadcast %add3A_1593 : i32 to vector<16xi32>
      %add3A_1595 = arith.addi %convert_element_type3A_1592, %add3A_1594 : vector<16xi32>
      %gather3A_1596 = tpu.vector_load_idx %arg11[%add3A_1595, %add3A_98, %add3A_1591] : memref<4x64x128xf32, #tpu.memory_space<vmem>>[vector<16xi32>, vector<16xi32>, vector<16xi32>], vector<16xf32>,
      %mul3A_1597 = arith.constant 8 : i32
      %mul3A_1598 = arith.muli %scan3A_1086, %mul3A_1597 : i32
      %add3A_1599 = arith.constant 5 : i32
      %add3A_1600 = arith.addi %mul3A_1598, %add3A_1599 : i32
      %mul3A_1601 = arith.constant 64 : i32
      %mul3A_1602 = arith.muli %add3A_1600, %mul3A_1601 : i32
      %add3A_1603 = arith.constant 0 : i32
      %add3A_1604 = arith.addi %mul3A_1602, %add3A_1603 : i32
      %swap3A_1605 = arith.index_cast %add3A_1604 : i32 to index
      %swap3A_1606 = tpu.vector_load %arg12[%swap3A_1605] {strides = array<i32>} : memref<32768xf32, #tpu.memory_space<vmem>>, vector<16xf32>,
      tpu.vector_store %arg12[%swap3A_1605], %gather3A_1596 {strides = array<i32>} : memref<32768xf32, #tpu.memory_space<vmem>>, vector<16xf32>,
      %gather3A_1607 = tpu.vector_load_idx %arg11[%add3A_1595, %add3A_102, %add3A_1591] : memref<4x64x128xf32, #tpu.memory_space<vmem>>[vector<16xi32>, vector<16xi32>, vector<16xi32>], vector<16xf32>,
      %mul3A_1608 = arith.constant 8 : i32
      %mul3A_1609 = arith.muli %scan3A_1086, %mul3A_1608 : i32
      %add3A_1610 = arith.constant 5 : i32
      %add3A_1611 = arith.addi %mul3A_1609, %add3A_1610 : i32
      %mul3A_1612 = arith.constant 64 : i32
      %mul3A_1613 = arith.muli %add3A_1611, %mul3A_1612 : i32
      %add3A_1614 = arith.constant 16 : i32
      %add3A_1615 = arith.addi %mul3A_1613, %add3A_1614 : i32
      %swap3A_1616 = arith.index_cast %add3A_1615 : i32 to index
      %swap3A_1617 = tpu.vector_load %arg12[%swap3A_1616] {strides = array<i32>} : memref<32768xf32, #tpu.memory_space<vmem>>, vector<16xf32>,
      tpu.vector_store %arg12[%swap3A_1616], %gather3A_1607 {strides = array<i32>} : memref<32768xf32, #tpu.memory_space<vmem>>, vector<16xf32>,
      %gather3A_1618 = tpu.vector_load_idx %arg11[%add3A_1595, %add3A_106, %add3A_1591] : memref<4x64x128xf32, #tpu.memory_space<vmem>>[vector<16xi32>, vector<16xi32>, vector<16xi32>], vector<16xf32>,
      %mul3A_1619 = arith.constant 8 : i32
      %mul3A_1620 = arith.muli %scan3A_1086, %mul3A_1619 : i32
      %add3A_1621 = arith.constant 5 : i32
      %add3A_1622 = arith.addi %mul3A_1620, %add3A_1621 : i32
      %mul3A_1623 = arith.constant 64 : i32
      %mul3A_1624 = arith.muli %add3A_1622, %mul3A_1623 : i32
      %add3A_1625 = arith.constant 32 : i32
      %add3A_1626 = arith.addi %mul3A_1624, %add3A_1625 : i32
      %swap3A_1627 = arith.index_cast %add3A_1626 : i32 to index
      %swap3A_1628 = tpu.vector_load %arg12[%swap3A_1627] {strides = array<i32>} : memref<32768xf32, #tpu.memory_space<vmem>>, vector<16xf32>,
      tpu.vector_store %arg12[%swap3A_1627], %gather3A_1618 {strides = array<i32>} : memref<32768xf32, #tpu.memory_space<vmem>>, vector<16xf32>,
      %gather3A_1629 = tpu.vector_load_idx %arg11[%add3A_1595, %add3A_110, %add3A_1591] : memref<4x64x128xf32, #tpu.memory_space<vmem>>[vector<16xi32>, vector<16xi32>, vector<16xi32>], vector<16xf32>,
      %mul3A_1630 = arith.constant 8 : i32
      %mul3A_1631 = arith.muli %scan3A_1086, %mul3A_1630 : i32
      %add3A_1632 = arith.constant 5 : i32
      %add3A_1633 = arith.addi %mul3A_1631, %add3A_1632 : i32
      %mul3A_1634 = arith.constant 64 : i32
      %mul3A_1635 = arith.muli %add3A_1633, %mul3A_1634 : i32
      %add3A_1636 = arith.constant 48 : i32
      %add3A_1637 = arith.addi %mul3A_1635, %add3A_1636 : i32
      %swap3A_1638 = arith.index_cast %add3A_1637 : i32 to index
      %swap3A_1639 = tpu.vector_load %arg12[%swap3A_1638] {strides = array<i32>} : memref<32768xf32, #tpu.memory_space<vmem>>, vector<16xf32>,
      tpu.vector_store %arg12[%swap3A_1638], %gather3A_1629 {strides = array<i32>} : memref<32768xf32, #tpu.memory_space<vmem>>, vector<16xf32>,
      %convert_element_type3A_1640 = arith.fptosi %broadcast_in_dim3A_91 : vector<16xf32> to vector<16xi32>
      %slice3A_1641 = vector.extract_strided_slice %and3A_1091 {offsets = [6], sizes = [1], strides = [1]} : vector<16xi32> to vector<1xi32>
      %squeeze3A_1642 = vector.extract %slice3A_1641[0] : i32 from vector<1xi32>
      %add3A_1643 = vector.broadcast %squeeze3A_1642 : i32 to vector<16xi32>
      %add3A_1644 = arith.addi %convert_element_type3A_1640, %add3A_1643 : vector<16xi32>
      %convert_element_type3A_1645 = arith.fptosi %broadcast_in_dim3A_91 : vector<16xf32> to vector<16xi32>
      %add3A_1646 = arith.constant 2 : i32
      %add3A_1647 = vector.broadcast %add3A_1646 : i32 to vector<16xi32>
      %add3A_1648 = arith.addi %convert_element_type3A_1645, %add3A_1647 : vector<16xi32>
      %gather3A_1649 = tpu.vector_load_idx %arg11[%add3A_1648, %add3A_98, %add3A_1644] : memref<4x64x128xf32, #tpu.memory_space<vmem>>[vector<16xi32>, vector<16xi32>, vector<16xi32>], vector<16xf32>,
      %mul3A_1650 = arith.constant 8 : i32
      %mul3A_1651 = arith.muli %scan3A_1086, %mul3A_1650 : i32
      %add3A_1652 = arith.constant 6 : i32
      %add3A_1653 = arith.addi %mul3A_1651, %add3A_1652 : i32
      %mul3A_1654 = arith.constant 64 : i32
      %mul3A_1655 = arith.muli %add3A_1653, %mul3A_1654 : i32
      %add3A_1656 = arith.constant 0 : i32
      %add3A_1657 = arith.addi %mul3A_1655, %add3A_1656 : i32
      %swap3A_1658 = arith.index_cast %add3A_1657 : i32 to index
      %swap3A_1659 = tpu.vector_load %arg12[%swap3A_1658] {strides = array<i32>} : memref<32768xf32, #tpu.memory_space<vmem>>, vector<16xf32>,
      tpu.vector_store %arg12[%swap3A_1658], %gather3A_1649 {strides = array<i32>} : memref<32768xf32, #tpu.memory_space<vmem>>, vector<16xf32>,
      %gather3A_1660 = tpu.vector_load_idx %arg11[%add3A_1648, %add3A_102, %add3A_1644] : memref<4x64x128xf32, #tpu.memory_space<vmem>>[vector<16xi32>, vector<16xi32>, vector<16xi32>], vector<16xf32>,
      %mul3A_1661 = arith.constant 8 : i32
      %mul3A_1662 = arith.muli %scan3A_1086, %mul3A_1661 : i32
      %add3A_1663 = arith.constant 6 : i32
      %add3A_1664 = arith.addi %mul3A_1662, %add3A_1663 : i32
      %mul3A_1665 = arith.constant 64 : i32
      %mul3A_1666 = arith.muli %add3A_1664, %mul3A_1665 : i32
      %add3A_1667 = arith.constant 16 : i32
      %add3A_1668 = arith.addi %mul3A_1666, %add3A_1667 : i32
      %swap3A_1669 = arith.index_cast %add3A_1668 : i32 to index
      %swap3A_1670 = tpu.vector_load %arg12[%swap3A_1669] {strides = array<i32>} : memref<32768xf32, #tpu.memory_space<vmem>>, vector<16xf32>,
      tpu.vector_store %arg12[%swap3A_1669], %gather3A_1660 {strides = array<i32>} : memref<32768xf32, #tpu.memory_space<vmem>>, vector<16xf32>,
      %gather3A_1671 = tpu.vector_load_idx %arg11[%add3A_1648, %add3A_106, %add3A_1644] : memref<4x64x128xf32, #tpu.memory_space<vmem>>[vector<16xi32>, vector<16xi32>, vector<16xi32>], vector<16xf32>,
      %mul3A_1672 = arith.constant 8 : i32
      %mul3A_1673 = arith.muli %scan3A_1086, %mul3A_1672 : i32
      %add3A_1674 = arith.constant 6 : i32
      %add3A_1675 = arith.addi %mul3A_1673, %add3A_1674 : i32
      %mul3A_1676 = arith.constant 64 : i32
      %mul3A_1677 = arith.muli %add3A_1675, %mul3A_1676 : i32
      %add3A_1678 = arith.constant 32 : i32
      %add3A_1679 = arith.addi %mul3A_1677, %add3A_1678 : i32
      %swap3A_1680 = arith.index_cast %add3A_1679 : i32 to index
      %swap3A_1681 = tpu.vector_load %arg12[%swap3A_1680] {strides = array<i32>} : memref<32768xf32, #tpu.memory_space<vmem>>, vector<16xf32>,
      tpu.vector_store %arg12[%swap3A_1680], %gather3A_1671 {strides = array<i32>} : memref<32768xf32, #tpu.memory_space<vmem>>, vector<16xf32>,
      %gather3A_1682 = tpu.vector_load_idx %arg11[%add3A_1648, %add3A_110, %add3A_1644] : memref<4x64x128xf32, #tpu.memory_space<vmem>>[vector<16xi32>, vector<16xi32>, vector<16xi32>], vector<16xf32>,
      %mul3A_1683 = arith.constant 8 : i32
      %mul3A_1684 = arith.muli %scan3A_1086, %mul3A_1683 : i32
      %add3A_1685 = arith.constant 6 : i32
      %add3A_1686 = arith.addi %mul3A_1684, %add3A_1685 : i32
      %mul3A_1687 = arith.constant 64 : i32
      %mul3A_1688 = arith.muli %add3A_1686, %mul3A_1687 : i32
      %add3A_1689 = arith.constant 48 : i32
      %add3A_1690 = arith.addi %mul3A_1688, %add3A_1689 : i32
      %swap3A_1691 = arith.index_cast %add3A_1690 : i32 to index
      %swap3A_1692 = tpu.vector_load %arg12[%swap3A_1691] {strides = array<i32>} : memref<32768xf32, #tpu.memory_space<vmem>>, vector<16xf32>,
      tpu.vector_store %arg12[%swap3A_1691], %gather3A_1682 {strides = array<i32>} : memref<32768xf32, #tpu.memory_space<vmem>>, vector<16xf32>,
      %convert_element_type3A_1693 = arith.fptosi %broadcast_in_dim3A_91 : vector<16xf32> to vector<16xi32>
      %slice3A_1694 = vector.extract_strided_slice %and3A_1091 {offsets = [7], sizes = [1], strides = [1]} : vector<16xi32> to vector<1xi32>
      %squeeze3A_1695 = vector.extract %slice3A_1694[0] : i32 from vector<1xi32>
      %add3A_1696 = vector.broadcast %squeeze3A_1695 : i32 to vector<16xi32>
      %add3A_1697 = arith.addi %convert_element_type3A_1693, %add3A_1696 : vector<16xi32>
      %convert_element_type3A_1698 = arith.fptosi %broadcast_in_dim3A_91 : vector<16xf32> to vector<16xi32>
      %add3A_1699 = arith.constant 3 : i32
      %add3A_1700 = vector.broadcast %add3A_1699 : i32 to vector<16xi32>
      %add3A_1701 = arith.addi %convert_element_type3A_1698, %add3A_1700 : vector<16xi32>
      %gather3A_1702 = tpu.vector_load_idx %arg11[%add3A_1701, %add3A_98, %add3A_1697] : memref<4x64x128xf32, #tpu.memory_space<vmem>>[vector<16xi32>, vector<16xi32>, vector<16xi32>], vector<16xf32>,
      %mul3A_1703 = arith.constant 8 : i32
      %mul3A_1704 = arith.muli %scan3A_1086, %mul3A_1703 : i32
      %add3A_1705 = arith.constant 7 : i32
      %add3A_1706 = arith.addi %mul3A_1704, %add3A_1705 : i32
      %mul3A_1707 = arith.constant 64 : i32
      %mul3A_1708 = arith.muli %add3A_1706, %mul3A_1707 : i32
      %add3A_1709 = arith.constant 0 : i32
      %add3A_1710 = arith.addi %mul3A_1708, %add3A_1709 : i32
      %swap3A_1711 = arith.index_cast %add3A_1710 : i32 to index
      %swap3A_1712 = tpu.vector_load %arg12[%swap3A_1711] {strides = array<i32>} : memref<32768xf32, #tpu.memory_space<vmem>>, vector<16xf32>,
      tpu.vector_store %arg12[%swap3A_1711], %gather3A_1702 {strides = array<i32>} : memref<32768xf32, #tpu.memory_space<vmem>>, vector<16xf32>,
      %gather3A_1713 = tpu.vector_load_idx %arg11[%add3A_1701, %add3A_102, %add3A_1697] : memref<4x64x128xf32, #tpu.memory_space<vmem>>[vector<16xi32>, vector<16xi32>, vector<16xi32>], vector<16xf32>,
      %mul3A_1714 = arith.constant 8 : i32
      %mul3A_1715 = arith.muli %scan3A_1086, %mul3A_1714 : i32
      %add3A_1716 = arith.constant 7 : i32
      %add3A_1717 = arith.addi %mul3A_1715, %add3A_1716 : i32
      %mul3A_1718 = arith.constant 64 : i32
      %mul3A_1719 = arith.muli %add3A_1717, %mul3A_1718 : i32
      %add3A_1720 = arith.constant 16 : i32
      %add3A_1721 = arith.addi %mul3A_1719, %add3A_1720 : i32
      %swap3A_1722 = arith.index_cast %add3A_1721 : i32 to index
      %swap3A_1723 = tpu.vector_load %arg12[%swap3A_1722] {strides = array<i32>} : memref<32768xf32, #tpu.memory_space<vmem>>, vector<16xf32>,
      tpu.vector_store %arg12[%swap3A_1722], %gather3A_1713 {strides = array<i32>} : memref<32768xf32, #tpu.memory_space<vmem>>, vector<16xf32>,
      %gather3A_1724 = tpu.vector_load_idx %arg11[%add3A_1701, %add3A_106, %add3A_1697] : memref<4x64x128xf32, #tpu.memory_space<vmem>>[vector<16xi32>, vector<16xi32>, vector<16xi32>], vector<16xf32>,
      %mul3A_1725 = arith.constant 8 : i32
      %mul3A_1726 = arith.muli %scan3A_1086, %mul3A_1725 : i32
      %add3A_1727 = arith.constant 7 : i32
      %add3A_1728 = arith.addi %mul3A_1726, %add3A_1727 : i32
      %mul3A_1729 = arith.constant 64 : i32
      %mul3A_1730 = arith.muli %add3A_1728, %mul3A_1729 : i32
      %add3A_1731 = arith.constant 32 : i32
      %add3A_1732 = arith.addi %mul3A_1730, %add3A_1731 : i32
      %swap3A_1733 = arith.index_cast %add3A_1732 : i32 to index
      %swap3A_1734 = tpu.vector_load %arg12[%swap3A_1733] {strides = array<i32>} : memref<32768xf32, #tpu.memory_space<vmem>>, vector<16xf32>,
      tpu.vector_store %arg12[%swap3A_1733], %gather3A_1724 {strides = array<i32>} : memref<32768xf32, #tpu.memory_space<vmem>>, vector<16xf32>,
      %gather3A_1735 = tpu.vector_load_idx %arg11[%add3A_1701, %add3A_110, %add3A_1697] : memref<4x64x128xf32, #tpu.memory_space<vmem>>[vector<16xi32>, vector<16xi32>, vector<16xi32>], vector<16xf32>,
      %mul3A_1736 = arith.constant 8 : i32
      %mul3A_1737 = arith.muli %scan3A_1086, %mul3A_1736 : i32
      %add3A_1738 = arith.constant 7 : i32
      %add3A_1739 = arith.addi %mul3A_1737, %add3A_1738 : i32
      %mul3A_1740 = arith.constant 64 : i32
      %mul3A_1741 = arith.muli %add3A_1739, %mul3A_1740 : i32
      %add3A_1742 = arith.constant 48 : i32
      %add3A_1743 = arith.addi %mul3A_1741, %add3A_1742 : i32
      %swap3A_1744 = arith.index_cast %add3A_1743 : i32 to index
      %swap3A_1745 = tpu.vector_load %arg12[%swap3A_1744] {strides = array<i32>} : memref<32768xf32, #tpu.memory_space<vmem>>, vector<16xf32>,
      tpu.vector_store %arg12[%swap3A_1744], %gather3A_1735 {strides = array<i32>} : memref<32768xf32, #tpu.memory_space<vmem>>, vector<16xf32>,
      %mul3A_1746 = arith.constant 8 : i32
      %mul3A_1747 = arith.muli %scan3A_1086, %mul3A_1746 : i32
      %mul3A_1748 = arith.constant 64 : i32
      %mul3A_1749 = arith.muli %mul3A_1747, %mul3A_1748 : i32
      %mul3A_1750 = arith.constant 8 : i32
      %mul3A_1751 = arith.muli %scan3A_1086, %mul3A_1750 : i32
      %add3A_1752 = arith.addi %mul3A_2, %mul3A_1751 : i32
      %mul3A_1753 = arith.constant 64 : i32
      %mul3A_1754 = arith.muli %add3A_1752, %mul3A_1753 : i32
      %dma_start3A_1755 = tpu.memref_slice %arg12[%mul3A_1749] : memref<32768xf32, #tpu.memory_space<vmem>> -> memref<512xf32, #tpu.memory_space<vmem>>
      %dma_start3A_1756 = tpu.memref_slice %arg6[%mul3A_1754] : memref<1048576xf32, #tpu.memory_space<hbm>> -> memref<512xf32, #tpu.memory_space<hbm>>
      %dma_start3A_1757 = tpu.memref_slice %arg6[%mul3A_1754] : memref<1048576xf32, #tpu.memory_space<hbm>> -> memref<512xf32, #tpu.memory_space<hbm>>
      %dma_start3A_1758 = tpu.memref_slice %arg12[%mul3A_1749] : memref<32768xf32, #tpu.memory_space<vmem>> -> memref<512xf32, #tpu.memory_space<vmem>>
      tpu.enqueue_dma source(%dma_start3A_1758 : memref<512xf32, #tpu.memory_space<vmem>>) target(%dma_start3A_1757 : memref<512xf32, #tpu.memory_space<hbm>>) target_semaphore(%arg21 : memref<!tpu.dma_semaphore, #tpu.memory_space<semaphore_mem>>)
    }
    %scan3A_115 = arith.constant 64 : i32
    %dma_wait3A = arith.constant 0 : i32
    %dma_wait3A_116 = arith.constant 0 : i32
    %dma_wait3A_117 = tpu.memref_slice %arg13[%dma_wait3A_116] : memref<1024xf32, #tpu.memory_space<vmem>> -> memref<128xf32, #tpu.memory_space<vmem>>
    %dma_wait3A_118 = arith.constant 0 : i32
    %dma_wait3A_119 = tpu.memref_slice %arg9[%dma_wait3A, %dma_wait3A_118] : memref<8x128xi32, #tpu.memory_space<vmem>> -> memref<1x128xi32, #tpu.memory_space<vmem>>
    %dma_wait3A_120 = tpu.memref_squeeze %dma_wait3A_119 : memref<1x128xi32, #tpu.memory_space<vmem>> -> memref<128xi32, #tpu.memory_space<vmem>>
    %dma_wait3A_121 = arith.constant 0 : i32
    %dma_wait3A_122 = tpu.memref_slice %arg5[%dma_wait3A_121] : memref<1000000xf32, #tpu.memory_space<hbm>> -> memref<1000000xf32, #tpu.memory_space<hbm>>
    tpu.wait_indirect_dma semaphore(%arg20 : memref<!tpu.dma_semaphore, #tpu.memory_space<semaphore_mem>>) src(%dma_wait3A_122 : memref<1000000xf32, #tpu.memory_space<hbm>>) dst(%dma_wait3A_117 : memref<128xf32, #tpu.memory_space<vmem>>)
    %dma_wait3A_123 = arith.constant 1 : i32
    %dma_wait3A_124 = arith.constant 128 : i32
    %dma_wait3A_125 = tpu.memref_slice %arg13[%dma_wait3A_124] : memref<1024xf32, #tpu.memory_space<vmem>> -> memref<128xf32, #tpu.memory_space<vmem>>
    %dma_wait3A_126 = arith.constant 0 : i32
    %dma_wait3A_127 = tpu.memref_slice %arg9[%dma_wait3A_123, %dma_wait3A_126] : memref<8x128xi32, #tpu.memory_space<vmem>> -> memref<1x128xi32, #tpu.memory_space<vmem>>
    %dma_wait3A_128 = tpu.memref_squeeze %dma_wait3A_127 : memref<1x128xi32, #tpu.memory_space<vmem>> -> memref<128xi32, #tpu.memory_space<vmem>>
    %dma_wait3A_129 = arith.constant 0 : i32
    %dma_wait3A_130 = tpu.memref_slice %arg5[%dma_wait3A_129] : memref<1000000xf32, #tpu.memory_space<hbm>> -> memref<1000000xf32, #tpu.memory_space<hbm>>
    tpu.wait_indirect_dma semaphore(%arg20 : memref<!tpu.dma_semaphore, #tpu.memory_space<semaphore_mem>>) src(%dma_wait3A_130 : memref<1000000xf32, #tpu.memory_space<hbm>>) dst(%dma_wait3A_125 : memref<128xf32, #tpu.memory_space<vmem>>)
    %dma_wait3A_131 = arith.constant 2 : i32
    %dma_wait3A_132 = arith.constant 256 : i32
    %dma_wait3A_133 = tpu.memref_slice %arg13[%dma_wait3A_132] : memref<1024xf32, #tpu.memory_space<vmem>> -> memref<128xf32, #tpu.memory_space<vmem>>
    %dma_wait3A_134 = arith.constant 0 : i32
    %dma_wait3A_135 = tpu.memref_slice %arg9[%dma_wait3A_131, %dma_wait3A_134] : memref<8x128xi32, #tpu.memory_space<vmem>> -> memref<1x128xi32, #tpu.memory_space<vmem>>
    %dma_wait3A_136 = tpu.memref_squeeze %dma_wait3A_135 : memref<1x128xi32, #tpu.memory_space<vmem>> -> memref<128xi32, #tpu.memory_space<vmem>>
    %dma_wait3A_137 = arith.constant 0 : i32
    %dma_wait3A_138 = tpu.memref_slice %arg5[%dma_wait3A_137] : memref<1000000xf32, #tpu.memory_space<hbm>> -> memref<1000000xf32, #tpu.memory_space<hbm>>
    tpu.wait_indirect_dma semaphore(%arg20 : memref<!tpu.dma_semaphore, #tpu.memory_space<semaphore_mem>>) src(%dma_wait3A_138 : memref<1000000xf32, #tpu.memory_space<hbm>>) dst(%dma_wait3A_133 : memref<128xf32, #tpu.memory_space<vmem>>)
    %dma_wait3A_139 = arith.constant 3 : i32
    %dma_wait3A_140 = arith.constant 384 : i32
    %dma_wait3A_141 = tpu.memref_slice %arg13[%dma_wait3A_140] : memref<1024xf32, #tpu.memory_space<vmem>> -> memref<128xf32, #tpu.memory_space<vmem>>
    %dma_wait3A_142 = arith.constant 0 : i32
    %dma_wait3A_143 = tpu.memref_slice %arg9[%dma_wait3A_139, %dma_wait3A_142] : memref<8x128xi32, #tpu.memory_space<vmem>> -> memref<1x128xi32, #tpu.memory_space<vmem>>
    %dma_wait3A_144 = tpu.memref_squeeze %dma_wait3A_143 : memref<1x128xi32, #tpu.memory_space<vmem>> -> memref<128xi32, #tpu.memory_space<vmem>>
    %dma_wait3A_145 = arith.constant 0 : i32
    %dma_wait3A_146 = tpu.memref_slice %arg5[%dma_wait3A_145] : memref<1000000xf32, #tpu.memory_space<hbm>> -> memref<1000000xf32, #tpu.memory_space<hbm>>
    tpu.wait_indirect_dma semaphore(%arg20 : memref<!tpu.dma_semaphore, #tpu.memory_space<semaphore_mem>>) src(%dma_wait3A_146 : memref<1000000xf32, #tpu.memory_space<hbm>>) dst(%dma_wait3A_141 : memref<128xf32, #tpu.memory_space<vmem>>)
    %dma_wait3A_147 = arith.constant 4 : i32
    %dma_wait3A_148 = arith.constant 512 : i32
    %dma_wait3A_149 = tpu.memref_slice %arg13[%dma_wait3A_148] : memref<1024xf32, #tpu.memory_space<vmem>> -> memref<128xf32, #tpu.memory_space<vmem>>
    %dma_wait3A_150 = arith.constant 0 : i32
    %dma_wait3A_151 = tpu.memref_slice %arg9[%dma_wait3A_147, %dma_wait3A_150] : memref<8x128xi32, #tpu.memory_space<vmem>> -> memref<1x128xi32, #tpu.memory_space<vmem>>
    %dma_wait3A_152 = tpu.memref_squeeze %dma_wait3A_151 : memref<1x128xi32, #tpu.memory_space<vmem>> -> memref<128xi32, #tpu.memory_space<vmem>>
    %dma_wait3A_153 = arith.constant 0 : i32
    %dma_wait3A_154 = tpu.memref_slice %arg5[%dma_wait3A_153] : memref<1000000xf32, #tpu.memory_space<hbm>> -> memref<1000000xf32, #tpu.memory_space<hbm>>
    tpu.wait_indirect_dma semaphore(%arg20 : memref<!tpu.dma_semaphore, #tpu.memory_space<semaphore_mem>>) src(%dma_wait3A_154 : memref<1000000xf32, #tpu.memory_space<hbm>>) dst(%dma_wait3A_149 : memref<128xf32, #tpu.memory_space<vmem>>)
    %dma_wait3A_155 = arith.constant 5 : i32
    %dma_wait3A_156 = arith.constant 640 : i32
    %dma_wait3A_157 = tpu.memref_slice %arg13[%dma_wait3A_156] : memref<1024xf32, #tpu.memory_space<vmem>> -> memref<128xf32, #tpu.memory_space<vmem>>
    %dma_wait3A_158 = arith.constant 0 : i32
    %dma_wait3A_159 = tpu.memref_slice %arg9[%dma_wait3A_155, %dma_wait3A_158] : memref<8x128xi32, #tpu.memory_space<vmem>> -> memref<1x128xi32, #tpu.memory_space<vmem>>
    %dma_wait3A_160 = tpu.memref_squeeze %dma_wait3A_159 : memref<1x128xi32, #tpu.memory_space<vmem>> -> memref<128xi32, #tpu.memory_space<vmem>>
    %dma_wait3A_161 = arith.constant 0 : i32
    %dma_wait3A_162 = tpu.memref_slice %arg5[%dma_wait3A_161] : memref<1000000xf32, #tpu.memory_space<hbm>> -> memref<1000000xf32, #tpu.memory_space<hbm>>
    tpu.wait_indirect_dma semaphore(%arg20 : memref<!tpu.dma_semaphore, #tpu.memory_space<semaphore_mem>>) src(%dma_wait3A_162 : memref<1000000xf32, #tpu.memory_space<hbm>>) dst(%dma_wait3A_157 : memref<128xf32, #tpu.memory_space<vmem>>)
    %dma_wait3A_163 = arith.constant 6 : i32
    %dma_wait3A_164 = arith.constant 768 : i32
    %dma_wait3A_165 = tpu.memref_slice %arg13[%dma_wait3A_164] : memref<1024xf32, #tpu.memory_space<vmem>> -> memref<128xf32, #tpu.memory_space<vmem>>
    %dma_wait3A_166 = arith.constant 0 : i32
    %dma_wait3A_167 = tpu.memref_slice %arg9[%dma_wait3A_163, %dma_wait3A_166] : memref<8x128xi32, #tpu.memory_space<vmem>> -> memref<1x128xi32, #tpu.memory_space<vmem>>
    %dma_wait3A_168 = tpu.memref_squeeze %dma_wait3A_167 : memref<1x128xi32, #tpu.memory_space<vmem>> -> memref<128xi32, #tpu.memory_space<vmem>>
    %dma_wait3A_169 = arith.constant 0 : i32
    %dma_wait3A_170 = tpu.memref_slice %arg5[%dma_wait3A_169] : memref<1000000xf32, #tpu.memory_space<hbm>> -> memref<1000000xf32, #tpu.memory_space<hbm>>
    tpu.wait_indirect_dma semaphore(%arg20 : memref<!tpu.dma_semaphore, #tpu.memory_space<semaphore_mem>>) src(%dma_wait3A_170 : memref<1000000xf32, #tpu.memory_space<hbm>>) dst(%dma_wait3A_165 : memref<128xf32, #tpu.memory_space<vmem>>)
    %dma_wait3A_171 = arith.constant 7 : i32
    %dma_wait3A_172 = arith.constant 896 : i32
    %dma_wait3A_173 = tpu.memref_slice %arg13[%dma_wait3A_172] : memref<1024xf32, #tpu.memory_space<vmem>> -> memref<128xf32, #tpu.memory_space<vmem>>
    %dma_wait3A_174 = arith.constant 0 : i32
    %dma_wait3A_175 = tpu.memref_slice %arg9[%dma_wait3A_171, %dma_wait3A_174] : memref<8x128xi32, #tpu.memory_space<vmem>> -> memref<1x128xi32, #tpu.memory_space<vmem>>
    %dma_wait3A_176 = tpu.memref_squeeze %dma_wait3A_175 : memref<1x128xi32, #tpu.memory_space<vmem>> -> memref<128xi32, #tpu.memory_space<vmem>>
    %dma_wait3A_177 = arith.constant 0 : i32
    %dma_wait3A_178 = tpu.memref_slice %arg5[%dma_wait3A_177] : memref<1000000xf32, #tpu.memory_space<hbm>> -> memref<1000000xf32, #tpu.memory_space<hbm>>
    tpu.wait_indirect_dma semaphore(%arg20 : memref<!tpu.dma_semaphore, #tpu.memory_space<semaphore_mem>>) src(%dma_wait3A_178 : memref<1000000xf32, #tpu.memory_space<hbm>>) dst(%dma_wait3A_173 : memref<128xf32, #tpu.memory_space<vmem>>)
    %broadcast_in_dim3A_179 = arith.constant 1.000000e+00 : f32
    %broadcast_in_dim3A_180 = vector.broadcast %broadcast_in_dim3A_179 : f32 to vector<16xf32>
    %get3A = arith.constant 0 : index
    %get3A_181 = tpu.vector_load %arg14[%get3A] {strides = array<i32>} : memref<1024xf32, #tpu.memory_space<vmem>>, vector<16xf32>,
    %get3A_182 = arith.constant 0 : index
    %get3A_183 = tpu.vector_load %arg13[%get3A_182] {strides = array<i32>} : memref<1024xf32, #tpu.memory_space<vmem>>, vector<16xf32>,
    %gt3A = arith.cmpf ogt, %get3A_181, %get3A_183 : vector<16xf32>
    %select_n3A = arith.select %gt3A, %broadcast_in_dim3A_180, %broadcast_in_dim3A_91 : vector<16xi1>, vector<16xf32>
    %add3A_184 = arith.addf %broadcast_in_dim3A_91, %select_n3A : vector<16xf32>
    %get3A_185 = arith.constant 16 : index
    %get3A_186 = tpu.vector_load %arg14[%get3A_185] {strides = array<i32>} : memref<1024xf32, #tpu.memory_space<vmem>>, vector<16xf32>,
    %get3A_187 = arith.constant 16 : index
    %get3A_188 = tpu.vector_load %arg13[%get3A_187] {strides = array<i32>} : memref<1024xf32, #tpu.memory_space<vmem>>, vector<16xf32>,
    %gt3A_189 = arith.cmpf ogt, %get3A_186, %get3A_188 : vector<16xf32>
    %select_n3A_190 = arith.select %gt3A_189, %broadcast_in_dim3A_180, %broadcast_in_dim3A_91 : vector<16xi1>, vector<16xf32>
    %add3A_191 = arith.addf %add3A_184, %select_n3A_190 : vector<16xf32>
    %get3A_192 = arith.constant 32 : index
    %get3A_193 = tpu.vector_load %arg14[%get3A_192] {strides = array<i32>} : memref<1024xf32, #tpu.memory_space<vmem>>, vector<16xf32>,
    %get3A_194 = arith.constant 32 : index
    %get3A_195 = tpu.vector_load %arg13[%get3A_194] {strides = array<i32>} : memref<1024xf32, #tpu.memory_space<vmem>>, vector<16xf32>,
    %gt3A_196 = arith.cmpf ogt, %get3A_193, %get3A_195 : vector<16xf32>
    %select_n3A_197 = arith.select %gt3A_196, %broadcast_in_dim3A_180, %broadcast_in_dim3A_91 : vector<16xi1>, vector<16xf32>
    %add3A_198 = arith.addf %add3A_191, %select_n3A_197 : vector<16xf32>
    %get3A_199 = arith.constant 48 : index
    %get3A_200 = tpu.vector_load %arg14[%get3A_199] {strides = array<i32>} : memref<1024xf32, #tpu.memory_space<vmem>>, vector<16xf32>,
    %get3A_201 = arith.constant 48 : index
    %get3A_202 = tpu.vector_load %arg13[%get3A_201] {strides = array<i32>} : memref<1024xf32, #tpu.memory_space<vmem>>, vector<16xf32>,
    %gt3A_203 = arith.cmpf ogt, %get3A_200, %get3A_202 : vector<16xf32>
    %select_n3A_204 = arith.select %gt3A_203, %broadcast_in_dim3A_180, %broadcast_in_dim3A_91 : vector<16xi1>, vector<16xf32>
    %add3A_205 = arith.addf %add3A_198, %select_n3A_204 : vector<16xf32>
    %get3A_206 = arith.constant 64 : index
    %get3A_207 = tpu.vector_load %arg14[%get3A_206] {strides = array<i32>} : memref<1024xf32, #tpu.memory_space<vmem>>, vector<16xf32>,
    %get3A_208 = arith.constant 64 : index
    %get3A_209 = tpu.vector_load %arg13[%get3A_208] {strides = array<i32>} : memref<1024xf32, #tpu.memory_space<vmem>>, vector<16xf32>,
    %gt3A_210 = arith.cmpf ogt, %get3A_207, %get3A_209 : vector<16xf32>
    %select_n3A_211 = arith.select %gt3A_210, %broadcast_in_dim3A_180, %broadcast_in_dim3A_91 : vector<16xi1>, vector<16xf32>
    %add3A_212 = arith.addf %add3A_205, %select_n3A_211 : vector<16xf32>
    %get3A_213 = arith.constant 80 : index
    %get3A_214 = tpu.vector_load %arg14[%get3A_213] {strides = array<i32>} : memref<1024xf32, #tpu.memory_space<vmem>>, vector<16xf32>,
    %get3A_215 = arith.constant 80 : index
    %get3A_216 = tpu.vector_load %arg13[%get3A_215] {strides = array<i32>} : memref<1024xf32, #tpu.memory_space<vmem>>, vector<16xf32>,
    %gt3A_217 = arith.cmpf ogt, %get3A_214, %get3A_216 : vector<16xf32>
    %select_n3A_218 = arith.select %gt3A_217, %broadcast_in_dim3A_180, %broadcast_in_dim3A_91 : vector<16xi1>, vector<16xf32>
    %add3A_219 = arith.addf %add3A_212, %select_n3A_218 : vector<16xf32>
    %get3A_220 = arith.constant 96 : index
    %get3A_221 = tpu.vector_load %arg14[%get3A_220] {strides = array<i32>} : memref<1024xf32, #tpu.memory_space<vmem>>, vector<16xf32>,
    %get3A_222 = arith.constant 96 : index
    %get3A_223 = tpu.vector_load %arg13[%get3A_222] {strides = array<i32>} : memref<1024xf32, #tpu.memory_space<vmem>>, vector<16xf32>,
    %gt3A_224 = arith.cmpf ogt, %get3A_221, %get3A_223 : vector<16xf32>
    %select_n3A_225 = arith.select %gt3A_224, %broadcast_in_dim3A_180, %broadcast_in_dim3A_91 : vector<16xi1>, vector<16xf32>
    %add3A_226 = arith.addf %add3A_219, %select_n3A_225 : vector<16xf32>
    %get3A_227 = arith.constant 112 : index
    %get3A_228 = tpu.vector_load %arg14[%get3A_227] {strides = array<i32>} : memref<1024xf32, #tpu.memory_space<vmem>>, vector<16xf32>,
    %get3A_229 = arith.constant 112 : index
    %get3A_230 = tpu.vector_load %arg13[%get3A_229] {strides = array<i32>} : memref<1024xf32, #tpu.memory_space<vmem>>, vector<16xf32>,
    %gt3A_231 = arith.cmpf ogt, %get3A_228, %get3A_230 : vector<16xf32>
    %select_n3A_232 = arith.select %gt3A_231, %broadcast_in_dim3A_180, %broadcast_in_dim3A_91 : vector<16xi1>, vector<16xf32>
    %add3A_233 = arith.addf %add3A_226, %select_n3A_232 : vector<16xf32>
    %get3A_234 = arith.constant 128 : index
    %get3A_235 = tpu.vector_load %arg14[%get3A_234] {strides = array<i32>} : memref<1024xf32, #tpu.memory_space<vmem>>, vector<16xf32>,
    %get3A_236 = arith.constant 128 : index
    %get3A_237 = tpu.vector_load %arg13[%get3A_236] {strides = array<i32>} : memref<1024xf32, #tpu.memory_space<vmem>>, vector<16xf32>,
    %gt3A_238 = arith.cmpf ogt, %get3A_235, %get3A_237 : vector<16xf32>
    %select_n3A_239 = arith.select %gt3A_238, %broadcast_in_dim3A_180, %broadcast_in_dim3A_91 : vector<16xi1>, vector<16xf32>
    %add3A_240 = arith.addf %add3A_233, %select_n3A_239 : vector<16xf32>
    %get3A_241 = arith.constant 144 : index
    %get3A_242 = tpu.vector_load %arg14[%get3A_241] {strides = array<i32>} : memref<1024xf32, #tpu.memory_space<vmem>>, vector<16xf32>,
    %get3A_243 = arith.constant 144 : index
    %get3A_244 = tpu.vector_load %arg13[%get3A_243] {strides = array<i32>} : memref<1024xf32, #tpu.memory_space<vmem>>, vector<16xf32>,
    %gt3A_245 = arith.cmpf ogt, %get3A_242, %get3A_244 : vector<16xf32>
    %select_n3A_246 = arith.select %gt3A_245, %broadcast_in_dim3A_180, %broadcast_in_dim3A_91 : vector<16xi1>, vector<16xf32>
    %add3A_247 = arith.addf %add3A_240, %select_n3A_246 : vector<16xf32>
    %get3A_248 = arith.constant 160 : index
    %get3A_249 = tpu.vector_load %arg14[%get3A_248] {strides = array<i32>} : memref<1024xf32, #tpu.memory_space<vmem>>, vector<16xf32>,
    %get3A_250 = arith.constant 160 : index
    %get3A_251 = tpu.vector_load %arg13[%get3A_250] {strides = array<i32>} : memref<1024xf32, #tpu.memory_space<vmem>>, vector<16xf32>,
    %gt3A_252 = arith.cmpf ogt, %get3A_249, %get3A_251 : vector<16xf32>
    %select_n3A_253 = arith.select %gt3A_252, %broadcast_in_dim3A_180, %broadcast_in_dim3A_91 : vector<16xi1>, vector<16xf32>
    %add3A_254 = arith.addf %add3A_247, %select_n3A_253 : vector<16xf32>
    %get3A_255 = arith.constant 176 : index
    %get3A_256 = tpu.vector_load %arg14[%get3A_255] {strides = array<i32>} : memref<1024xf32, #tpu.memory_space<vmem>>, vector<16xf32>,
    %get3A_257 = arith.constant 176 : index
    %get3A_258 = tpu.vector_load %arg13[%get3A_257] {strides = array<i32>} : memref<1024xf32, #tpu.memory_space<vmem>>, vector<16xf32>,
    %gt3A_259 = arith.cmpf ogt, %get3A_256, %get3A_258 : vector<16xf32>
    %select_n3A_260 = arith.select %gt3A_259, %broadcast_in_dim3A_180, %broadcast_in_dim3A_91 : vector<16xi1>, vector<16xf32>
    %add3A_261 = arith.addf %add3A_254, %select_n3A_260 : vector<16xf32>
    %get3A_262 = arith.constant 192 : index
    %get3A_263 = tpu.vector_load %arg14[%get3A_262] {strides = array<i32>} : memref<1024xf32, #tpu.memory_space<vmem>>, vector<16xf32>,
    %get3A_264 = arith.constant 192 : index
    %get3A_265 = tpu.vector_load %arg13[%get3A_264] {strides = array<i32>} : memref<1024xf32, #tpu.memory_space<vmem>>, vector<16xf32>,
    %gt3A_266 = arith.cmpf ogt, %get3A_263, %get3A_265 : vector<16xf32>
    %select_n3A_267 = arith.select %gt3A_266, %broadcast_in_dim3A_180, %broadcast_in_dim3A_91 : vector<16xi1>, vector<16xf32>
    %add3A_268 = arith.addf %add3A_261, %select_n3A_267 : vector<16xf32>
    %get3A_269 = arith.constant 208 : index
    %get3A_270 = tpu.vector_load %arg14[%get3A_269] {strides = array<i32>} : memref<1024xf32, #tpu.memory_space<vmem>>, vector<16xf32>,
    %get3A_271 = arith.constant 208 : index
    %get3A_272 = tpu.vector_load %arg13[%get3A_271] {strides = array<i32>} : memref<1024xf32, #tpu.memory_space<vmem>>, vector<16xf32>,
    %gt3A_273 = arith.cmpf ogt, %get3A_270, %get3A_272 : vector<16xf32>
    %select_n3A_274 = arith.select %gt3A_273, %broadcast_in_dim3A_180, %broadcast_in_dim3A_91 : vector<16xi1>, vector<16xf32>
    %add3A_275 = arith.addf %add3A_268, %select_n3A_274 : vector<16xf32>
    %get3A_276 = arith.constant 224 : index
    %get3A_277 = tpu.vector_load %arg14[%get3A_276] {strides = array<i32>} : memref<1024xf32, #tpu.memory_space<vmem>>, vector<16xf32>,
    %get3A_278 = arith.constant 224 : index
    %get3A_279 = tpu.vector_load %arg13[%get3A_278] {strides = array<i32>} : memref<1024xf32, #tpu.memory_space<vmem>>, vector<16xf32>,
    %gt3A_280 = arith.cmpf ogt, %get3A_277, %get3A_279 : vector<16xf32>
    %select_n3A_281 = arith.select %gt3A_280, %broadcast_in_dim3A_180, %broadcast_in_dim3A_91 : vector<16xi1>, vector<16xf32>
    %add3A_282 = arith.addf %add3A_275, %select_n3A_281 : vector<16xf32>
    %get3A_283 = arith.constant 240 : index
    %get3A_284 = tpu.vector_load %arg14[%get3A_283] {strides = array<i32>} : memref<1024xf32, #tpu.memory_space<vmem>>, vector<16xf32>,
    %get3A_285 = arith.constant 240 : index
    %get3A_286 = tpu.vector_load %arg13[%get3A_285] {strides = array<i32>} : memref<1024xf32, #tpu.memory_space<vmem>>, vector<16xf32>,
    %gt3A_287 = arith.cmpf ogt, %get3A_284, %get3A_286 : vector<16xf32>
    %select_n3A_288 = arith.select %gt3A_287, %broadcast_in_dim3A_180, %broadcast_in_dim3A_91 : vector<16xi1>, vector<16xf32>
    %add3A_289 = arith.addf %add3A_282, %select_n3A_288 : vector<16xf32>
    %get3A_290 = arith.constant 256 : index
    %get3A_291 = tpu.vector_load %arg14[%get3A_290] {strides = array<i32>} : memref<1024xf32, #tpu.memory_space<vmem>>, vector<16xf32>,
    %get3A_292 = arith.constant 256 : index
    %get3A_293 = tpu.vector_load %arg13[%get3A_292] {strides = array<i32>} : memref<1024xf32, #tpu.memory_space<vmem>>, vector<16xf32>,
    %gt3A_294 = arith.cmpf ogt, %get3A_291, %get3A_293 : vector<16xf32>
    %select_n3A_295 = arith.select %gt3A_294, %broadcast_in_dim3A_180, %broadcast_in_dim3A_91 : vector<16xi1>, vector<16xf32>
    %add3A_296 = arith.addf %add3A_289, %select_n3A_295 : vector<16xf32>
    %get3A_297 = arith.constant 272 : index
    %get3A_298 = tpu.vector_load %arg14[%get3A_297] {strides = array<i32>} : memref<1024xf32, #tpu.memory_space<vmem>>, vector<16xf32>,
    %get3A_299 = arith.constant 272 : index
    %get3A_300 = tpu.vector_load %arg13[%get3A_299] {strides = array<i32>} : memref<1024xf32, #tpu.memory_space<vmem>>, vector<16xf32>,
    %gt3A_301 = arith.cmpf ogt, %get3A_298, %get3A_300 : vector<16xf32>
    %select_n3A_302 = arith.select %gt3A_301, %broadcast_in_dim3A_180, %broadcast_in_dim3A_91 : vector<16xi1>, vector<16xf32>
    %add3A_303 = arith.addf %add3A_296, %select_n3A_302 : vector<16xf32>
    %get3A_304 = arith.constant 288 : index
    %get3A_305 = tpu.vector_load %arg14[%get3A_304] {strides = array<i32>} : memref<1024xf32, #tpu.memory_space<vmem>>, vector<16xf32>,
    %get3A_306 = arith.constant 288 : index
    %get3A_307 = tpu.vector_load %arg13[%get3A_306] {strides = array<i32>} : memref<1024xf32, #tpu.memory_space<vmem>>, vector<16xf32>,
    %gt3A_308 = arith.cmpf ogt, %get3A_305, %get3A_307 : vector<16xf32>
    %select_n3A_309 = arith.select %gt3A_308, %broadcast_in_dim3A_180, %broadcast_in_dim3A_91 : vector<16xi1>, vector<16xf32>
    %add3A_310 = arith.addf %add3A_303, %select_n3A_309 : vector<16xf32>
    %get3A_311 = arith.constant 304 : index
    %get3A_312 = tpu.vector_load %arg14[%get3A_311] {strides = array<i32>} : memref<1024xf32, #tpu.memory_space<vmem>>, vector<16xf32>,
    %get3A_313 = arith.constant 304 : index
    %get3A_314 = tpu.vector_load %arg13[%get3A_313] {strides = array<i32>} : memref<1024xf32, #tpu.memory_space<vmem>>, vector<16xf32>,
    %gt3A_315 = arith.cmpf ogt, %get3A_312, %get3A_314 : vector<16xf32>
    %select_n3A_316 = arith.select %gt3A_315, %broadcast_in_dim3A_180, %broadcast_in_dim3A_91 : vector<16xi1>, vector<16xf32>
    %add3A_317 = arith.addf %add3A_310, %select_n3A_316 : vector<16xf32>
    %get3A_318 = arith.constant 320 : index
    %get3A_319 = tpu.vector_load %arg14[%get3A_318] {strides = array<i32>} : memref<1024xf32, #tpu.memory_space<vmem>>, vector<16xf32>,
    %get3A_320 = arith.constant 320 : index
    %get3A_321 = tpu.vector_load %arg13[%get3A_320] {strides = array<i32>} : memref<1024xf32, #tpu.memory_space<vmem>>, vector<16xf32>,
    %gt3A_322 = arith.cmpf ogt, %get3A_319, %get3A_321 : vector<16xf32>
    %select_n3A_323 = arith.select %gt3A_322, %broadcast_in_dim3A_180, %broadcast_in_dim3A_91 : vector<16xi1>, vector<16xf32>
    %add3A_324 = arith.addf %add3A_317, %select_n3A_323 : vector<16xf32>
    %get3A_325 = arith.constant 336 : index
    %get3A_326 = tpu.vector_load %arg14[%get3A_325] {strides = array<i32>} : memref<1024xf32, #tpu.memory_space<vmem>>, vector<16xf32>,
    %get3A_327 = arith.constant 336 : index
    %get3A_328 = tpu.vector_load %arg13[%get3A_327] {strides = array<i32>} : memref<1024xf32, #tpu.memory_space<vmem>>, vector<16xf32>,
    %gt3A_329 = arith.cmpf ogt, %get3A_326, %get3A_328 : vector<16xf32>
    %select_n3A_330 = arith.select %gt3A_329, %broadcast_in_dim3A_180, %broadcast_in_dim3A_91 : vector<16xi1>, vector<16xf32>
    %add3A_331 = arith.addf %add3A_324, %select_n3A_330 : vector<16xf32>
    %get3A_332 = arith.constant 352 : index
    %get3A_333 = tpu.vector_load %arg14[%get3A_332] {strides = array<i32>} : memref<1024xf32, #tpu.memory_space<vmem>>, vector<16xf32>,
    %get3A_334 = arith.constant 352 : index
    %get3A_335 = tpu.vector_load %arg13[%get3A_334] {strides = array<i32>} : memref<1024xf32, #tpu.memory_space<vmem>>, vector<16xf32>,
    %gt3A_336 = arith.cmpf ogt, %get3A_333, %get3A_335 : vector<16xf32>
    %select_n3A_337 = arith.select %gt3A_336, %broadcast_in_dim3A_180, %broadcast_in_dim3A_91 : vector<16xi1>, vector<16xf32>
    %add3A_338 = arith.addf %add3A_331, %select_n3A_337 : vector<16xf32>
    %get3A_339 = arith.constant 368 : index
    %get3A_340 = tpu.vector_load %arg14[%get3A_339] {strides = array<i32>} : memref<1024xf32, #tpu.memory_space<vmem>>, vector<16xf32>,
    %get3A_341 = arith.constant 368 : index
    %get3A_342 = tpu.vector_load %arg13[%get3A_341] {strides = array<i32>} : memref<1024xf32, #tpu.memory_space<vmem>>, vector<16xf32>,
    %gt3A_343 = arith.cmpf ogt, %get3A_340, %get3A_342 : vector<16xf32>
    %select_n3A_344 = arith.select %gt3A_343, %broadcast_in_dim3A_180, %broadcast_in_dim3A_91 : vector<16xi1>, vector<16xf32>
    %add3A_345 = arith.addf %add3A_338, %select_n3A_344 : vector<16xf32>
    %get3A_346 = arith.constant 384 : index
    %get3A_347 = tpu.vector_load %arg14[%get3A_346] {strides = array<i32>} : memref<1024xf32, #tpu.memory_space<vmem>>, vector<16xf32>,
    %get3A_348 = arith.constant 384 : index
    %get3A_349 = tpu.vector_load %arg13[%get3A_348] {strides = array<i32>} : memref<1024xf32, #tpu.memory_space<vmem>>, vector<16xf32>,
    %gt3A_350 = arith.cmpf ogt, %get3A_347, %get3A_349 : vector<16xf32>
    %select_n3A_351 = arith.select %gt3A_350, %broadcast_in_dim3A_180, %broadcast_in_dim3A_91 : vector<16xi1>, vector<16xf32>
    %add3A_352 = arith.addf %add3A_345, %select_n3A_351 : vector<16xf32>
    %get3A_353 = arith.constant 400 : index
    %get3A_354 = tpu.vector_load %arg14[%get3A_353] {strides = array<i32>} : memref<1024xf32, #tpu.memory_space<vmem>>, vector<16xf32>,
    %get3A_355 = arith.constant 400 : index
    %get3A_356 = tpu.vector_load %arg13[%get3A_355] {strides = array<i32>} : memref<1024xf32, #tpu.memory_space<vmem>>, vector<16xf32>,
    %gt3A_357 = arith.cmpf ogt, %get3A_354, %get3A_356 : vector<16xf32>
    %select_n3A_358 = arith.select %gt3A_357, %broadcast_in_dim3A_180, %broadcast_in_dim3A_91 : vector<16xi1>, vector<16xf32>
    %add3A_359 = arith.addf %add3A_352, %select_n3A_358 : vector<16xf32>
    %get3A_360 = arith.constant 416 : index
    %get3A_361 = tpu.vector_load %arg14[%get3A_360] {strides = array<i32>} : memref<1024xf32, #tpu.memory_space<vmem>>, vector<16xf32>,
    %get3A_362 = arith.constant 416 : index
    %get3A_363 = tpu.vector_load %arg13[%get3A_362] {strides = array<i32>} : memref<1024xf32, #tpu.memory_space<vmem>>, vector<16xf32>,
    %gt3A_364 = arith.cmpf ogt, %get3A_361, %get3A_363 : vector<16xf32>
    %select_n3A_365 = arith.select %gt3A_364, %broadcast_in_dim3A_180, %broadcast_in_dim3A_91 : vector<16xi1>, vector<16xf32>
    %add3A_366 = arith.addf %add3A_359, %select_n3A_365 : vector<16xf32>
    %get3A_367 = arith.constant 432 : index
    %get3A_368 = tpu.vector_load %arg14[%get3A_367] {strides = array<i32>} : memref<1024xf32, #tpu.memory_space<vmem>>, vector<16xf32>,
    %get3A_369 = arith.constant 432 : index
    %get3A_370 = tpu.vector_load %arg13[%get3A_369] {strides = array<i32>} : memref<1024xf32, #tpu.memory_space<vmem>>, vector<16xf32>,
    %gt3A_371 = arith.cmpf ogt, %get3A_368, %get3A_370 : vector<16xf32>
    %select_n3A_372 = arith.select %gt3A_371, %broadcast_in_dim3A_180, %broadcast_in_dim3A_91 : vector<16xi1>, vector<16xf32>
    %add3A_373 = arith.addf %add3A_366, %select_n3A_372 : vector<16xf32>
    %get3A_374 = arith.constant 448 : index
    %get3A_375 = tpu.vector_load %arg14[%get3A_374] {strides = array<i32>} : memref<1024xf32, #tpu.memory_space<vmem>>, vector<16xf32>,
    %get3A_376 = arith.constant 448 : index
    %get3A_377 = tpu.vector_load %arg13[%get3A_376] {strides = array<i32>} : memref<1024xf32, #tpu.memory_space<vmem>>, vector<16xf32>,
    %gt3A_378 = arith.cmpf ogt, %get3A_375, %get3A_377 : vector<16xf32>
    %select_n3A_379 = arith.select %gt3A_378, %broadcast_in_dim3A_180, %broadcast_in_dim3A_91 : vector<16xi1>, vector<16xf32>
    %add3A_380 = arith.addf %add3A_373, %select_n3A_379 : vector<16xf32>
    %get3A_381 = arith.constant 464 : index
    %get3A_382 = tpu.vector_load %arg14[%get3A_381] {strides = array<i32>} : memref<1024xf32, #tpu.memory_space<vmem>>, vector<16xf32>,
    %get3A_383 = arith.constant 464 : index
    %get3A_384 = tpu.vector_load %arg13[%get3A_383] {strides = array<i32>} : memref<1024xf32, #tpu.memory_space<vmem>>, vector<16xf32>,
    %gt3A_385 = arith.cmpf ogt, %get3A_382, %get3A_384 : vector<16xf32>
    %select_n3A_386 = arith.select %gt3A_385, %broadcast_in_dim3A_180, %broadcast_in_dim3A_91 : vector<16xi1>, vector<16xf32>
    %add3A_387 = arith.addf %add3A_380, %select_n3A_386 : vector<16xf32>
    %get3A_388 = arith.constant 480 : index
    %get3A_389 = tpu.vector_load %arg14[%get3A_388] {strides = array<i32>} : memref<1024xf32, #tpu.memory_space<vmem>>, vector<16xf32>,
    %get3A_390 = arith.constant 480 : index
    %get3A_391 = tpu.vector_load %arg13[%get3A_390] {strides = array<i32>} : memref<1024xf32, #tpu.memory_space<vmem>>, vector<16xf32>,
    %gt3A_392 = arith.cmpf ogt, %get3A_389, %get3A_391 : vector<16xf32>
    %select_n3A_393 = arith.select %gt3A_392, %broadcast_in_dim3A_180, %broadcast_in_dim3A_91 : vector<16xi1>, vector<16xf32>
    %add3A_394 = arith.addf %add3A_387, %select_n3A_393 : vector<16xf32>
    %get3A_395 = arith.constant 496 : index
    %get3A_396 = tpu.vector_load %arg14[%get3A_395] {strides = array<i32>} : memref<1024xf32, #tpu.memory_space<vmem>>, vector<16xf32>,
    %get3A_397 = arith.constant 496 : index
    %get3A_398 = tpu.vector_load %arg13[%get3A_397] {strides = array<i32>} : memref<1024xf32, #tpu.memory_space<vmem>>, vector<16xf32>,
    %gt3A_399 = arith.cmpf ogt, %get3A_396, %get3A_398 : vector<16xf32>
    %select_n3A_400 = arith.select %gt3A_399, %broadcast_in_dim3A_180, %broadcast_in_dim3A_91 : vector<16xi1>, vector<16xf32>
    %add3A_401 = arith.addf %add3A_394, %select_n3A_400 : vector<16xf32>
    %get3A_402 = arith.constant 512 : index
    %get3A_403 = tpu.vector_load %arg14[%get3A_402] {strides = array<i32>} : memref<1024xf32, #tpu.memory_space<vmem>>, vector<16xf32>,
    %get3A_404 = arith.constant 512 : index
    %get3A_405 = tpu.vector_load %arg13[%get3A_404] {strides = array<i32>} : memref<1024xf32, #tpu.memory_space<vmem>>, vector<16xf32>,
    %gt3A_406 = arith.cmpf ogt, %get3A_403, %get3A_405 : vector<16xf32>
    %select_n3A_407 = arith.select %gt3A_406, %broadcast_in_dim3A_180, %broadcast_in_dim3A_91 : vector<16xi1>, vector<16xf32>
    %add3A_408 = arith.addf %add3A_401, %select_n3A_407 : vector<16xf32>
    %get3A_409 = arith.constant 528 : index
    %get3A_410 = tpu.vector_load %arg14[%get3A_409] {strides = array<i32>} : memref<1024xf32, #tpu.memory_space<vmem>>, vector<16xf32>,
    %get3A_411 = arith.constant 528 : index
    %get3A_412 = tpu.vector_load %arg13[%get3A_411] {strides = array<i32>} : memref<1024xf32, #tpu.memory_space<vmem>>, vector<16xf32>,
    %gt3A_413 = arith.cmpf ogt, %get3A_410, %get3A_412 : vector<16xf32>
    %select_n3A_414 = arith.select %gt3A_413, %broadcast_in_dim3A_180, %broadcast_in_dim3A_91 : vector<16xi1>, vector<16xf32>
    %add3A_415 = arith.addf %add3A_408, %select_n3A_414 : vector<16xf32>
    %get3A_416 = arith.constant 544 : index
    %get3A_417 = tpu.vector_load %arg14[%get3A_416] {strides = array<i32>} : memref<1024xf32, #tpu.memory_space<vmem>>, vector<16xf32>,
    %get3A_418 = arith.constant 544 : index
    %get3A_419 = tpu.vector_load %arg13[%get3A_418] {strides = array<i32>} : memref<1024xf32, #tpu.memory_space<vmem>>, vector<16xf32>,
    %gt3A_420 = arith.cmpf ogt, %get3A_417, %get3A_419 : vector<16xf32>
    %select_n3A_421 = arith.select %gt3A_420, %broadcast_in_dim3A_180, %broadcast_in_dim3A_91 : vector<16xi1>, vector<16xf32>
    %add3A_422 = arith.addf %add3A_415, %select_n3A_421 : vector<16xf32>
    %get3A_423 = arith.constant 560 : index
    %get3A_424 = tpu.vector_load %arg14[%get3A_423] {strides = array<i32>} : memref<1024xf32, #tpu.memory_space<vmem>>, vector<16xf32>,
    %get3A_425 = arith.constant 560 : index
    %get3A_426 = tpu.vector_load %arg13[%get3A_425] {strides = array<i32>} : memref<1024xf32, #tpu.memory_space<vmem>>, vector<16xf32>,
    %gt3A_427 = arith.cmpf ogt, %get3A_424, %get3A_426 : vector<16xf32>
    %select_n3A_428 = arith.select %gt3A_427, %broadcast_in_dim3A_180, %broadcast_in_dim3A_91 : vector<16xi1>, vector<16xf32>
    %add3A_429 = arith.addf %add3A_422, %select_n3A_428 : vector<16xf32>
    %get3A_430 = arith.constant 576 : index
    %get3A_431 = tpu.vector_load %arg14[%get3A_430] {strides = array<i32>} : memref<1024xf32, #tpu.memory_space<vmem>>, vector<16xf32>,
    %get3A_432 = arith.constant 576 : index
    %get3A_433 = tpu.vector_load %arg13[%get3A_432] {strides = array<i32>} : memref<1024xf32, #tpu.memory_space<vmem>>, vector<16xf32>,
    %gt3A_434 = arith.cmpf ogt, %get3A_431, %get3A_433 : vector<16xf32>
    %select_n3A_435 = arith.select %gt3A_434, %broadcast_in_dim3A_180, %broadcast_in_dim3A_91 : vector<16xi1>, vector<16xf32>
    %add3A_436 = arith.addf %add3A_429, %select_n3A_435 : vector<16xf32>
    %get3A_437 = arith.constant 592 : index
    %get3A_438 = tpu.vector_load %arg14[%get3A_437] {strides = array<i32>} : memref<1024xf32, #tpu.memory_space<vmem>>, vector<16xf32>,
    %get3A_439 = arith.constant 592 : index
    %get3A_440 = tpu.vector_load %arg13[%get3A_439] {strides = array<i32>} : memref<1024xf32, #tpu.memory_space<vmem>>, vector<16xf32>,
    %gt3A_441 = arith.cmpf ogt, %get3A_438, %get3A_440 : vector<16xf32>
    %select_n3A_442 = arith.select %gt3A_441, %broadcast_in_dim3A_180, %broadcast_in_dim3A_91 : vector<16xi1>, vector<16xf32>
    %add3A_443 = arith.addf %add3A_436, %select_n3A_442 : vector<16xf32>
    %get3A_444 = arith.constant 608 : index
    %get3A_445 = tpu.vector_load %arg14[%get3A_444] {strides = array<i32>} : memref<1024xf32, #tpu.memory_space<vmem>>, vector<16xf32>,
    %get3A_446 = arith.constant 608 : index
    %get3A_447 = tpu.vector_load %arg13[%get3A_446] {strides = array<i32>} : memref<1024xf32, #tpu.memory_space<vmem>>, vector<16xf32>,
    %gt3A_448 = arith.cmpf ogt, %get3A_445, %get3A_447 : vector<16xf32>
    %select_n3A_449 = arith.select %gt3A_448, %broadcast_in_dim3A_180, %broadcast_in_dim3A_91 : vector<16xi1>, vector<16xf32>
    %add3A_450 = arith.addf %add3A_443, %select_n3A_449 : vector<16xf32>
    %get3A_451 = arith.constant 624 : index
    %get3A_452 = tpu.vector_load %arg14[%get3A_451] {strides = array<i32>} : memref<1024xf32, #tpu.memory_space<vmem>>, vector<16xf32>,
    %get3A_453 = arith.constant 624 : index
    %get3A_454 = tpu.vector_load %arg13[%get3A_453] {strides = array<i32>} : memref<1024xf32, #tpu.memory_space<vmem>>, vector<16xf32>,
    %gt3A_455 = arith.cmpf ogt, %get3A_452, %get3A_454 : vector<16xf32>
    %select_n3A_456 = arith.select %gt3A_455, %broadcast_in_dim3A_180, %broadcast_in_dim3A_91 : vector<16xi1>, vector<16xf32>
    %add3A_457 = arith.addf %add3A_450, %select_n3A_456 : vector<16xf32>
    %get3A_458 = arith.constant 640 : index
    %get3A_459 = tpu.vector_load %arg14[%get3A_458] {strides = array<i32>} : memref<1024xf32, #tpu.memory_space<vmem>>, vector<16xf32>,
    %get3A_460 = arith.constant 640 : index
    %get3A_461 = tpu.vector_load %arg13[%get3A_460] {strides = array<i32>} : memref<1024xf32, #tpu.memory_space<vmem>>, vector<16xf32>,
    %gt3A_462 = arith.cmpf ogt, %get3A_459, %get3A_461 : vector<16xf32>
    %select_n3A_463 = arith.select %gt3A_462, %broadcast_in_dim3A_180, %broadcast_in_dim3A_91 : vector<16xi1>, vector<16xf32>
    %add3A_464 = arith.addf %add3A_457, %select_n3A_463 : vector<16xf32>
    %get3A_465 = arith.constant 656 : index
    %get3A_466 = tpu.vector_load %arg14[%get3A_465] {strides = array<i32>} : memref<1024xf32, #tpu.memory_space<vmem>>, vector<16xf32>,
    %get3A_467 = arith.constant 656 : index
    %get3A_468 = tpu.vector_load %arg13[%get3A_467] {strides = array<i32>} : memref<1024xf32, #tpu.memory_space<vmem>>, vector<16xf32>,
    %gt3A_469 = arith.cmpf ogt, %get3A_466, %get3A_468 : vector<16xf32>
    %select_n3A_470 = arith.select %gt3A_469, %broadcast_in_dim3A_180, %broadcast_in_dim3A_91 : vector<16xi1>, vector<16xf32>
    %add3A_471 = arith.addf %add3A_464, %select_n3A_470 : vector<16xf32>
    %get3A_472 = arith.constant 672 : index
    %get3A_473 = tpu.vector_load %arg14[%get3A_472] {strides = array<i32>} : memref<1024xf32, #tpu.memory_space<vmem>>, vector<16xf32>,
    %get3A_474 = arith.constant 672 : index
    %get3A_475 = tpu.vector_load %arg13[%get3A_474] {strides = array<i32>} : memref<1024xf32, #tpu.memory_space<vmem>>, vector<16xf32>,
    %gt3A_476 = arith.cmpf ogt, %get3A_473, %get3A_475 : vector<16xf32>
    %select_n3A_477 = arith.select %gt3A_476, %broadcast_in_dim3A_180, %broadcast_in_dim3A_91 : vector<16xi1>, vector<16xf32>
    %add3A_478 = arith.addf %add3A_471, %select_n3A_477 : vector<16xf32>
    %get3A_479 = arith.constant 688 : index
    %get3A_480 = tpu.vector_load %arg14[%get3A_479] {strides = array<i32>} : memref<1024xf32, #tpu.memory_space<vmem>>, vector<16xf32>,
    %get3A_481 = arith.constant 688 : index
    %get3A_482 = tpu.vector_load %arg13[%get3A_481] {strides = array<i32>} : memref<1024xf32, #tpu.memory_space<vmem>>, vector<16xf32>,
    %gt3A_483 = arith.cmpf ogt, %get3A_480, %get3A_482 : vector<16xf32>
    %select_n3A_484 = arith.select %gt3A_483, %broadcast_in_dim3A_180, %broadcast_in_dim3A_91 : vector<16xi1>, vector<16xf32>
    %add3A_485 = arith.addf %add3A_478, %select_n3A_484 : vector<16xf32>
    %get3A_486 = arith.constant 704 : index
    %get3A_487 = tpu.vector_load %arg14[%get3A_486] {strides = array<i32>} : memref<1024xf32, #tpu.memory_space<vmem>>, vector<16xf32>,
    %get3A_488 = arith.constant 704 : index
    %get3A_489 = tpu.vector_load %arg13[%get3A_488] {strides = array<i32>} : memref<1024xf32, #tpu.memory_space<vmem>>, vector<16xf32>,
    %gt3A_490 = arith.cmpf ogt, %get3A_487, %get3A_489 : vector<16xf32>
    %select_n3A_491 = arith.select %gt3A_490, %broadcast_in_dim3A_180, %broadcast_in_dim3A_91 : vector<16xi1>, vector<16xf32>
    %add3A_492 = arith.addf %add3A_485, %select_n3A_491 : vector<16xf32>
    %get3A_493 = arith.constant 720 : index
    %get3A_494 = tpu.vector_load %arg14[%get3A_493] {strides = array<i32>} : memref<1024xf32, #tpu.memory_space<vmem>>, vector<16xf32>,
    %get3A_495 = arith.constant 720 : index
    %get3A_496 = tpu.vector_load %arg13[%get3A_495] {strides = array<i32>} : memref<1024xf32, #tpu.memory_space<vmem>>, vector<16xf32>,
    %gt3A_497 = arith.cmpf ogt, %get3A_494, %get3A_496 : vector<16xf32>
    %select_n3A_498 = arith.select %gt3A_497, %broadcast_in_dim3A_180, %broadcast_in_dim3A_91 : vector<16xi1>, vector<16xf32>
    %add3A_499 = arith.addf %add3A_492, %select_n3A_498 : vector<16xf32>
    %get3A_500 = arith.constant 736 : index
    %get3A_501 = tpu.vector_load %arg14[%get3A_500] {strides = array<i32>} : memref<1024xf32, #tpu.memory_space<vmem>>, vector<16xf32>,
    %get3A_502 = arith.constant 736 : index
    %get3A_503 = tpu.vector_load %arg13[%get3A_502] {strides = array<i32>} : memref<1024xf32, #tpu.memory_space<vmem>>, vector<16xf32>,
    %gt3A_504 = arith.cmpf ogt, %get3A_501, %get3A_503 : vector<16xf32>
    %select_n3A_505 = arith.select %gt3A_504, %broadcast_in_dim3A_180, %broadcast_in_dim3A_91 : vector<16xi1>, vector<16xf32>
    %add3A_506 = arith.addf %add3A_499, %select_n3A_505 : vector<16xf32>
    %get3A_507 = arith.constant 752 : index
    %get3A_508 = tpu.vector_load %arg14[%get3A_507] {strides = array<i32>} : memref<1024xf32, #tpu.memory_space<vmem>>, vector<16xf32>,
    %get3A_509 = arith.constant 752 : index
    %get3A_510 = tpu.vector_load %arg13[%get3A_509] {strides = array<i32>} : memref<1024xf32, #tpu.memory_space<vmem>>, vector<16xf32>,
    %gt3A_511 = arith.cmpf ogt, %get3A_508, %get3A_510 : vector<16xf32>
    %select_n3A_512 = arith.select %gt3A_511, %broadcast_in_dim3A_180, %broadcast_in_dim3A_91 : vector<16xi1>, vector<16xf32>
    %add3A_513 = arith.addf %add3A_506, %select_n3A_512 : vector<16xf32>
    %get3A_514 = arith.constant 768 : index
    %get3A_515 = tpu.vector_load %arg14[%get3A_514] {strides = array<i32>} : memref<1024xf32, #tpu.memory_space<vmem>>, vector<16xf32>,
    %get3A_516 = arith.constant 768 : index
    %get3A_517 = tpu.vector_load %arg13[%get3A_516] {strides = array<i32>} : memref<1024xf32, #tpu.memory_space<vmem>>, vector<16xf32>,
    %gt3A_518 = arith.cmpf ogt, %get3A_515, %get3A_517 : vector<16xf32>
    %select_n3A_519 = arith.select %gt3A_518, %broadcast_in_dim3A_180, %broadcast_in_dim3A_91 : vector<16xi1>, vector<16xf32>
    %add3A_520 = arith.addf %add3A_513, %select_n3A_519 : vector<16xf32>
    %get3A_521 = arith.constant 784 : index
    %get3A_522 = tpu.vector_load %arg14[%get3A_521] {strides = array<i32>} : memref<1024xf32, #tpu.memory_space<vmem>>, vector<16xf32>,
    %get3A_523 = arith.constant 784 : index
    %get3A_524 = tpu.vector_load %arg13[%get3A_523] {strides = array<i32>} : memref<1024xf32, #tpu.memory_space<vmem>>, vector<16xf32>,
    %gt3A_525 = arith.cmpf ogt, %get3A_522, %get3A_524 : vector<16xf32>
    %select_n3A_526 = arith.select %gt3A_525, %broadcast_in_dim3A_180, %broadcast_in_dim3A_91 : vector<16xi1>, vector<16xf32>
    %add3A_527 = arith.addf %add3A_520, %select_n3A_526 : vector<16xf32>
    %get3A_528 = arith.constant 800 : index
    %get3A_529 = tpu.vector_load %arg14[%get3A_528] {strides = array<i32>} : memref<1024xf32, #tpu.memory_space<vmem>>, vector<16xf32>,
    %get3A_530 = arith.constant 800 : index
    %get3A_531 = tpu.vector_load %arg13[%get3A_530] {strides = array<i32>} : memref<1024xf32, #tpu.memory_space<vmem>>, vector<16xf32>,
    %gt3A_532 = arith.cmpf ogt, %get3A_529, %get3A_531 : vector<16xf32>
    %select_n3A_533 = arith.select %gt3A_532, %broadcast_in_dim3A_180, %broadcast_in_dim3A_91 : vector<16xi1>, vector<16xf32>
    %add3A_534 = arith.addf %add3A_527, %select_n3A_533 : vector<16xf32>
    %get3A_535 = arith.constant 816 : index
    %get3A_536 = tpu.vector_load %arg14[%get3A_535] {strides = array<i32>} : memref<1024xf32, #tpu.memory_space<vmem>>, vector<16xf32>,
    %get3A_537 = arith.constant 816 : index
    %get3A_538 = tpu.vector_load %arg13[%get3A_537] {strides = array<i32>} : memref<1024xf32, #tpu.memory_space<vmem>>, vector<16xf32>,
    %gt3A_539 = arith.cmpf ogt, %get3A_536, %get3A_538 : vector<16xf32>
    %select_n3A_540 = arith.select %gt3A_539, %broadcast_in_dim3A_180, %broadcast_in_dim3A_91 : vector<16xi1>, vector<16xf32>
    %add3A_541 = arith.addf %add3A_534, %select_n3A_540 : vector<16xf32>
    %get3A_542 = arith.constant 832 : index
    %get3A_543 = tpu.vector_load %arg14[%get3A_542] {strides = array<i32>} : memref<1024xf32, #tpu.memory_space<vmem>>, vector<16xf32>,
    %get3A_544 = arith.constant 832 : index
    %get3A_545 = tpu.vector_load %arg13[%get3A_544] {strides = array<i32>} : memref<1024xf32, #tpu.memory_space<vmem>>, vector<16xf32>,
    %gt3A_546 = arith.cmpf ogt, %get3A_543, %get3A_545 : vector<16xf32>
    %select_n3A_547 = arith.select %gt3A_546, %broadcast_in_dim3A_180, %broadcast_in_dim3A_91 : vector<16xi1>, vector<16xf32>
    %add3A_548 = arith.addf %add3A_541, %select_n3A_547 : vector<16xf32>
    %get3A_549 = arith.constant 848 : index
    %get3A_550 = tpu.vector_load %arg14[%get3A_549] {strides = array<i32>} : memref<1024xf32, #tpu.memory_space<vmem>>, vector<16xf32>,
    %get3A_551 = arith.constant 848 : index
    %get3A_552 = tpu.vector_load %arg13[%get3A_551] {strides = array<i32>} : memref<1024xf32, #tpu.memory_space<vmem>>, vector<16xf32>,
    %gt3A_553 = arith.cmpf ogt, %get3A_550, %get3A_552 : vector<16xf32>
    %select_n3A_554 = arith.select %gt3A_553, %broadcast_in_dim3A_180, %broadcast_in_dim3A_91 : vector<16xi1>, vector<16xf32>
    %add3A_555 = arith.addf %add3A_548, %select_n3A_554 : vector<16xf32>
    %get3A_556 = arith.constant 864 : index
    %get3A_557 = tpu.vector_load %arg14[%get3A_556] {strides = array<i32>} : memref<1024xf32, #tpu.memory_space<vmem>>, vector<16xf32>,
    %get3A_558 = arith.constant 864 : index
    %get3A_559 = tpu.vector_load %arg13[%get3A_558] {strides = array<i32>} : memref<1024xf32, #tpu.memory_space<vmem>>, vector<16xf32>,
    %gt3A_560 = arith.cmpf ogt, %get3A_557, %get3A_559 : vector<16xf32>
    %select_n3A_561 = arith.select %gt3A_560, %broadcast_in_dim3A_180, %broadcast_in_dim3A_91 : vector<16xi1>, vector<16xf32>
    %add3A_562 = arith.addf %add3A_555, %select_n3A_561 : vector<16xf32>
    %get3A_563 = arith.constant 880 : index
    %get3A_564 = tpu.vector_load %arg14[%get3A_563] {strides = array<i32>} : memref<1024xf32, #tpu.memory_space<vmem>>, vector<16xf32>,
    %get3A_565 = arith.constant 880 : index
    %get3A_566 = tpu.vector_load %arg13[%get3A_565] {strides = array<i32>} : memref<1024xf32, #tpu.memory_space<vmem>>, vector<16xf32>,
    %gt3A_567 = arith.cmpf ogt, %get3A_564, %get3A_566 : vector<16xf32>
    %select_n3A_568 = arith.select %gt3A_567, %broadcast_in_dim3A_180, %broadcast_in_dim3A_91 : vector<16xi1>, vector<16xf32>
    %add3A_569 = arith.addf %add3A_562, %select_n3A_568 : vector<16xf32>
    %get3A_570 = arith.constant 896 : index
    %get3A_571 = tpu.vector_load %arg14[%get3A_570] {strides = array<i32>} : memref<1024xf32, #tpu.memory_space<vmem>>, vector<16xf32>,
    %get3A_572 = arith.constant 896 : index
    %get3A_573 = tpu.vector_load %arg13[%get3A_572] {strides = array<i32>} : memref<1024xf32, #tpu.memory_space<vmem>>, vector<16xf32>,
    %gt3A_574 = arith.cmpf ogt, %get3A_571, %get3A_573 : vector<16xf32>
    %select_n3A_575 = arith.select %gt3A_574, %broadcast_in_dim3A_180, %broadcast_in_dim3A_91 : vector<16xi1>, vector<16xf32>
    %add3A_576 = arith.addf %add3A_569, %select_n3A_575 : vector<16xf32>
    %get3A_577 = arith.constant 912 : index
    %get3A_578 = tpu.vector_load %arg14[%get3A_577] {strides = array<i32>} : memref<1024xf32, #tpu.memory_space<vmem>>, vector<16xf32>,
    %get3A_579 = arith.constant 912 : index
    %get3A_580 = tpu.vector_load %arg13[%get3A_579] {strides = array<i32>} : memref<1024xf32, #tpu.memory_space<vmem>>, vector<16xf32>,
    %gt3A_581 = arith.cmpf ogt, %get3A_578, %get3A_580 : vector<16xf32>
    %select_n3A_582 = arith.select %gt3A_581, %broadcast_in_dim3A_180, %broadcast_in_dim3A_91 : vector<16xi1>, vector<16xf32>
    %add3A_583 = arith.addf %add3A_576, %select_n3A_582 : vector<16xf32>
    %get3A_584 = arith.constant 928 : index
    %get3A_585 = tpu.vector_load %arg14[%get3A_584] {strides = array<i32>} : memref<1024xf32, #tpu.memory_space<vmem>>, vector<16xf32>,
    %get3A_586 = arith.constant 928 : index
    %get3A_587 = tpu.vector_load %arg13[%get3A_586] {strides = array<i32>} : memref<1024xf32, #tpu.memory_space<vmem>>, vector<16xf32>,
    %gt3A_588 = arith.cmpf ogt, %get3A_585, %get3A_587 : vector<16xf32>
    %select_n3A_589 = arith.select %gt3A_588, %broadcast_in_dim3A_180, %broadcast_in_dim3A_91 : vector<16xi1>, vector<16xf32>
    %add3A_590 = arith.addf %add3A_583, %select_n3A_589 : vector<16xf32>
    %get3A_591 = arith.constant 944 : index
    %get3A_592 = tpu.vector_load %arg14[%get3A_591] {strides = array<i32>} : memref<1024xf32, #tpu.memory_space<vmem>>, vector<16xf32>,
    %get3A_593 = arith.constant 944 : index
    %get3A_594 = tpu.vector_load %arg13[%get3A_593] {strides = array<i32>} : memref<1024xf32, #tpu.memory_space<vmem>>, vector<16xf32>,
    %gt3A_595 = arith.cmpf ogt, %get3A_592, %get3A_594 : vector<16xf32>
    %select_n3A_596 = arith.select %gt3A_595, %broadcast_in_dim3A_180, %broadcast_in_dim3A_91 : vector<16xi1>, vector<16xf32>
    %add3A_597 = arith.addf %add3A_590, %select_n3A_596 : vector<16xf32>
    %get3A_598 = arith.constant 960 : index
    %get3A_599 = tpu.vector_load %arg14[%get3A_598] {strides = array<i32>} : memref<1024xf32, #tpu.memory_space<vmem>>, vector<16xf32>,
    %get3A_600 = arith.constant 960 : index
    %get3A_601 = tpu.vector_load %arg13[%get3A_600] {strides = array<i32>} : memref<1024xf32, #tpu.memory_space<vmem>>, vector<16xf32>,
    %gt3A_602 = arith.cmpf ogt, %get3A_599, %get3A_601 : vector<16xf32>
    %select_n3A_603 = arith.select %gt3A_602, %broadcast_in_dim3A_180, %broadcast_in_dim3A_91 : vector<16xi1>, vector<16xf32>
    %add3A_604 = arith.addf %add3A_597, %select_n3A_603 : vector<16xf32>
    %get3A_605 = arith.constant 976 : index
    %get3A_606 = tpu.vector_load %arg14[%get3A_605] {strides = array<i32>} : memref<1024xf32, #tpu.memory_space<vmem>>, vector<16xf32>,
    %get3A_607 = arith.constant 976 : index
    %get3A_608 = tpu.vector_load %arg13[%get3A_607] {strides = array<i32>} : memref<1024xf32, #tpu.memory_space<vmem>>, vector<16xf32>,
    %gt3A_609 = arith.cmpf ogt, %get3A_606, %get3A_608 : vector<16xf32>
    %select_n3A_610 = arith.select %gt3A_609, %broadcast_in_dim3A_180, %broadcast_in_dim3A_91 : vector<16xi1>, vector<16xf32>
    %add3A_611 = arith.addf %add3A_604, %select_n3A_610 : vector<16xf32>
    %get3A_612 = arith.constant 992 : index
    %get3A_613 = tpu.vector_load %arg14[%get3A_612] {strides = array<i32>} : memref<1024xf32, #tpu.memory_space<vmem>>, vector<16xf32>,
    %get3A_614 = arith.constant 992 : index
    %get3A_615 = tpu.vector_load %arg13[%get3A_614] {strides = array<i32>} : memref<1024xf32, #tpu.memory_space<vmem>>, vector<16xf32>,
    %gt3A_616 = arith.cmpf ogt, %get3A_613, %get3A_615 : vector<16xf32>
    %select_n3A_617 = arith.select %gt3A_616, %broadcast_in_dim3A_180, %broadcast_in_dim3A_91 : vector<16xi1>, vector<16xf32>
    %add3A_618 = arith.addf %add3A_611, %select_n3A_617 : vector<16xf32>
    %get3A_619 = arith.constant 1008 : index
    %get3A_620 = tpu.vector_load %arg14[%get3A_619] {strides = array<i32>} : memref<1024xf32, #tpu.memory_space<vmem>>, vector<16xf32>,
    %get3A_621 = arith.constant 1008 : index
    %get3A_622 = tpu.vector_load %arg13[%get3A_621] {strides = array<i32>} : memref<1024xf32, #tpu.memory_space<vmem>>, vector<16xf32>,
    %gt3A_623 = arith.cmpf ogt, %get3A_620, %get3A_622 : vector<16xf32>
    %select_n3A_624 = arith.select %gt3A_623, %broadcast_in_dim3A_180, %broadcast_in_dim3A_91 : vector<16xi1>, vector<16xf32>
    %add3A_625 = arith.addf %add3A_618, %select_n3A_624 : vector<16xf32>
    %swap3A = arith.constant 0 : index
    %swap3A_626 = tpu.vector_load %arg15[%swap3A] {strides = array<i32>} : memref<16xf32, #tpu.memory_space<vmem>>, vector<16xf32>,
    tpu.vector_store %arg15[%swap3A], %add3A_625 {strides = array<i32>} : memref<16xf32, #tpu.memory_space<vmem>>, vector<16xf32>,
    "tpu.region"() ({
      %run_scoped3A_1086 = tpu.sem_alloc : memref<!tpu.dma_semaphore, #tpu.memory_space<semaphore_mem>>
      %dma_start3A_1087 = arith.constant 0 : i32
      %dma_start3A_1088 = tpu.memref_slice %arg17[%arg1, %dma_start3A_1087] : memref<16x16xf32, #tpu.memory_space<vmem_shared>> -> memref<1x16xf32, #tpu.memory_space<vmem_shared>>
      %dma_start3A_1089 = tpu.memref_squeeze %dma_start3A_1088 : memref<1x16xf32, #tpu.memory_space<vmem_shared>> -> memref<16xf32, #tpu.memory_space<vmem_shared>>
      %dma_start3A_1090 = arith.constant 0 : i32
      %dma_start3A_1091 = tpu.memref_slice %arg17[%arg1, %dma_start3A_1090] : memref<16x16xf32, #tpu.memory_space<vmem_shared>> -> memref<1x16xf32, #tpu.memory_space<vmem_shared>>
      %dma_start3A_1092 = tpu.memref_squeeze %dma_start3A_1091 : memref<1x16xf32, #tpu.memory_space<vmem_shared>> -> memref<16xf32, #tpu.memory_space<vmem_shared>>
      tpu.enqueue_dma source(%arg15 : memref<16xf32, #tpu.memory_space<vmem>>) target(%dma_start3A_1092 : memref<16xf32, #tpu.memory_space<vmem_shared>>) target_semaphore(%run_scoped3A_1086 : memref<!tpu.dma_semaphore, #tpu.memory_space<semaphore_mem>>)
      %dma_wait3A_1093 = arith.constant 0 : i32
      %dma_wait3A_1094 = tpu.memref_slice %arg17[%arg1, %dma_wait3A_1093] : memref<16x16xf32, #tpu.memory_space<vmem_shared>> -> memref<1x16xf32, #tpu.memory_space<vmem_shared>>
      %dma_wait3A_1095 = tpu.memref_squeeze %dma_wait3A_1094 : memref<1x16xf32, #tpu.memory_space<vmem_shared>> -> memref<16xf32, #tpu.memory_space<vmem_shared>>
      %dma_wait3A_1096 = arith.constant 0 : i32
      %dma_wait3A_1097 = tpu.memref_slice %arg17[%arg1, %dma_wait3A_1096] : memref<16x16xf32, #tpu.memory_space<vmem_shared>> -> memref<1x16xf32, #tpu.memory_space<vmem_shared>>
      %dma_wait3A_1098 = tpu.memref_squeeze %dma_wait3A_1097 : memref<1x16xf32, #tpu.memory_space<vmem_shared>> -> memref<16xf32, #tpu.memory_space<vmem_shared>>
      tpu.wait_dma2 semaphore(%run_scoped3A_1086 : memref<!tpu.dma_semaphore, #tpu.memory_space<semaphore_mem>>) src(%arg15 : memref<16xf32, #tpu.memory_space<vmem>>) dst(%dma_wait3A_1098 : memref<16xf32, #tpu.memory_space<vmem_shared>>)
      tpu.yield
    }) : () -> ()
    %barrier3A = arith.constant 0 : index
    tpu.barrier barrier_id(%barrier3A)
    "tpu.region"() ({
      %run_scoped3A_1086 = tpu.sem_alloc : memref<!tpu.dma_semaphore, #tpu.memory_space<semaphore_mem>>
      tpu.enqueue_dma source(%arg17 : memref<16x16xf32, #tpu.memory_space<vmem_shared>>) target(%arg16 : memref<16x16xf32, #tpu.memory_space<vmem>>) target_semaphore(%run_scoped3A_1086 : memref<!tpu.dma_semaphore, #tpu.memory_space<semaphore_mem>>)
      tpu.wait_dma2 semaphore(%run_scoped3A_1086 : memref<!tpu.dma_semaphore, #tpu.memory_space<semaphore_mem>>) src(%arg17 : memref<16x16xf32, #tpu.memory_space<vmem_shared>>) dst(%arg16 : memref<16x16xf32, #tpu.memory_space<vmem>>)
      tpu.yield
    }) : () -> ()
    %get3A_627 = arith.constant 0 : i32
    %get3A_628 = arith.index_cast %get3A_627 : i32 to index
    %get3A_629 = arith.constant 0 : index
    %get3A_630 = tpu.vector_load %arg16[%get3A_628, %get3A_629] {strides = array<i32>} : memref<16x16xf32, #tpu.memory_space<vmem>>, vector<16xf32>,
    %add3A_631 = arith.addf %broadcast_in_dim3A_91, %get3A_630 : vector<16xf32>
    %get3A_632 = arith.constant 1 : i32
    %get3A_633 = arith.index_cast %get3A_632 : i32 to index
    %get3A_634 = arith.constant 0 : index
    %get3A_635 = tpu.vector_load %arg16[%get3A_633, %get3A_634] {strides = array<i32>} : memref<16x16xf32, #tpu.memory_space<vmem>>, vector<16xf32>,
    %add3A_636 = arith.addf %add3A_631, %get3A_635 : vector<16xf32>
    %get3A_637 = arith.constant 2 : i32
    %get3A_638 = arith.index_cast %get3A_637 : i32 to index
    %get3A_639 = arith.constant 0 : index
    %get3A_640 = tpu.vector_load %arg16[%get3A_638, %get3A_639] {strides = array<i32>} : memref<16x16xf32, #tpu.memory_space<vmem>>, vector<16xf32>,
    %add3A_641 = arith.addf %add3A_636, %get3A_640 : vector<16xf32>
    %get3A_642 = arith.constant 3 : i32
    %get3A_643 = arith.index_cast %get3A_642 : i32 to index
    %get3A_644 = arith.constant 0 : index
    %get3A_645 = tpu.vector_load %arg16[%get3A_643, %get3A_644] {strides = array<i32>} : memref<16x16xf32, #tpu.memory_space<vmem>>, vector<16xf32>,
    %add3A_646 = arith.addf %add3A_641, %get3A_645 : vector<16xf32>
    %get3A_647 = arith.constant 4 : i32
    %get3A_648 = arith.index_cast %get3A_647 : i32 to index
    %get3A_649 = arith.constant 0 : index
    %get3A_650 = tpu.vector_load %arg16[%get3A_648, %get3A_649] {strides = array<i32>} : memref<16x16xf32, #tpu.memory_space<vmem>>, vector<16xf32>,
    %add3A_651 = arith.addf %add3A_646, %get3A_650 : vector<16xf32>
    %get3A_652 = arith.constant 5 : i32
    %get3A_653 = arith.index_cast %get3A_652 : i32 to index
    %get3A_654 = arith.constant 0 : index
    %get3A_655 = tpu.vector_load %arg16[%get3A_653, %get3A_654] {strides = array<i32>} : memref<16x16xf32, #tpu.memory_space<vmem>>, vector<16xf32>,
    %add3A_656 = arith.addf %add3A_651, %get3A_655 : vector<16xf32>
    %get3A_657 = arith.constant 6 : i32
    %get3A_658 = arith.index_cast %get3A_657 : i32 to index
    %get3A_659 = arith.constant 0 : index
    %get3A_660 = tpu.vector_load %arg16[%get3A_658, %get3A_659] {strides = array<i32>} : memref<16x16xf32, #tpu.memory_space<vmem>>, vector<16xf32>,
    %add3A_661 = arith.addf %add3A_656, %get3A_660 : vector<16xf32>
    %get3A_662 = arith.constant 7 : i32
    %get3A_663 = arith.index_cast %get3A_662 : i32 to index
    %get3A_664 = arith.constant 0 : index
    %get3A_665 = tpu.vector_load %arg16[%get3A_663, %get3A_664] {strides = array<i32>} : memref<16x16xf32, #tpu.memory_space<vmem>>, vector<16xf32>,
    %add3A_666 = arith.addf %add3A_661, %get3A_665 : vector<16xf32>
    %get3A_667 = arith.constant 8 : i32
    %get3A_668 = arith.index_cast %get3A_667 : i32 to index
    %get3A_669 = arith.constant 0 : index
    %get3A_670 = tpu.vector_load %arg16[%get3A_668, %get3A_669] {strides = array<i32>} : memref<16x16xf32, #tpu.memory_space<vmem>>, vector<16xf32>,
    %add3A_671 = arith.addf %add3A_666, %get3A_670 : vector<16xf32>
    %get3A_672 = arith.constant 9 : i32
    %get3A_673 = arith.index_cast %get3A_672 : i32 to index
    %get3A_674 = arith.constant 0 : index
    %get3A_675 = tpu.vector_load %arg16[%get3A_673, %get3A_674] {strides = array<i32>} : memref<16x16xf32, #tpu.memory_space<vmem>>, vector<16xf32>,
    %add3A_676 = arith.addf %add3A_671, %get3A_675 : vector<16xf32>
    %get3A_677 = arith.constant 10 : i32
    %get3A_678 = arith.index_cast %get3A_677 : i32 to index
    %get3A_679 = arith.constant 0 : index
    %get3A_680 = tpu.vector_load %arg16[%get3A_678, %get3A_679] {strides = array<i32>} : memref<16x16xf32, #tpu.memory_space<vmem>>, vector<16xf32>,
    %add3A_681 = arith.addf %add3A_676, %get3A_680 : vector<16xf32>
    %get3A_682 = arith.constant 11 : i32
    %get3A_683 = arith.index_cast %get3A_682 : i32 to index
    %get3A_684 = arith.constant 0 : index
    %get3A_685 = tpu.vector_load %arg16[%get3A_683, %get3A_684] {strides = array<i32>} : memref<16x16xf32, #tpu.memory_space<vmem>>, vector<16xf32>,
    %add3A_686 = arith.addf %add3A_681, %get3A_685 : vector<16xf32>
    %get3A_687 = arith.constant 12 : i32
    %get3A_688 = arith.index_cast %get3A_687 : i32 to index
    %get3A_689 = arith.constant 0 : index
    %get3A_690 = tpu.vector_load %arg16[%get3A_688, %get3A_689] {strides = array<i32>} : memref<16x16xf32, #tpu.memory_space<vmem>>, vector<16xf32>,
    %add3A_691 = arith.addf %add3A_686, %get3A_690 : vector<16xf32>
    %get3A_692 = arith.constant 13 : i32
    %get3A_693 = arith.index_cast %get3A_692 : i32 to index
    %get3A_694 = arith.constant 0 : index
    %get3A_695 = tpu.vector_load %arg16[%get3A_693, %get3A_694] {strides = array<i32>} : memref<16x16xf32, #tpu.memory_space<vmem>>, vector<16xf32>,
    %add3A_696 = arith.addf %add3A_691, %get3A_695 : vector<16xf32>
    %get3A_697 = arith.constant 14 : i32
    %get3A_698 = arith.index_cast %get3A_697 : i32 to index
    %get3A_699 = arith.constant 0 : index
    %get3A_700 = tpu.vector_load %arg16[%get3A_698, %get3A_699] {strides = array<i32>} : memref<16x16xf32, #tpu.memory_space<vmem>>, vector<16xf32>,
    %add3A_701 = arith.addf %add3A_696, %get3A_700 : vector<16xf32>
    %get3A_702 = arith.constant 15 : i32
    %get3A_703 = arith.index_cast %get3A_702 : i32 to index
    %get3A_704 = arith.constant 0 : index
    %get3A_705 = tpu.vector_load %arg16[%get3A_703, %get3A_704] {strides = array<i32>} : memref<16x16xf32, #tpu.memory_space<vmem>>, vector<16xf32>,
    %add3A_706 = arith.addf %add3A_701, %get3A_705 : vector<16xf32>
    %slice3A = vector.extract_strided_slice %add3A_706 {offsets = [0], sizes = [1], strides = [1]} : vector<16xf32> to vector<1xf32>
    %squeeze3A = vector.extract %slice3A[0] : f32 from vector<1xf32>
    %slice3A_707 = vector.extract_strided_slice %add3A_706 {offsets = [1], sizes = [1], strides = [1]} : vector<16xf32> to vector<1xf32>
    %squeeze3A_708 = vector.extract %slice3A_707[0] : f32 from vector<1xf32>
    %add3A_709 = arith.addf %squeeze3A, %squeeze3A_708 : f32
    %slice3A_710 = vector.extract_strided_slice %add3A_706 {offsets = [2], sizes = [1], strides = [1]} : vector<16xf32> to vector<1xf32>
    %squeeze3A_711 = vector.extract %slice3A_710[0] : f32 from vector<1xf32>
    %add3A_712 = arith.addf %add3A_709, %squeeze3A_711 : f32
    %slice3A_713 = vector.extract_strided_slice %add3A_706 {offsets = [3], sizes = [1], strides = [1]} : vector<16xf32> to vector<1xf32>
    %squeeze3A_714 = vector.extract %slice3A_713[0] : f32 from vector<1xf32>
    %add3A_715 = arith.addf %add3A_712, %squeeze3A_714 : f32
    %slice3A_716 = vector.extract_strided_slice %add3A_706 {offsets = [4], sizes = [1], strides = [1]} : vector<16xf32> to vector<1xf32>
    %squeeze3A_717 = vector.extract %slice3A_716[0] : f32 from vector<1xf32>
    %add3A_718 = arith.addf %add3A_715, %squeeze3A_717 : f32
    %slice3A_719 = vector.extract_strided_slice %add3A_706 {offsets = [5], sizes = [1], strides = [1]} : vector<16xf32> to vector<1xf32>
    %squeeze3A_720 = vector.extract %slice3A_719[0] : f32 from vector<1xf32>
    %add3A_721 = arith.addf %add3A_718, %squeeze3A_720 : f32
    %slice3A_722 = vector.extract_strided_slice %add3A_706 {offsets = [6], sizes = [1], strides = [1]} : vector<16xf32> to vector<1xf32>
    %squeeze3A_723 = vector.extract %slice3A_722[0] : f32 from vector<1xf32>
    %add3A_724 = arith.addf %add3A_721, %squeeze3A_723 : f32
    %slice3A_725 = vector.extract_strided_slice %add3A_706 {offsets = [7], sizes = [1], strides = [1]} : vector<16xf32> to vector<1xf32>
    %squeeze3A_726 = vector.extract %slice3A_725[0] : f32 from vector<1xf32>
    %add3A_727 = arith.addf %add3A_724, %squeeze3A_726 : f32
    %slice3A_728 = vector.extract_strided_slice %add3A_706 {offsets = [8], sizes = [1], strides = [1]} : vector<16xf32> to vector<1xf32>
    %squeeze3A_729 = vector.extract %slice3A_728[0] : f32 from vector<1xf32>
    %add3A_730 = arith.addf %add3A_727, %squeeze3A_729 : f32
    %slice3A_731 = vector.extract_strided_slice %add3A_706 {offsets = [9], sizes = [1], strides = [1]} : vector<16xf32> to vector<1xf32>
    %squeeze3A_732 = vector.extract %slice3A_731[0] : f32 from vector<1xf32>
    %add3A_733 = arith.addf %add3A_730, %squeeze3A_732 : f32
    %slice3A_734 = vector.extract_strided_slice %add3A_706 {offsets = [10], sizes = [1], strides = [1]} : vector<16xf32> to vector<1xf32>
    %squeeze3A_735 = vector.extract %slice3A_734[0] : f32 from vector<1xf32>
    %add3A_736 = arith.addf %add3A_733, %squeeze3A_735 : f32
    %slice3A_737 = vector.extract_strided_slice %add3A_706 {offsets = [11], sizes = [1], strides = [1]} : vector<16xf32> to vector<1xf32>
    %squeeze3A_738 = vector.extract %slice3A_737[0] : f32 from vector<1xf32>
    %add3A_739 = arith.addf %add3A_736, %squeeze3A_738 : f32
    %slice3A_740 = vector.extract_strided_slice %add3A_706 {offsets = [12], sizes = [1], strides = [1]} : vector<16xf32> to vector<1xf32>
    %squeeze3A_741 = vector.extract %slice3A_740[0] : f32 from vector<1xf32>
    %add3A_742 = arith.addf %add3A_739, %squeeze3A_741 : f32
    %slice3A_743 = vector.extract_strided_slice %add3A_706 {offsets = [13], sizes = [1], strides = [1]} : vector<16xf32> to vector<1xf32>
    %squeeze3A_744 = vector.extract %slice3A_743[0] : f32 from vector<1xf32>
    %add3A_745 = arith.addf %add3A_742, %squeeze3A_744 : f32
    %slice3A_746 = vector.extract_strided_slice %add3A_706 {offsets = [14], sizes = [1], strides = [1]} : vector<16xf32> to vector<1xf32>
    %squeeze3A_747 = vector.extract %slice3A_746[0] : f32 from vector<1xf32>
    %add3A_748 = arith.addf %add3A_745, %squeeze3A_747 : f32
    %slice3A_749 = vector.extract_strided_slice %add3A_706 {offsets = [15], sizes = [1], strides = [1]} : vector<16xf32> to vector<1xf32>
    %squeeze3A_750 = vector.extract %slice3A_749[0] : f32 from vector<1xf32>
    %add3A_751 = arith.addf %add3A_748, %squeeze3A_750 : f32
    %gt3A_752 = arith.constant 0.000000e+00 : f32
    %gt3A_753 = arith.cmpf ogt, %add3A_751, %gt3A_752 : f32
    %broadcast_in_dim3A_754 = arith.constant 0x7FC00000 : f32
    %broadcast_in_dim3A_755 = vector.broadcast %broadcast_in_dim3A_754 : f32 to vector<16xf32>
    %select_n3A_756 = arith.select %gt3A_753, %broadcast_in_dim3A_755, %broadcast_in_dim3A_91 : vector<16xf32>
    %get3A_757 = arith.constant 0 : index
    %get3A_758 = tpu.vector_load %arg13[%get3A_757] {strides = array<i32>} : memref<1024xf32, #tpu.memory_space<vmem>>, vector<16xf32>,
    %add3A_759 = arith.addf %get3A_758, %select_n3A_756 : vector<16xf32>
    %swap3A_760 = arith.constant 0 : index
    %swap3A_761 = tpu.vector_load %arg13[%swap3A_760] {strides = array<i32>} : memref<1024xf32, #tpu.memory_space<vmem>>, vector<16xf32>,
    tpu.vector_store %arg13[%swap3A_760], %add3A_759 {strides = array<i32>} : memref<1024xf32, #tpu.memory_space<vmem>>, vector<16xf32>,
    %get3A_762 = arith.constant 16 : index
    %get3A_763 = tpu.vector_load %arg13[%get3A_762] {strides = array<i32>} : memref<1024xf32, #tpu.memory_space<vmem>>, vector<16xf32>,
    %add3A_764 = arith.addf %get3A_763, %select_n3A_756 : vector<16xf32>
    %swap3A_765 = arith.constant 16 : index
    %swap3A_766 = tpu.vector_load %arg13[%swap3A_765] {strides = array<i32>} : memref<1024xf32, #tpu.memory_space<vmem>>, vector<16xf32>,
    tpu.vector_store %arg13[%swap3A_765], %add3A_764 {strides = array<i32>} : memref<1024xf32, #tpu.memory_space<vmem>>, vector<16xf32>,
    %get3A_767 = arith.constant 32 : index
    %get3A_768 = tpu.vector_load %arg13[%get3A_767] {strides = array<i32>} : memref<1024xf32, #tpu.memory_space<vmem>>, vector<16xf32>,
    %add3A_769 = arith.addf %get3A_768, %select_n3A_756 : vector<16xf32>
    %swap3A_770 = arith.constant 32 : index
    %swap3A_771 = tpu.vector_load %arg13[%swap3A_770] {strides = array<i32>} : memref<1024xf32, #tpu.memory_space<vmem>>, vector<16xf32>,
    tpu.vector_store %arg13[%swap3A_770], %add3A_769 {strides = array<i32>} : memref<1024xf32, #tpu.memory_space<vmem>>, vector<16xf32>,
    %get3A_772 = arith.constant 48 : index
    %get3A_773 = tpu.vector_load %arg13[%get3A_772] {strides = array<i32>} : memref<1024xf32, #tpu.memory_space<vmem>>, vector<16xf32>,
    %add3A_774 = arith.addf %get3A_773, %select_n3A_756 : vector<16xf32>
    %swap3A_775 = arith.constant 48 : index
    %swap3A_776 = tpu.vector_load %arg13[%swap3A_775] {strides = array<i32>} : memref<1024xf32, #tpu.memory_space<vmem>>, vector<16xf32>,
    tpu.vector_store %arg13[%swap3A_775], %add3A_774 {strides = array<i32>} : memref<1024xf32, #tpu.memory_space<vmem>>, vector<16xf32>,
    %get3A_777 = arith.constant 64 : index
    %get3A_778 = tpu.vector_load %arg13[%get3A_777] {strides = array<i32>} : memref<1024xf32, #tpu.memory_space<vmem>>, vector<16xf32>,
    %add3A_779 = arith.addf %get3A_778, %select_n3A_756 : vector<16xf32>
    %swap3A_780 = arith.constant 64 : index
    %swap3A_781 = tpu.vector_load %arg13[%swap3A_780] {strides = array<i32>} : memref<1024xf32, #tpu.memory_space<vmem>>, vector<16xf32>,
    tpu.vector_store %arg13[%swap3A_780], %add3A_779 {strides = array<i32>} : memref<1024xf32, #tpu.memory_space<vmem>>, vector<16xf32>,
    %get3A_782 = arith.constant 80 : index
    %get3A_783 = tpu.vector_load %arg13[%get3A_782] {strides = array<i32>} : memref<1024xf32, #tpu.memory_space<vmem>>, vector<16xf32>,
    %add3A_784 = arith.addf %get3A_783, %select_n3A_756 : vector<16xf32>
    %swap3A_785 = arith.constant 80 : index
    %swap3A_786 = tpu.vector_load %arg13[%swap3A_785] {strides = array<i32>} : memref<1024xf32, #tpu.memory_space<vmem>>, vector<16xf32>,
    tpu.vector_store %arg13[%swap3A_785], %add3A_784 {strides = array<i32>} : memref<1024xf32, #tpu.memory_space<vmem>>, vector<16xf32>,
    %get3A_787 = arith.constant 96 : index
    %get3A_788 = tpu.vector_load %arg13[%get3A_787] {strides = array<i32>} : memref<1024xf32, #tpu.memory_space<vmem>>, vector<16xf32>,
    %add3A_789 = arith.addf %get3A_788, %select_n3A_756 : vector<16xf32>
    %swap3A_790 = arith.constant 96 : index
    %swap3A_791 = tpu.vector_load %arg13[%swap3A_790] {strides = array<i32>} : memref<1024xf32, #tpu.memory_space<vmem>>, vector<16xf32>,
    tpu.vector_store %arg13[%swap3A_790], %add3A_789 {strides = array<i32>} : memref<1024xf32, #tpu.memory_space<vmem>>, vector<16xf32>,
    %get3A_792 = arith.constant 112 : index
    %get3A_793 = tpu.vector_load %arg13[%get3A_792] {strides = array<i32>} : memref<1024xf32, #tpu.memory_space<vmem>>, vector<16xf32>,
    %add3A_794 = arith.addf %get3A_793, %select_n3A_756 : vector<16xf32>
    %swap3A_795 = arith.constant 112 : index
    %swap3A_796 = tpu.vector_load %arg13[%swap3A_795] {strides = array<i32>} : memref<1024xf32, #tpu.memory_space<vmem>>, vector<16xf32>,
    tpu.vector_store %arg13[%swap3A_795], %add3A_794 {strides = array<i32>} : memref<1024xf32, #tpu.memory_space<vmem>>, vector<16xf32>,
    %get3A_797 = arith.constant 128 : index
    %get3A_798 = tpu.vector_load %arg13[%get3A_797] {strides = array<i32>} : memref<1024xf32, #tpu.memory_space<vmem>>, vector<16xf32>,
    %add3A_799 = arith.addf %get3A_798, %select_n3A_756 : vector<16xf32>
    %swap3A_800 = arith.constant 128 : index
    %swap3A_801 = tpu.vector_load %arg13[%swap3A_800] {strides = array<i32>} : memref<1024xf32, #tpu.memory_space<vmem>>, vector<16xf32>,
    tpu.vector_store %arg13[%swap3A_800], %add3A_799 {strides = array<i32>} : memref<1024xf32, #tpu.memory_space<vmem>>, vector<16xf32>,
    %get3A_802 = arith.constant 144 : index
    %get3A_803 = tpu.vector_load %arg13[%get3A_802] {strides = array<i32>} : memref<1024xf32, #tpu.memory_space<vmem>>, vector<16xf32>,
    %add3A_804 = arith.addf %get3A_803, %select_n3A_756 : vector<16xf32>
    %swap3A_805 = arith.constant 144 : index
    %swap3A_806 = tpu.vector_load %arg13[%swap3A_805] {strides = array<i32>} : memref<1024xf32, #tpu.memory_space<vmem>>, vector<16xf32>,
    tpu.vector_store %arg13[%swap3A_805], %add3A_804 {strides = array<i32>} : memref<1024xf32, #tpu.memory_space<vmem>>, vector<16xf32>,
    %get3A_807 = arith.constant 160 : index
    %get3A_808 = tpu.vector_load %arg13[%get3A_807] {strides = array<i32>} : memref<1024xf32, #tpu.memory_space<vmem>>, vector<16xf32>,
    %add3A_809 = arith.addf %get3A_808, %select_n3A_756 : vector<16xf32>
    %swap3A_810 = arith.constant 160 : index
    %swap3A_811 = tpu.vector_load %arg13[%swap3A_810] {strides = array<i32>} : memref<1024xf32, #tpu.memory_space<vmem>>, vector<16xf32>,
    tpu.vector_store %arg13[%swap3A_810], %add3A_809 {strides = array<i32>} : memref<1024xf32, #tpu.memory_space<vmem>>, vector<16xf32>,
    %get3A_812 = arith.constant 176 : index
    %get3A_813 = tpu.vector_load %arg13[%get3A_812] {strides = array<i32>} : memref<1024xf32, #tpu.memory_space<vmem>>, vector<16xf32>,
    %add3A_814 = arith.addf %get3A_813, %select_n3A_756 : vector<16xf32>
    %swap3A_815 = arith.constant 176 : index
    %swap3A_816 = tpu.vector_load %arg13[%swap3A_815] {strides = array<i32>} : memref<1024xf32, #tpu.memory_space<vmem>>, vector<16xf32>,
    tpu.vector_store %arg13[%swap3A_815], %add3A_814 {strides = array<i32>} : memref<1024xf32, #tpu.memory_space<vmem>>, vector<16xf32>,
    %get3A_817 = arith.constant 192 : index
    %get3A_818 = tpu.vector_load %arg13[%get3A_817] {strides = array<i32>} : memref<1024xf32, #tpu.memory_space<vmem>>, vector<16xf32>,
    %add3A_819 = arith.addf %get3A_818, %select_n3A_756 : vector<16xf32>
    %swap3A_820 = arith.constant 192 : index
    %swap3A_821 = tpu.vector_load %arg13[%swap3A_820] {strides = array<i32>} : memref<1024xf32, #tpu.memory_space<vmem>>, vector<16xf32>,
    tpu.vector_store %arg13[%swap3A_820], %add3A_819 {strides = array<i32>} : memref<1024xf32, #tpu.memory_space<vmem>>, vector<16xf32>,
    %get3A_822 = arith.constant 208 : index
    %get3A_823 = tpu.vector_load %arg13[%get3A_822] {strides = array<i32>} : memref<1024xf32, #tpu.memory_space<vmem>>, vector<16xf32>,
    %add3A_824 = arith.addf %get3A_823, %select_n3A_756 : vector<16xf32>
    %swap3A_825 = arith.constant 208 : index
    %swap3A_826 = tpu.vector_load %arg13[%swap3A_825] {strides = array<i32>} : memref<1024xf32, #tpu.memory_space<vmem>>, vector<16xf32>,
    tpu.vector_store %arg13[%swap3A_825], %add3A_824 {strides = array<i32>} : memref<1024xf32, #tpu.memory_space<vmem>>, vector<16xf32>,
    %get3A_827 = arith.constant 224 : index
    %get3A_828 = tpu.vector_load %arg13[%get3A_827] {strides = array<i32>} : memref<1024xf32, #tpu.memory_space<vmem>>, vector<16xf32>,
    %add3A_829 = arith.addf %get3A_828, %select_n3A_756 : vector<16xf32>
    %swap3A_830 = arith.constant 224 : index
    %swap3A_831 = tpu.vector_load %arg13[%swap3A_830] {strides = array<i32>} : memref<1024xf32, #tpu.memory_space<vmem>>, vector<16xf32>,
    tpu.vector_store %arg13[%swap3A_830], %add3A_829 {strides = array<i32>} : memref<1024xf32, #tpu.memory_space<vmem>>, vector<16xf32>,
    %get3A_832 = arith.constant 240 : index
    %get3A_833 = tpu.vector_load %arg13[%get3A_832] {strides = array<i32>} : memref<1024xf32, #tpu.memory_space<vmem>>, vector<16xf32>,
    %add3A_834 = arith.addf %get3A_833, %select_n3A_756 : vector<16xf32>
    %swap3A_835 = arith.constant 240 : index
    %swap3A_836 = tpu.vector_load %arg13[%swap3A_835] {strides = array<i32>} : memref<1024xf32, #tpu.memory_space<vmem>>, vector<16xf32>,
    tpu.vector_store %arg13[%swap3A_835], %add3A_834 {strides = array<i32>} : memref<1024xf32, #tpu.memory_space<vmem>>, vector<16xf32>,
    %get3A_837 = arith.constant 256 : index
    %get3A_838 = tpu.vector_load %arg13[%get3A_837] {strides = array<i32>} : memref<1024xf32, #tpu.memory_space<vmem>>, vector<16xf32>,
    %add3A_839 = arith.addf %get3A_838, %select_n3A_756 : vector<16xf32>
    %swap3A_840 = arith.constant 256 : index
    %swap3A_841 = tpu.vector_load %arg13[%swap3A_840] {strides = array<i32>} : memref<1024xf32, #tpu.memory_space<vmem>>, vector<16xf32>,
    tpu.vector_store %arg13[%swap3A_840], %add3A_839 {strides = array<i32>} : memref<1024xf32, #tpu.memory_space<vmem>>, vector<16xf32>,
    %get3A_842 = arith.constant 272 : index
    %get3A_843 = tpu.vector_load %arg13[%get3A_842] {strides = array<i32>} : memref<1024xf32, #tpu.memory_space<vmem>>, vector<16xf32>,
    %add3A_844 = arith.addf %get3A_843, %select_n3A_756 : vector<16xf32>
    %swap3A_845 = arith.constant 272 : index
    %swap3A_846 = tpu.vector_load %arg13[%swap3A_845] {strides = array<i32>} : memref<1024xf32, #tpu.memory_space<vmem>>, vector<16xf32>,
    tpu.vector_store %arg13[%swap3A_845], %add3A_844 {strides = array<i32>} : memref<1024xf32, #tpu.memory_space<vmem>>, vector<16xf32>,
    %get3A_847 = arith.constant 288 : index
    %get3A_848 = tpu.vector_load %arg13[%get3A_847] {strides = array<i32>} : memref<1024xf32, #tpu.memory_space<vmem>>, vector<16xf32>,
    %add3A_849 = arith.addf %get3A_848, %select_n3A_756 : vector<16xf32>
    %swap3A_850 = arith.constant 288 : index
    %swap3A_851 = tpu.vector_load %arg13[%swap3A_850] {strides = array<i32>} : memref<1024xf32, #tpu.memory_space<vmem>>, vector<16xf32>,
    tpu.vector_store %arg13[%swap3A_850], %add3A_849 {strides = array<i32>} : memref<1024xf32, #tpu.memory_space<vmem>>, vector<16xf32>,
    %get3A_852 = arith.constant 304 : index
    %get3A_853 = tpu.vector_load %arg13[%get3A_852] {strides = array<i32>} : memref<1024xf32, #tpu.memory_space<vmem>>, vector<16xf32>,
    %add3A_854 = arith.addf %get3A_853, %select_n3A_756 : vector<16xf32>
    %swap3A_855 = arith.constant 304 : index
    %swap3A_856 = tpu.vector_load %arg13[%swap3A_855] {strides = array<i32>} : memref<1024xf32, #tpu.memory_space<vmem>>, vector<16xf32>,
    tpu.vector_store %arg13[%swap3A_855], %add3A_854 {strides = array<i32>} : memref<1024xf32, #tpu.memory_space<vmem>>, vector<16xf32>,
    %get3A_857 = arith.constant 320 : index
    %get3A_858 = tpu.vector_load %arg13[%get3A_857] {strides = array<i32>} : memref<1024xf32, #tpu.memory_space<vmem>>, vector<16xf32>,
    %add3A_859 = arith.addf %get3A_858, %select_n3A_756 : vector<16xf32>
    %swap3A_860 = arith.constant 320 : index
    %swap3A_861 = tpu.vector_load %arg13[%swap3A_860] {strides = array<i32>} : memref<1024xf32, #tpu.memory_space<vmem>>, vector<16xf32>,
    tpu.vector_store %arg13[%swap3A_860], %add3A_859 {strides = array<i32>} : memref<1024xf32, #tpu.memory_space<vmem>>, vector<16xf32>,
    %get3A_862 = arith.constant 336 : index
    %get3A_863 = tpu.vector_load %arg13[%get3A_862] {strides = array<i32>} : memref<1024xf32, #tpu.memory_space<vmem>>, vector<16xf32>,
    %add3A_864 = arith.addf %get3A_863, %select_n3A_756 : vector<16xf32>
    %swap3A_865 = arith.constant 336 : index
    %swap3A_866 = tpu.vector_load %arg13[%swap3A_865] {strides = array<i32>} : memref<1024xf32, #tpu.memory_space<vmem>>, vector<16xf32>,
    tpu.vector_store %arg13[%swap3A_865], %add3A_864 {strides = array<i32>} : memref<1024xf32, #tpu.memory_space<vmem>>, vector<16xf32>,
    %get3A_867 = arith.constant 352 : index
    %get3A_868 = tpu.vector_load %arg13[%get3A_867] {strides = array<i32>} : memref<1024xf32, #tpu.memory_space<vmem>>, vector<16xf32>,
    %add3A_869 = arith.addf %get3A_868, %select_n3A_756 : vector<16xf32>
    %swap3A_870 = arith.constant 352 : index
    %swap3A_871 = tpu.vector_load %arg13[%swap3A_870] {strides = array<i32>} : memref<1024xf32, #tpu.memory_space<vmem>>, vector<16xf32>,
    tpu.vector_store %arg13[%swap3A_870], %add3A_869 {strides = array<i32>} : memref<1024xf32, #tpu.memory_space<vmem>>, vector<16xf32>,
    %get3A_872 = arith.constant 368 : index
    %get3A_873 = tpu.vector_load %arg13[%get3A_872] {strides = array<i32>} : memref<1024xf32, #tpu.memory_space<vmem>>, vector<16xf32>,
    %add3A_874 = arith.addf %get3A_873, %select_n3A_756 : vector<16xf32>
    %swap3A_875 = arith.constant 368 : index
    %swap3A_876 = tpu.vector_load %arg13[%swap3A_875] {strides = array<i32>} : memref<1024xf32, #tpu.memory_space<vmem>>, vector<16xf32>,
    tpu.vector_store %arg13[%swap3A_875], %add3A_874 {strides = array<i32>} : memref<1024xf32, #tpu.memory_space<vmem>>, vector<16xf32>,
    %get3A_877 = arith.constant 384 : index
    %get3A_878 = tpu.vector_load %arg13[%get3A_877] {strides = array<i32>} : memref<1024xf32, #tpu.memory_space<vmem>>, vector<16xf32>,
    %add3A_879 = arith.addf %get3A_878, %select_n3A_756 : vector<16xf32>
    %swap3A_880 = arith.constant 384 : index
    %swap3A_881 = tpu.vector_load %arg13[%swap3A_880] {strides = array<i32>} : memref<1024xf32, #tpu.memory_space<vmem>>, vector<16xf32>,
    tpu.vector_store %arg13[%swap3A_880], %add3A_879 {strides = array<i32>} : memref<1024xf32, #tpu.memory_space<vmem>>, vector<16xf32>,
    %get3A_882 = arith.constant 400 : index
    %get3A_883 = tpu.vector_load %arg13[%get3A_882] {strides = array<i32>} : memref<1024xf32, #tpu.memory_space<vmem>>, vector<16xf32>,
    %add3A_884 = arith.addf %get3A_883, %select_n3A_756 : vector<16xf32>
    %swap3A_885 = arith.constant 400 : index
    %swap3A_886 = tpu.vector_load %arg13[%swap3A_885] {strides = array<i32>} : memref<1024xf32, #tpu.memory_space<vmem>>, vector<16xf32>,
    tpu.vector_store %arg13[%swap3A_885], %add3A_884 {strides = array<i32>} : memref<1024xf32, #tpu.memory_space<vmem>>, vector<16xf32>,
    %get3A_887 = arith.constant 416 : index
    %get3A_888 = tpu.vector_load %arg13[%get3A_887] {strides = array<i32>} : memref<1024xf32, #tpu.memory_space<vmem>>, vector<16xf32>,
    %add3A_889 = arith.addf %get3A_888, %select_n3A_756 : vector<16xf32>
    %swap3A_890 = arith.constant 416 : index
    %swap3A_891 = tpu.vector_load %arg13[%swap3A_890] {strides = array<i32>} : memref<1024xf32, #tpu.memory_space<vmem>>, vector<16xf32>,
    tpu.vector_store %arg13[%swap3A_890], %add3A_889 {strides = array<i32>} : memref<1024xf32, #tpu.memory_space<vmem>>, vector<16xf32>,
    %get3A_892 = arith.constant 432 : index
    %get3A_893 = tpu.vector_load %arg13[%get3A_892] {strides = array<i32>} : memref<1024xf32, #tpu.memory_space<vmem>>, vector<16xf32>,
    %add3A_894 = arith.addf %get3A_893, %select_n3A_756 : vector<16xf32>
    %swap3A_895 = arith.constant 432 : index
    %swap3A_896 = tpu.vector_load %arg13[%swap3A_895] {strides = array<i32>} : memref<1024xf32, #tpu.memory_space<vmem>>, vector<16xf32>,
    tpu.vector_store %arg13[%swap3A_895], %add3A_894 {strides = array<i32>} : memref<1024xf32, #tpu.memory_space<vmem>>, vector<16xf32>,
    %get3A_897 = arith.constant 448 : index
    %get3A_898 = tpu.vector_load %arg13[%get3A_897] {strides = array<i32>} : memref<1024xf32, #tpu.memory_space<vmem>>, vector<16xf32>,
    %add3A_899 = arith.addf %get3A_898, %select_n3A_756 : vector<16xf32>
    %swap3A_900 = arith.constant 448 : index
    %swap3A_901 = tpu.vector_load %arg13[%swap3A_900] {strides = array<i32>} : memref<1024xf32, #tpu.memory_space<vmem>>, vector<16xf32>,
    tpu.vector_store %arg13[%swap3A_900], %add3A_899 {strides = array<i32>} : memref<1024xf32, #tpu.memory_space<vmem>>, vector<16xf32>,
    %get3A_902 = arith.constant 464 : index
    %get3A_903 = tpu.vector_load %arg13[%get3A_902] {strides = array<i32>} : memref<1024xf32, #tpu.memory_space<vmem>>, vector<16xf32>,
    %add3A_904 = arith.addf %get3A_903, %select_n3A_756 : vector<16xf32>
    %swap3A_905 = arith.constant 464 : index
    %swap3A_906 = tpu.vector_load %arg13[%swap3A_905] {strides = array<i32>} : memref<1024xf32, #tpu.memory_space<vmem>>, vector<16xf32>,
    tpu.vector_store %arg13[%swap3A_905], %add3A_904 {strides = array<i32>} : memref<1024xf32, #tpu.memory_space<vmem>>, vector<16xf32>,
    %get3A_907 = arith.constant 480 : index
    %get3A_908 = tpu.vector_load %arg13[%get3A_907] {strides = array<i32>} : memref<1024xf32, #tpu.memory_space<vmem>>, vector<16xf32>,
    %add3A_909 = arith.addf %get3A_908, %select_n3A_756 : vector<16xf32>
    %swap3A_910 = arith.constant 480 : index
    %swap3A_911 = tpu.vector_load %arg13[%swap3A_910] {strides = array<i32>} : memref<1024xf32, #tpu.memory_space<vmem>>, vector<16xf32>,
    tpu.vector_store %arg13[%swap3A_910], %add3A_909 {strides = array<i32>} : memref<1024xf32, #tpu.memory_space<vmem>>, vector<16xf32>,
    %get3A_912 = arith.constant 496 : index
    %get3A_913 = tpu.vector_load %arg13[%get3A_912] {strides = array<i32>} : memref<1024xf32, #tpu.memory_space<vmem>>, vector<16xf32>,
    %add3A_914 = arith.addf %get3A_913, %select_n3A_756 : vector<16xf32>
    %swap3A_915 = arith.constant 496 : index
    %swap3A_916 = tpu.vector_load %arg13[%swap3A_915] {strides = array<i32>} : memref<1024xf32, #tpu.memory_space<vmem>>, vector<16xf32>,
    tpu.vector_store %arg13[%swap3A_915], %add3A_914 {strides = array<i32>} : memref<1024xf32, #tpu.memory_space<vmem>>, vector<16xf32>,
    %get3A_917 = arith.constant 512 : index
    %get3A_918 = tpu.vector_load %arg13[%get3A_917] {strides = array<i32>} : memref<1024xf32, #tpu.memory_space<vmem>>, vector<16xf32>,
    %add3A_919 = arith.addf %get3A_918, %select_n3A_756 : vector<16xf32>
    %swap3A_920 = arith.constant 512 : index
    %swap3A_921 = tpu.vector_load %arg13[%swap3A_920] {strides = array<i32>} : memref<1024xf32, #tpu.memory_space<vmem>>, vector<16xf32>,
    tpu.vector_store %arg13[%swap3A_920], %add3A_919 {strides = array<i32>} : memref<1024xf32, #tpu.memory_space<vmem>>, vector<16xf32>,
    %get3A_922 = arith.constant 528 : index
    %get3A_923 = tpu.vector_load %arg13[%get3A_922] {strides = array<i32>} : memref<1024xf32, #tpu.memory_space<vmem>>, vector<16xf32>,
    %add3A_924 = arith.addf %get3A_923, %select_n3A_756 : vector<16xf32>
    %swap3A_925 = arith.constant 528 : index
    %swap3A_926 = tpu.vector_load %arg13[%swap3A_925] {strides = array<i32>} : memref<1024xf32, #tpu.memory_space<vmem>>, vector<16xf32>,
    tpu.vector_store %arg13[%swap3A_925], %add3A_924 {strides = array<i32>} : memref<1024xf32, #tpu.memory_space<vmem>>, vector<16xf32>,
    %get3A_927 = arith.constant 544 : index
    %get3A_928 = tpu.vector_load %arg13[%get3A_927] {strides = array<i32>} : memref<1024xf32, #tpu.memory_space<vmem>>, vector<16xf32>,
    %add3A_929 = arith.addf %get3A_928, %select_n3A_756 : vector<16xf32>
    %swap3A_930 = arith.constant 544 : index
    %swap3A_931 = tpu.vector_load %arg13[%swap3A_930] {strides = array<i32>} : memref<1024xf32, #tpu.memory_space<vmem>>, vector<16xf32>,
    tpu.vector_store %arg13[%swap3A_930], %add3A_929 {strides = array<i32>} : memref<1024xf32, #tpu.memory_space<vmem>>, vector<16xf32>,
    %get3A_932 = arith.constant 560 : index
    %get3A_933 = tpu.vector_load %arg13[%get3A_932] {strides = array<i32>} : memref<1024xf32, #tpu.memory_space<vmem>>, vector<16xf32>,
    %add3A_934 = arith.addf %get3A_933, %select_n3A_756 : vector<16xf32>
    %swap3A_935 = arith.constant 560 : index
    %swap3A_936 = tpu.vector_load %arg13[%swap3A_935] {strides = array<i32>} : memref<1024xf32, #tpu.memory_space<vmem>>, vector<16xf32>,
    tpu.vector_store %arg13[%swap3A_935], %add3A_934 {strides = array<i32>} : memref<1024xf32, #tpu.memory_space<vmem>>, vector<16xf32>,
    %get3A_937 = arith.constant 576 : index
    %get3A_938 = tpu.vector_load %arg13[%get3A_937] {strides = array<i32>} : memref<1024xf32, #tpu.memory_space<vmem>>, vector<16xf32>,
    %add3A_939 = arith.addf %get3A_938, %select_n3A_756 : vector<16xf32>
    %swap3A_940 = arith.constant 576 : index
    %swap3A_941 = tpu.vector_load %arg13[%swap3A_940] {strides = array<i32>} : memref<1024xf32, #tpu.memory_space<vmem>>, vector<16xf32>,
    tpu.vector_store %arg13[%swap3A_940], %add3A_939 {strides = array<i32>} : memref<1024xf32, #tpu.memory_space<vmem>>, vector<16xf32>,
    %get3A_942 = arith.constant 592 : index
    %get3A_943 = tpu.vector_load %arg13[%get3A_942] {strides = array<i32>} : memref<1024xf32, #tpu.memory_space<vmem>>, vector<16xf32>,
    %add3A_944 = arith.addf %get3A_943, %select_n3A_756 : vector<16xf32>
    %swap3A_945 = arith.constant 592 : index
    %swap3A_946 = tpu.vector_load %arg13[%swap3A_945] {strides = array<i32>} : memref<1024xf32, #tpu.memory_space<vmem>>, vector<16xf32>,
    tpu.vector_store %arg13[%swap3A_945], %add3A_944 {strides = array<i32>} : memref<1024xf32, #tpu.memory_space<vmem>>, vector<16xf32>,
    %get3A_947 = arith.constant 608 : index
    %get3A_948 = tpu.vector_load %arg13[%get3A_947] {strides = array<i32>} : memref<1024xf32, #tpu.memory_space<vmem>>, vector<16xf32>,
    %add3A_949 = arith.addf %get3A_948, %select_n3A_756 : vector<16xf32>
    %swap3A_950 = arith.constant 608 : index
    %swap3A_951 = tpu.vector_load %arg13[%swap3A_950] {strides = array<i32>} : memref<1024xf32, #tpu.memory_space<vmem>>, vector<16xf32>,
    tpu.vector_store %arg13[%swap3A_950], %add3A_949 {strides = array<i32>} : memref<1024xf32, #tpu.memory_space<vmem>>, vector<16xf32>,
    %get3A_952 = arith.constant 624 : index
    %get3A_953 = tpu.vector_load %arg13[%get3A_952] {strides = array<i32>} : memref<1024xf32, #tpu.memory_space<vmem>>, vector<16xf32>,
    %add3A_954 = arith.addf %get3A_953, %select_n3A_756 : vector<16xf32>
    %swap3A_955 = arith.constant 624 : index
    %swap3A_956 = tpu.vector_load %arg13[%swap3A_955] {strides = array<i32>} : memref<1024xf32, #tpu.memory_space<vmem>>, vector<16xf32>,
    tpu.vector_store %arg13[%swap3A_955], %add3A_954 {strides = array<i32>} : memref<1024xf32, #tpu.memory_space<vmem>>, vector<16xf32>,
    %get3A_957 = arith.constant 640 : index
    %get3A_958 = tpu.vector_load %arg13[%get3A_957] {strides = array<i32>} : memref<1024xf32, #tpu.memory_space<vmem>>, vector<16xf32>,
    %add3A_959 = arith.addf %get3A_958, %select_n3A_756 : vector<16xf32>
    %swap3A_960 = arith.constant 640 : index
    %swap3A_961 = tpu.vector_load %arg13[%swap3A_960] {strides = array<i32>} : memref<1024xf32, #tpu.memory_space<vmem>>, vector<16xf32>,
    tpu.vector_store %arg13[%swap3A_960], %add3A_959 {strides = array<i32>} : memref<1024xf32, #tpu.memory_space<vmem>>, vector<16xf32>,
    %get3A_962 = arith.constant 656 : index
    %get3A_963 = tpu.vector_load %arg13[%get3A_962] {strides = array<i32>} : memref<1024xf32, #tpu.memory_space<vmem>>, vector<16xf32>,
    %add3A_964 = arith.addf %get3A_963, %select_n3A_756 : vector<16xf32>
    %swap3A_965 = arith.constant 656 : index
    %swap3A_966 = tpu.vector_load %arg13[%swap3A_965] {strides = array<i32>} : memref<1024xf32, #tpu.memory_space<vmem>>, vector<16xf32>,
    tpu.vector_store %arg13[%swap3A_965], %add3A_964 {strides = array<i32>} : memref<1024xf32, #tpu.memory_space<vmem>>, vector<16xf32>,
    %get3A_967 = arith.constant 672 : index
    %get3A_968 = tpu.vector_load %arg13[%get3A_967] {strides = array<i32>} : memref<1024xf32, #tpu.memory_space<vmem>>, vector<16xf32>,
    %add3A_969 = arith.addf %get3A_968, %select_n3A_756 : vector<16xf32>
    %swap3A_970 = arith.constant 672 : index
    %swap3A_971 = tpu.vector_load %arg13[%swap3A_970] {strides = array<i32>} : memref<1024xf32, #tpu.memory_space<vmem>>, vector<16xf32>,
    tpu.vector_store %arg13[%swap3A_970], %add3A_969 {strides = array<i32>} : memref<1024xf32, #tpu.memory_space<vmem>>, vector<16xf32>,
    %get3A_972 = arith.constant 688 : index
    %get3A_973 = tpu.vector_load %arg13[%get3A_972] {strides = array<i32>} : memref<1024xf32, #tpu.memory_space<vmem>>, vector<16xf32>,
    %add3A_974 = arith.addf %get3A_973, %select_n3A_756 : vector<16xf32>
    %swap3A_975 = arith.constant 688 : index
    %swap3A_976 = tpu.vector_load %arg13[%swap3A_975] {strides = array<i32>} : memref<1024xf32, #tpu.memory_space<vmem>>, vector<16xf32>,
    tpu.vector_store %arg13[%swap3A_975], %add3A_974 {strides = array<i32>} : memref<1024xf32, #tpu.memory_space<vmem>>, vector<16xf32>,
    %get3A_977 = arith.constant 704 : index
    %get3A_978 = tpu.vector_load %arg13[%get3A_977] {strides = array<i32>} : memref<1024xf32, #tpu.memory_space<vmem>>, vector<16xf32>,
    %add3A_979 = arith.addf %get3A_978, %select_n3A_756 : vector<16xf32>
    %swap3A_980 = arith.constant 704 : index
    %swap3A_981 = tpu.vector_load %arg13[%swap3A_980] {strides = array<i32>} : memref<1024xf32, #tpu.memory_space<vmem>>, vector<16xf32>,
    tpu.vector_store %arg13[%swap3A_980], %add3A_979 {strides = array<i32>} : memref<1024xf32, #tpu.memory_space<vmem>>, vector<16xf32>,
    %get3A_982 = arith.constant 720 : index
    %get3A_983 = tpu.vector_load %arg13[%get3A_982] {strides = array<i32>} : memref<1024xf32, #tpu.memory_space<vmem>>, vector<16xf32>,
    %add3A_984 = arith.addf %get3A_983, %select_n3A_756 : vector<16xf32>
    %swap3A_985 = arith.constant 720 : index
    %swap3A_986 = tpu.vector_load %arg13[%swap3A_985] {strides = array<i32>} : memref<1024xf32, #tpu.memory_space<vmem>>, vector<16xf32>,
    tpu.vector_store %arg13[%swap3A_985], %add3A_984 {strides = array<i32>} : memref<1024xf32, #tpu.memory_space<vmem>>, vector<16xf32>,
    %get3A_987 = arith.constant 736 : index
    %get3A_988 = tpu.vector_load %arg13[%get3A_987] {strides = array<i32>} : memref<1024xf32, #tpu.memory_space<vmem>>, vector<16xf32>,
    %add3A_989 = arith.addf %get3A_988, %select_n3A_756 : vector<16xf32>
    %swap3A_990 = arith.constant 736 : index
    %swap3A_991 = tpu.vector_load %arg13[%swap3A_990] {strides = array<i32>} : memref<1024xf32, #tpu.memory_space<vmem>>, vector<16xf32>,
    tpu.vector_store %arg13[%swap3A_990], %add3A_989 {strides = array<i32>} : memref<1024xf32, #tpu.memory_space<vmem>>, vector<16xf32>,
    %get3A_992 = arith.constant 752 : index
    %get3A_993 = tpu.vector_load %arg13[%get3A_992] {strides = array<i32>} : memref<1024xf32, #tpu.memory_space<vmem>>, vector<16xf32>,
    %add3A_994 = arith.addf %get3A_993, %select_n3A_756 : vector<16xf32>
    %swap3A_995 = arith.constant 752 : index
    %swap3A_996 = tpu.vector_load %arg13[%swap3A_995] {strides = array<i32>} : memref<1024xf32, #tpu.memory_space<vmem>>, vector<16xf32>,
    tpu.vector_store %arg13[%swap3A_995], %add3A_994 {strides = array<i32>} : memref<1024xf32, #tpu.memory_space<vmem>>, vector<16xf32>,
    %get3A_997 = arith.constant 768 : index
    %get3A_998 = tpu.vector_load %arg13[%get3A_997] {strides = array<i32>} : memref<1024xf32, #tpu.memory_space<vmem>>, vector<16xf32>,
    %add3A_999 = arith.addf %get3A_998, %select_n3A_756 : vector<16xf32>
    %swap3A_1000 = arith.constant 768 : index
    %swap3A_1001 = tpu.vector_load %arg13[%swap3A_1000] {strides = array<i32>} : memref<1024xf32, #tpu.memory_space<vmem>>, vector<16xf32>,
    tpu.vector_store %arg13[%swap3A_1000], %add3A_999 {strides = array<i32>} : memref<1024xf32, #tpu.memory_space<vmem>>, vector<16xf32>,
    %get3A_1002 = arith.constant 784 : index
    %get3A_1003 = tpu.vector_load %arg13[%get3A_1002] {strides = array<i32>} : memref<1024xf32, #tpu.memory_space<vmem>>, vector<16xf32>,
    %add3A_1004 = arith.addf %get3A_1003, %select_n3A_756 : vector<16xf32>
    %swap3A_1005 = arith.constant 784 : index
    %swap3A_1006 = tpu.vector_load %arg13[%swap3A_1005] {strides = array<i32>} : memref<1024xf32, #tpu.memory_space<vmem>>, vector<16xf32>,
    tpu.vector_store %arg13[%swap3A_1005], %add3A_1004 {strides = array<i32>} : memref<1024xf32, #tpu.memory_space<vmem>>, vector<16xf32>,
    %get3A_1007 = arith.constant 800 : index
    %get3A_1008 = tpu.vector_load %arg13[%get3A_1007] {strides = array<i32>} : memref<1024xf32, #tpu.memory_space<vmem>>, vector<16xf32>,
    %add3A_1009 = arith.addf %get3A_1008, %select_n3A_756 : vector<16xf32>
    %swap3A_1010 = arith.constant 800 : index
    %swap3A_1011 = tpu.vector_load %arg13[%swap3A_1010] {strides = array<i32>} : memref<1024xf32, #tpu.memory_space<vmem>>, vector<16xf32>,
    tpu.vector_store %arg13[%swap3A_1010], %add3A_1009 {strides = array<i32>} : memref<1024xf32, #tpu.memory_space<vmem>>, vector<16xf32>,
    %get3A_1012 = arith.constant 816 : index
    %get3A_1013 = tpu.vector_load %arg13[%get3A_1012] {strides = array<i32>} : memref<1024xf32, #tpu.memory_space<vmem>>, vector<16xf32>,
    %add3A_1014 = arith.addf %get3A_1013, %select_n3A_756 : vector<16xf32>
    %swap3A_1015 = arith.constant 816 : index
    %swap3A_1016 = tpu.vector_load %arg13[%swap3A_1015] {strides = array<i32>} : memref<1024xf32, #tpu.memory_space<vmem>>, vector<16xf32>,
    tpu.vector_store %arg13[%swap3A_1015], %add3A_1014 {strides = array<i32>} : memref<1024xf32, #tpu.memory_space<vmem>>, vector<16xf32>,
    %get3A_1017 = arith.constant 832 : index
    %get3A_1018 = tpu.vector_load %arg13[%get3A_1017] {strides = array<i32>} : memref<1024xf32, #tpu.memory_space<vmem>>, vector<16xf32>,
    %add3A_1019 = arith.addf %get3A_1018, %select_n3A_756 : vector<16xf32>
    %swap3A_1020 = arith.constant 832 : index
    %swap3A_1021 = tpu.vector_load %arg13[%swap3A_1020] {strides = array<i32>} : memref<1024xf32, #tpu.memory_space<vmem>>, vector<16xf32>,
    tpu.vector_store %arg13[%swap3A_1020], %add3A_1019 {strides = array<i32>} : memref<1024xf32, #tpu.memory_space<vmem>>, vector<16xf32>,
    %get3A_1022 = arith.constant 848 : index
    %get3A_1023 = tpu.vector_load %arg13[%get3A_1022] {strides = array<i32>} : memref<1024xf32, #tpu.memory_space<vmem>>, vector<16xf32>,
    %add3A_1024 = arith.addf %get3A_1023, %select_n3A_756 : vector<16xf32>
    %swap3A_1025 = arith.constant 848 : index
    %swap3A_1026 = tpu.vector_load %arg13[%swap3A_1025] {strides = array<i32>} : memref<1024xf32, #tpu.memory_space<vmem>>, vector<16xf32>,
    tpu.vector_store %arg13[%swap3A_1025], %add3A_1024 {strides = array<i32>} : memref<1024xf32, #tpu.memory_space<vmem>>, vector<16xf32>,
    %get3A_1027 = arith.constant 864 : index
    %get3A_1028 = tpu.vector_load %arg13[%get3A_1027] {strides = array<i32>} : memref<1024xf32, #tpu.memory_space<vmem>>, vector<16xf32>,
    %add3A_1029 = arith.addf %get3A_1028, %select_n3A_756 : vector<16xf32>
    %swap3A_1030 = arith.constant 864 : index
    %swap3A_1031 = tpu.vector_load %arg13[%swap3A_1030] {strides = array<i32>} : memref<1024xf32, #tpu.memory_space<vmem>>, vector<16xf32>,
    tpu.vector_store %arg13[%swap3A_1030], %add3A_1029 {strides = array<i32>} : memref<1024xf32, #tpu.memory_space<vmem>>, vector<16xf32>,
    %get3A_1032 = arith.constant 880 : index
    %get3A_1033 = tpu.vector_load %arg13[%get3A_1032] {strides = array<i32>} : memref<1024xf32, #tpu.memory_space<vmem>>, vector<16xf32>,
    %add3A_1034 = arith.addf %get3A_1033, %select_n3A_756 : vector<16xf32>
    %swap3A_1035 = arith.constant 880 : index
    %swap3A_1036 = tpu.vector_load %arg13[%swap3A_1035] {strides = array<i32>} : memref<1024xf32, #tpu.memory_space<vmem>>, vector<16xf32>,
    tpu.vector_store %arg13[%swap3A_1035], %add3A_1034 {strides = array<i32>} : memref<1024xf32, #tpu.memory_space<vmem>>, vector<16xf32>,
    %get3A_1037 = arith.constant 896 : index
    %get3A_1038 = tpu.vector_load %arg13[%get3A_1037] {strides = array<i32>} : memref<1024xf32, #tpu.memory_space<vmem>>, vector<16xf32>,
    %add3A_1039 = arith.addf %get3A_1038, %select_n3A_756 : vector<16xf32>
    %swap3A_1040 = arith.constant 896 : index
    %swap3A_1041 = tpu.vector_load %arg13[%swap3A_1040] {strides = array<i32>} : memref<1024xf32, #tpu.memory_space<vmem>>, vector<16xf32>,
    tpu.vector_store %arg13[%swap3A_1040], %add3A_1039 {strides = array<i32>} : memref<1024xf32, #tpu.memory_space<vmem>>, vector<16xf32>,
    %get3A_1042 = arith.constant 912 : index
    %get3A_1043 = tpu.vector_load %arg13[%get3A_1042] {strides = array<i32>} : memref<1024xf32, #tpu.memory_space<vmem>>, vector<16xf32>,
    %add3A_1044 = arith.addf %get3A_1043, %select_n3A_756 : vector<16xf32>
    %swap3A_1045 = arith.constant 912 : index
    %swap3A_1046 = tpu.vector_load %arg13[%swap3A_1045] {strides = array<i32>} : memref<1024xf32, #tpu.memory_space<vmem>>, vector<16xf32>,
    tpu.vector_store %arg13[%swap3A_1045], %add3A_1044 {strides = array<i32>} : memref<1024xf32, #tpu.memory_space<vmem>>, vector<16xf32>,
    %get3A_1047 = arith.constant 928 : index
    %get3A_1048 = tpu.vector_load %arg13[%get3A_1047] {strides = array<i32>} : memref<1024xf32, #tpu.memory_space<vmem>>, vector<16xf32>,
    %add3A_1049 = arith.addf %get3A_1048, %select_n3A_756 : vector<16xf32>
    %swap3A_1050 = arith.constant 928 : index
    %swap3A_1051 = tpu.vector_load %arg13[%swap3A_1050] {strides = array<i32>} : memref<1024xf32, #tpu.memory_space<vmem>>, vector<16xf32>,
    tpu.vector_store %arg13[%swap3A_1050], %add3A_1049 {strides = array<i32>} : memref<1024xf32, #tpu.memory_space<vmem>>, vector<16xf32>,
    %get3A_1052 = arith.constant 944 : index
    %get3A_1053 = tpu.vector_load %arg13[%get3A_1052] {strides = array<i32>} : memref<1024xf32, #tpu.memory_space<vmem>>, vector<16xf32>,
    %add3A_1054 = arith.addf %get3A_1053, %select_n3A_756 : vector<16xf32>
    %swap3A_1055 = arith.constant 944 : index
    %swap3A_1056 = tpu.vector_load %arg13[%swap3A_1055] {strides = array<i32>} : memref<1024xf32, #tpu.memory_space<vmem>>, vector<16xf32>,
    tpu.vector_store %arg13[%swap3A_1055], %add3A_1054 {strides = array<i32>} : memref<1024xf32, #tpu.memory_space<vmem>>, vector<16xf32>,
    %get3A_1057 = arith.constant 960 : index
    %get3A_1058 = tpu.vector_load %arg13[%get3A_1057] {strides = array<i32>} : memref<1024xf32, #tpu.memory_space<vmem>>, vector<16xf32>,
    %add3A_1059 = arith.addf %get3A_1058, %select_n3A_756 : vector<16xf32>
    %swap3A_1060 = arith.constant 960 : index
    %swap3A_1061 = tpu.vector_load %arg13[%swap3A_1060] {strides = array<i32>} : memref<1024xf32, #tpu.memory_space<vmem>>, vector<16xf32>,
    tpu.vector_store %arg13[%swap3A_1060], %add3A_1059 {strides = array<i32>} : memref<1024xf32, #tpu.memory_space<vmem>>, vector<16xf32>,
    %get3A_1062 = arith.constant 976 : index
    %get3A_1063 = tpu.vector_load %arg13[%get3A_1062] {strides = array<i32>} : memref<1024xf32, #tpu.memory_space<vmem>>, vector<16xf32>,
    %add3A_1064 = arith.addf %get3A_1063, %select_n3A_756 : vector<16xf32>
    %swap3A_1065 = arith.constant 976 : index
    %swap3A_1066 = tpu.vector_load %arg13[%swap3A_1065] {strides = array<i32>} : memref<1024xf32, #tpu.memory_space<vmem>>, vector<16xf32>,
    tpu.vector_store %arg13[%swap3A_1065], %add3A_1064 {strides = array<i32>} : memref<1024xf32, #tpu.memory_space<vmem>>, vector<16xf32>,
    %get3A_1067 = arith.constant 992 : index
    %get3A_1068 = tpu.vector_load %arg13[%get3A_1067] {strides = array<i32>} : memref<1024xf32, #tpu.memory_space<vmem>>, vector<16xf32>,
    %add3A_1069 = arith.addf %get3A_1068, %select_n3A_756 : vector<16xf32>
    %swap3A_1070 = arith.constant 992 : index
    %swap3A_1071 = tpu.vector_load %arg13[%swap3A_1070] {strides = array<i32>} : memref<1024xf32, #tpu.memory_space<vmem>>, vector<16xf32>,
    tpu.vector_store %arg13[%swap3A_1070], %add3A_1069 {strides = array<i32>} : memref<1024xf32, #tpu.memory_space<vmem>>, vector<16xf32>,
    %get3A_1072 = arith.constant 1008 : index
    %get3A_1073 = tpu.vector_load %arg13[%get3A_1072] {strides = array<i32>} : memref<1024xf32, #tpu.memory_space<vmem>>, vector<16xf32>,
    %add3A_1074 = arith.addf %get3A_1073, %select_n3A_756 : vector<16xf32>
    %swap3A_1075 = arith.constant 1008 : index
    %swap3A_1076 = tpu.vector_load %arg13[%swap3A_1075] {strides = array<i32>} : memref<1024xf32, #tpu.memory_space<vmem>>, vector<16xf32>,
    tpu.vector_store %arg13[%swap3A_1075], %add3A_1074 {strides = array<i32>} : memref<1024xf32, #tpu.memory_space<vmem>>, vector<16xf32>,
    %eq3A = arith.constant 0 : i32
    %eq3A_1077 = arith.cmpi eq, %arg0, %eq3A : i32
    %convert_element_type3A = arith.extui %eq3A_1077 : i1 to i32
    %cond3A = arith.constant 0 : i32
    %cond3A_1078 = arith.cmpi ne, %convert_element_type3A, %cond3A : i32
    scf.if %cond3A_1078 {
      "tpu.region"() ({
        %run_scoped3A_1086 = tpu.sem_alloc : memref<!tpu.dma_semaphore, #tpu.memory_space<semaphore_mem>>
        %dma_start3A_1087 = tpu.memref_slice %arg7[%mul3A_4] : memref<16384xf32, #tpu.memory_space<hbm>> -> memref<1024xf32, #tpu.memory_space<hbm>>
        %dma_start3A_1088 = tpu.memref_slice %arg7[%mul3A_4] : memref<16384xf32, #tpu.memory_space<hbm>> -> memref<1024xf32, #tpu.memory_space<hbm>>
        tpu.enqueue_dma source(%arg13 : memref<1024xf32, #tpu.memory_space<vmem>>) target(%dma_start3A_1088 : memref<1024xf32, #tpu.memory_space<hbm>>) target_semaphore(%run_scoped3A_1086 : memref<!tpu.dma_semaphore, #tpu.memory_space<semaphore_mem>>)
        %dma_wait3A_1089 = tpu.memref_slice %arg7[%mul3A_4] : memref<16384xf32, #tpu.memory_space<hbm>> -> memref<1024xf32, #tpu.memory_space<hbm>>
        %dma_wait3A_1090 = tpu.memref_slice %arg7[%mul3A_4] : memref<16384xf32, #tpu.memory_space<hbm>> -> memref<1024xf32, #tpu.memory_space<hbm>>
        tpu.wait_dma2 semaphore(%run_scoped3A_1086 : memref<!tpu.dma_semaphore, #tpu.memory_space<semaphore_mem>>) src(%arg13 : memref<1024xf32, #tpu.memory_space<vmem>>) dst(%dma_wait3A_1090 : memref<1024xf32, #tpu.memory_space<hbm>>)
        tpu.yield
      }) : () -> ()
    } else {
    }
    %dma_wait3A_1079 = arith.constant 0 : i32
    %dma_wait3A_1080 = tpu.memref_slice %arg6[%dma_wait3A_1079] : memref<1048576xf32, #tpu.memory_space<hbm>> -> memref<32768xf32, #tpu.memory_space<hbm>>
    %dma_wait3A_1081 = arith.constant 0 : i32
    %dma_wait3A_1082 = tpu.memref_slice %arg6[%dma_wait3A_1081] : memref<1048576xf32, #tpu.memory_space<hbm>> -> memref<32768xf32, #tpu.memory_space<hbm>>
    tpu.wait_dma2 semaphore(%arg21 : memref<!tpu.dma_semaphore, #tpu.memory_space<semaphore_mem>>) src(%dma_wait3A_1082 : memref<32768xf32, #tpu.memory_space<hbm>>) dst(%arg12 : memref<32768xf32, #tpu.memory_space<vmem>>)
    %convert_element_type3A_1083 = arith.extui %gt3A_753 : i1 to i32
    %cond3A_1084 = arith.constant 0 : i32
    %cond3A_1085 = arith.cmpi ne, %convert_element_type3A_1083, %cond3A_1084 : i32
    scf.if %cond3A_1085 {
      %broadcast_in_dim3A_1086 = arith.constant 0x7FC00000 : f32
      %broadcast_in_dim3A_1087 = vector.broadcast %broadcast_in_dim3A_1086 : f32 to vector<16xf32>
      %scan3A_1088 = arith.constant 0 : i32
      %scan3A_1089 = arith.constant 0 : i32
      %scan3A_1090 = arith.constant 2048 : i32
      %scan3A_1091 = arith.addi %scan3A_1089, %scan3A_1090 : i32
      %scan3A_1092 = arith.constant 1 : i32
      scf.for %scan3A_1096 = %scan3A_1089 to %scan3A_1091 step %scan3A_1092  : i32 {
        %mul3A_1097 = arith.constant 16 : i32
        %mul3A_1098 = arith.muli %scan3A_1096, %mul3A_1097 : i32
        %swap3A_1099 = arith.index_cast %mul3A_1098 : i32 to index
        %swap3A_1100 = tpu.vector_load %arg12[%swap3A_1099] {strides = array<i32>} : memref<32768xf32, #tpu.memory_space<vmem>>, vector<16xf32>,
        tpu.vector_store %arg12[%swap3A_1099], %broadcast_in_dim3A_1087 {strides = array<i32>} : memref<32768xf32, #tpu.memory_space<vmem>>, vector<16xf32>,
      }
      %scan3A_1093 = arith.constant 2048 : i32
      %mul3A_1094 = arith.constant 64 : i32
      %mul3A_1095 = arith.muli %mul3A_2, %mul3A_1094 : i32
      "tpu.region"() ({
        %run_scoped3A_1096 = tpu.sem_alloc : memref<!tpu.dma_semaphore, #tpu.memory_space<semaphore_mem>>
        %dma_start3A_1097 = tpu.memref_slice %arg6[%mul3A_1095] : memref<1048576xf32, #tpu.memory_space<hbm>> -> memref<32768xf32, #tpu.memory_space<hbm>>
        %dma_start3A_1098 = tpu.memref_slice %arg6[%mul3A_1095] : memref<1048576xf32, #tpu.memory_space<hbm>> -> memref<32768xf32, #tpu.memory_space<hbm>>
        tpu.enqueue_dma source(%arg12 : memref<32768xf32, #tpu.memory_space<vmem>>) target(%dma_start3A_1098 : memref<32768xf32, #tpu.memory_space<hbm>>) target_semaphore(%run_scoped3A_1096 : memref<!tpu.dma_semaphore, #tpu.memory_space<semaphore_mem>>)
        %dma_wait3A_1099 = tpu.memref_slice %arg6[%mul3A_1095] : memref<1048576xf32, #tpu.memory_space<hbm>> -> memref<32768xf32, #tpu.memory_space<hbm>>
        %dma_wait3A_1100 = tpu.memref_slice %arg6[%mul3A_1095] : memref<1048576xf32, #tpu.memory_space<hbm>> -> memref<32768xf32, #tpu.memory_space<hbm>>
        tpu.wait_dma2 semaphore(%run_scoped3A_1096 : memref<!tpu.dma_semaphore, #tpu.memory_space<semaphore_mem>>) src(%arg12 : memref<32768xf32, #tpu.memory_space<vmem>>) dst(%dma_wait3A_1100 : memref<32768xf32, #tpu.memory_space<hbm>>)
        tpu.yield
      }) : () -> ()
    } else {
    }
    return
  }
}

</mosaic_0001>

<sc_bundles>
// kernel: _last_message_gather.3.cloned.1.call-start
scs
__scs_entry_jumppad:
0x0: {  	(pc) =	sbr.rel $0x88, $3  }
0x1: {  	(tag) =	ssettag $0x0;
	lr =	simm.s32 $0x1  }
0x2: {  	[smem:$0x3F9D] =	sst lr;
	_ =	strace $0xD0000000  }
0x3: {  	_ = 	snop  }
0x4: {  	_ = 	snop  }
0x5: {  	_ = 	snop  }
0x6: {  	_ = 	snop  }
0x7: {  	_ = 	snop  }
__scs_overlays_trampoline_lowered:
0x8: {  	[smem:$0x3FAC] =	sst s0  }
0x9: {  	[smem:$0x3FAD] =	sst s1  }
0xa: {  	[smem:$0x3FAE] =	sst s2  }
0xb: {  	[smem:$0x3FAF] =	sst s3  }
0xc: {  	[smem:$0x3FB0] =	sst s4  }
0xd: {  	[smem:$0x3FB1] =	sst s5  }
0xe: {  	[smem:$0x3FB2] =	sst s6  }
0xf: {  	[smem:$0x3FB3] =	sst s7  }
0x10: {  	[smem:$0x3FB4] =	sst s8  }
0x11: {  	[smem:$0x3FB5] =	sst s9;
	s0 =	simm.s32 @!p0 $0x0  }
0x12: {  	s1 =	sld [smem:$0x3F9B];
	s0 =	simm.s32 @p0 $0x1  }
0x13: {  	[smem:$0x3FB6] =	sst s0;
	s0 =	simm.s32 @!p1 $0x0  }
0x14: {  	s2 =	sld [smem:$0x3F9A];
	s0 =	simm.s32 @p1 $0x1  }
0x15: {  	[smem:$0x3FB7] =	sst s0;
	s0 =	simm.s32 @!p2 $0x0  }
0x16: {  	s3 =	sld [smem:$0x3FDB];
	s0 =	simm.s32 @p2 $0x1  }
0x17: {  	s4 =	simm.s32 $0x1BF5;
	[smem:$0x3FB9] =	sst s0  }
0x18: {  	s0 =	sld [smem:$0x3F9C];
	_ =	swait.ge [sflag:s4], $0x0  }
0x19: {  	s7 =	sld [smem:$0x3F9D]  }
0x1a: {  	s8 =	sadd.s32 $0xFFFFE003, lr  }
0x1b: {  	s9 =	sadd.s32 $0xFFFFFEF7, lr;
	s5 =	simm.s32 $0xFFFFFFFF;
	p2 =	slt.u32 s8, $0xFFFFF086  }
0x1c: {  	p1 =	slt.u32 s9, $0xF7A;
	s5 =	simm.s32 @!p2 $0x0  }
0x1d: {  	s5 =	simm.s32 @p1 $0x1;
	p0 =	seq.s32 s7, s2  }
0x1e: {  	s7 =	smul.u32 @!p0 $0xF7A, s2;
	p2 =	seq.s32 @!p0 s5, $0x0  }
0x1f: {  	s9 =	smul.u32 $0xF7A, s1;
	s8 =	simm.s32 @!p0 $0x1BF5;
	p2 =	por !p2, p0  }
0x20: {  	[sflag:s8] =	ssyncset.s32 @!p0 $0xFFFFF086;
	s6 =	sadd.s32 @!p0 s3, s7;
	s7 =	simm.s32 @!p0 $0x108  }
0x21: {  	s3 =	sadd.s32 s3, s9;
	s6 =	sadd.s32 @!p0 $0x88, s6;
	s7 =	simm.s32 @p2 $0x1082  }
0x22: {  	[simem:s7], [sflag:s8] =	dma.local @!p0 [hbm:s6], $0xF7A  }
0x23: {  	s9 =	sor.u32 $0xD0000000, s2;
	s6 =	simm.s32 $0x108;
	_ =	swait.ge @!p0 [sflag:s8], $0x0  }
0x24: {  	s3 =	sadd.s32 $0x88, s3;
	s6 =	simm.s32 @!p1 $0x1082;
	[sflag:s4] =	ssyncset.s32 $0xFFFFF086  }
0x25: {  	[simem:s6], [sflag:s4] =	dma.local [hbm:s3], $0xF7A  }
0x26: {  	[smem:$0x3F9D] =	sst s1;
	(tag) =	ssettag s2;
	_ =	strace s9  }
0x27: {  	s1 =	sld [smem:$0x3FAD]  }
0x28: {  	s2 =	sld [smem:$0x3FAE]  }
0x29: {  	s4 =	sld [smem:$0x3FB0]  }
0x2a: {  	p0 =	seq.s32 s5, $0x0;
	s5 =	sld [smem:$0x3FB1]  }
0x2b: {  	s6 =	sld [smem:$0x3FB2]  }
0x2c: {  	s7 =	sld [smem:$0x3FB3]  }
0x2d: {  	s3 =	simm.s32 $0x108;
	s8 =	sld [smem:$0x3FB4]  }
0x2e: {  	s3 =	simm.s32 @!p0 $0x1082;
	s9 =	sld [smem:$0x3FB5]  }
0x2f: {  	lr =	sadd.s32 s0, s3;
	s0 =	sld [smem:$0x3FAC]  }
0x30: {  	s3 =	sld [smem:$0x3FAF]  }
0x31: {  	[smem:$0x3FB8] =	sst s10  }
0x32: {  	s10 =	sld [smem:$0x3FB6];
	_ =	sdelay $0x3  }
0x33: {  	p0 =	seq.s32 s10, $0x1;
	s10 =	sld [smem:$0x3FB8];
	_ =	sdelay $0x3  }
0x34: {  	[smem:$0x3FB8] =	sst s10  }
0x35: {  	s10 =	sld [smem:$0x3FB7];
	_ =	sdelay $0x3  }
0x36: {  	p1 =	seq.s32 s10, $0x1;
	s10 =	sld [smem:$0x3FB8];
	_ =	sdelay $0x3  }
0x37: {  	[smem:$0x3FB8] =	sst s10  }
0x38: {  	s10 =	sld [smem:$0x3FB9]  }
0x39: {  	_ = 	snop;
	(pc) =	sbr.ind lr, $3  }
0x3a: {  	_ = 	snop  }
0x3b: {  	_ = 	snop  }
0x3c: {  	p2 =	seq.s32 s10, $0x1;
	s10 =	sld [smem:$0x3FB8]  }
0x3d: {  	_ =	shalt  }
0x3e: {  	_ =	shalt  }
0x3f: {  	_ =	shalt  }
0x40: {  	_ =	shalt  }
0x41: {  	_ =	shalt  }
0x42: {  	_ =	shalt  }
0x43: {  	_ =	shalt  }
0x44: {  	_ =	shalt  }
0x45: {  	_ =	shalt  }
0x46: {  	_ =	shalt  }
0x47: {  	_ =	shalt  }
0x48: {  	_ =	shalt  }
0x49: {  	_ =	shalt  }
0x4a: {  	_ =	shalt  }
0x4b: {  	_ =	shalt  }
0x4c: {  	_ =	shalt  }
0x4d: {  	_ =	shalt  }
0x4e: {  	_ =	shalt  }
0x4f: {  	_ =	shalt  }
0x50: {  	_ =	shalt  }
0x51: {  	_ =	shalt  }
0x52: {  	_ =	shalt  }
0x53: {  	_ =	shalt  }
0x54: {  	_ =	shalt  }
0x55: {  	_ =	shalt  }
0x56: {  	_ =	shalt  }
0x57: {  	_ =	shalt  }
0x58: {  	_ =	shalt  }
0x59: {  	_ =	shalt  }
0x5a: {  	_ =	shalt  }
0x5b: {  	_ =	shalt  }
0x5c: {  	_ =	shalt  }
0x5d: {  	_ =	shalt  }
0x5e: {  	_ =	shalt  }
0x5f: {  	_ =	shalt  }
0x60: {  	_ =	shalt  }
0x61: {  	_ =	shalt  }
0x62: {  	_ =	shalt  }
0x63: {  	_ =	shalt  }
0x64: {  	_ =	shalt  }
0x65: {  	_ =	shalt  }
0x66: {  	_ =	shalt  }
0x67: {  	_ =	shalt  }
0x68: {  	_ =	shalt  }
0x69: {  	_ =	shalt  }
0x6a: {  	_ =	shalt  }
0x6b: {  	_ =	shalt  }
0x6c: {  	_ =	shalt  }
0x6d: {  	_ =	shalt  }
0x6e: {  	_ =	shalt  }
0x6f: {  	_ =	shalt  }
0x70: {  	_ =	shalt  }
0x71: {  	_ =	shalt  }
0x72: {  	_ =	shalt  }
0x73: {  	_ =	shalt  }
0x74: {  	_ =	shalt  }
0x75: {  	_ =	shalt  }
0x76: {  	_ =	shalt  }
0x77: {  	_ =	shalt  }
0x78: {  	_ =	shalt  }
0x79: {  	_ =	shalt  }
0x7a: {  	_ =	shalt  }
0x7b: {  	_ =	shalt  }
0x7c: {  	_ =	shalt  }
0x7d: {  	_ =	shalt  }
0x7e: {  	_ =	shalt  }
0x7f: {  	_ =	shalt  }
0x80: {  	_ =	shalt  }
0x81: {  	_ =	shalt  }
0x82: {  	_ =	shalt  }
0x83: {  	_ =	shalt  }
0x84: {  	_ =	shalt  }
0x85: {  	_ =	shalt  }
0x86: {  	_ =	shalt  }
0x87: {  	_ =	shalt  }
.Lfunc_end0:
.L_simem_size_0:
called_computation_lowered:
.L_overlay_start_0:
0x88: {  	s2 =	sld [smem:$0x3FD9]  }
0x89: {  	s3 =	sld [smem:$0x3FFE];
	_ =	sdelay $0x1  }
0x8a: {  	s1 =	srdreg.scid  }
0x8b: {  	s0 =	sand.u32 $0x1, s1  }
0x8c: {  	s15 =	sshll.u32 s0, $0xA;
	s2 =	sadd.s32 s3, s2  }
0x8d: {  	s2 =	sadd.s32 s2, s15  }
0x8e: {  	[smem:$0x3FC4] =	sst s2  }
0x8f: {  	_ = 	snop  }
0x90: {  	s2 =	sld [smem:$0x3FC9]  }
0x91: {  	s16 =	sld [smem:$0x3FD0]  }
0x92: {  	s4 =	sld [smem:$0x3FC8]  }
0x93: {  	s5 =	sld [smem:$0x3FC7]  }
0x94: {  	s7 =	simm.s32 $0xA;
	s8 =	simm.s32 $0x10;
	s6 =	sld [smem:$0x3FC6]  }
0x95: {  	[smem:s8], [sflag:s7] =	dma.local [hbm:s16], $0x1  }
0x96: {  	_ =	swait.eq [sflag:s7], $0x1  }
0x97: {  	[sflag:s7] =	ssyncset.done $0x0  }
0x98: {  	s17 =	sld [smem:$0x10];
	[sflag:s7] =	ssyncadd.s32 $0xFFFFFFFF  }
0x99: {  	s18 =	sld [smem:$0x11];
	(tm) =	ssettm $0x1  }
0x9a: {  	s19 =	sld [smem:$0x3FFB];
	_ =	sdelay $0x3  }
0x9b: {  	_ =	strace s19  }
0x9c: {  	s8 =	sld [smem:$0x3FFC];
	_ =	sdelay $0x3  }
0x9d: {  	_ =	strace s8  }
0x9e: {  	s8 =	sld [smem:$0x3FFD];
	_ =	sdelay $0x3  }
0x9f: {  	_ =	strace s8  }
0xa0: {  	_ =	strace $0x8FFFFFFF  }
0xa1: {  	s20 =	sld [smem:$0x3FDB];
	_ =	sdelay $0x1  }
0xa2: {  	s9 =	simm.s32 $_scs_section_size  }
0xa3: {  	s10 =	simm.s32 $_size__tile_overlayer_lowered;
	s11 =	simm.s32 $_tile_overlayer_lowered  }
0xa4: {  	s23 =	simm.s32 $0x1BFF;
	s22 =	sshll.u32 s11, $0x1;
	s8 =	sadd.s32 s9, s20  }
0xa5: {  	s12 =	simm.s32 $0x0;
	s21 =	sshll.u32 s10, $0x1;
	s10 =	sadd.s32 s22, s8  }
0xa6: {  	[timem:s12], [sflag:s23] =	dma.local [hbm:s10], s21  }
0xa7: {  	_ =	swait.ge [sflag:s23], s21  }
0xa8: {  	s9 =	ssub.s32 $0x0, s21;
	[sflag:s23] =	ssyncset.done $0x0  }
0xa9: {  	[sflag:s23] =	ssyncadd.s32 s9;
	_ =	sdelay $0x1  }
0xaa: {  	s24 =	simm.s32 $0x1B8B  }
0xab: {  	_ =	swait.ge [sflag:s24], $0x1  }
0xac: {  	[sflag:s24] =	ssyncset.done $0x0  }
0xad: {  	s25 =	simm.s32 $0x1B8E;
	[sflag:s24] =	ssyncadd.s32 $0xFFFFFFFF  }
0xae: {  	s26 =	simm.s32 $execute0_lowered;
	[smem:$0x3FD2] =	sst s25  }
0xaf: {  	s9 =	sshll.u32 s26, $0x1;
	_ =	strace $0x80000046;
	[dreg:$0x1] =	wrdreg $0xFFFFFFFF  }
0xb0: {  	s28 =	simm.s32 $_size_execute0_lowered;
	s8 =	sadd.s32 s8, s9;
	[dreg:$0x0] =	wrdreg $0x0  }
0xb1: {  	s9 =	sshll.u32 s28, $0x1;
	[dreg:$0x2] =	wrdreg s8  }
0xb2: {  	[dreg:$0x3] =	wrdreg s9  }
0xb3: {  	[dreg:$0x4] =	wrdreg $0xC0  }
0xb4: {  	_ =	task [dreg:s12], $0x5FFFF  }
0xb5: {  	[dreg:$0x1] =	wrdreg $0xFFFFFFFF  }
0xb6: {  	[dreg:$0x0] =	wrdreg $0x60  }
0xb7: {  	[dreg:$0x2] =	wrdreg s2  }
0xb8: {  	[dreg:$0x3] =	wrdreg s4  }
0xb9: {  	[dreg:$0x4] =	wrdreg s5  }
0xba: {  	[dreg:$0x5] =	wrdreg s6  }
0xbb: {  	[dreg:$0x6] =	wrdreg s17  }
0xbc: {  	[dreg:$0x7] =	wrdreg s18  }
0xbd: {  	[dreg:$0x8] =	wrdreg $0x197000  }
0xbe: {  	[dreg:$0x9] =	wrdreg $0x9  }
0xbf: {  	_ =	task.clear_ibuf [dreg:s12], $0xAFFFF;
	_ =	strace $0x90000046  }
0xc0: {  	s29 =	simm.s32 $0x9;
	_ =	strace $0x80000048  }
0xc1: {  	_ =	swait.ge [sflag:s29], $0x1  }
0xc2: {  	[sflag:s29] =	ssyncadd.s32 $0xFFFFFFFF  }
0xc3: {  	_ =	strace $0x90000048  }
0xc4: {  	_ =	sfence  }
0xc5: {  	s30 =	sld [smem:$0x0];
	_ =	sdelay $0x2  }
0xc6: {  	s31 =	sshll.u32 s1, $0xD;
	s1 =	sshrl.u32 s1, $0x2  }
0xc7: {  	s3 =	sand.u32 $0x4000, s31;
	s1 =	sadd.s32 s1, s30  }
0xc8: {  	s0 =	sor.u32 s3, s0;
	s1 =	sshll.u32 s1, $0x11  }
0xc9: {  	s0 =	sor.u32 s1, s0  }
0xca: {  	s0 =	sadd.s32 $0x8F2B, s0  }
0xcb: {  	[sflag:s0] =	ssyncadd.remote.s32 $0x1  }
0xcc: {  	_ =	sfence.sel $0xFFFF  }
0xcd: {  	[dreg:$0x0] =	wrdreg $0xFFFFFFFF;
	(pc) =	sbr.abs _section_cstart, $3  }
0xce: {  	[dreg:$0x1] =	wrdreg $0xFFFFFFFF  }
0xcf: {  	_ =	task.clear_ibuf [dreg:s12], $0x2FFFF;
	_ =	strace $0x9FFFFFFF  }
0xd0: {  	(tm) =	ssettm $0x7FFFFFFF  }
0xd1: {  	_ =	shalt  }
tec
execute0_lowered:
.L_overlay_start_1:
0x0: {  	(tag) =	ssettag $0x1  }
0x1: {  	s0 =	rddreg [dreg:$0x0]  }
0x2: {  	s3 =	rddreg [dreg:$0x1]  }
0x3: {  	s1 =	rddreg [dreg:$0x2]  }
0x4: {  	s2 =	rddreg [dreg:$0x3]  }
0x5: {  	s4 =	rddreg [dreg:$0x4]  }
0x6: {  	s6 =	rddreg [dreg:$0x5]  }
0x7: {  	s14 =	rddreg [dreg:$0x6]  }
0x8: {  	s5 =	simm.s32 $0x0;
	s7 =	srdreg.scid;
	s13 =	stileid.u32  }
0x9: {  	s31 =	simm.s32 $0x80;
	s28 =	simm.s32 $0x1;
	s29 =	simm.s32 $0x3  }
0xa: {  	s30 =	simm.s32 $0x10680;
	[smem:$0x7FF] =	sst s5;
	s8 =	sand.u32 $0x1, s7  }
0xb: {  	s24 =	sshll.u32 s13, $0x1;
	s12 =	sshll.u32 s13, $0x7;
	s23 =	sshll.u32 s13, $0xD  }
0xc: {  	_ =	strace $0x80000047;
	s9 =	ssub.s32 $0x2, s8;
	s10 =	sor.u32 s8, s24  }
0xd: {  	s7 =	sadd.s32 s0, s12;
	s20 =	sadd.s32 s3, s12;
	s22 =	sadd.s32 s12, s14  }
0xe: {  	s24 =	sadd.s32 s6, s12;
	p0 =	sne.s32 s8, $0x0;
	s3 =	simm.s32 $0x7A1400  }
0xf: {  	s6 =	simm.s32 $0xC680;
	s25 =	sshrl.u32 s9, $0x1;
	[dreg:$0x10] =	wrdreg s20  }
0x10: {  	s11 =	sshll.u32 s10, $0x6;
	s15 =	sadd.s32 $0x30, s7;
	[dreg:$0x12] =	wrdreg s22  }
0x11: {  	s16 =	sadd.s32 $0x40, s7;
	s17 =	sadd.s32 $0x50, s7;
	[dreg:$0x13] =	wrdreg s24  }
0x12: {  	s18 =	sadd.s32 $0x60, s7;
	s19 =	sadd.s32 $0x70, s7;
	[dreg:$0xb] =	wrdreg s15  }
0x13: {  	s21 =	sshll.u32 s10, $0xC;
	s22 =	simm.s32 $0x6680;
	[dreg:$0xc] =	wrdreg s16  }
0x14: {  	s24 =	simm.s32 $0xA680;
	s10 =	simm.s32 $0x0;
	[dreg:$0xd] =	wrdreg s17  }
0x15: {  	s9 =	ssub.s32 s9, s25;
	s26 =	sadd.s32 s0, s11;
	[dreg:$0xe] =	wrdreg s18  }
0x16: {  	v0 =	vlaneseq.u32;
	s0 =	sadd.s32 $0x10, s7;
	s11 =	sadd.s32 $0x20, s7;
	[dreg:$0xf] =	wrdreg s19  }
0x17: {  	v0 =	vmul.u32 $0x80, v0;
	s25 =	sshll.u32 s8, $0xC;
	s16 =	simm.s32 $0x4680;
	[dreg:$0x8] =	wrdreg s26  }
0x18: {  	v16 =	vimm.f32 $0.0e+00;
	v17 =	vimm.f32 $NaN;
	s8 =	simm.s32 $0x2;
	s19 =	simm.s32 $0x600;
	[dreg:$0x9] =	wrdreg s0  }
.Ltmp0:
0x19: {  	v1 =	vor.u32 $0x800, v0;
	v2 =	vor.u32 $0x1000, v0;
	v3 =	vor.u32 $0x1800, v0;
	[dreg:$0xa] =	wrdreg s11;
	s0 =	sadd.s32 s4, s21;
	(pc) =	sbr.rel .LBB2_1-.Ltmp0, $4  }
0x1a: {  	v4 =	vor.u32 $0x2000, v0;
	v5 =	vor.u32 $0x2800, v0;
	v6 =	vor.u32 $0x3000, v0;
	s26 =	smax.u32 s9, $0x1;
	s21 =	simm.s32 $0x5;
	[dreg:$0x11] =	wrdreg s0  }
0x1b: {  	v7 =	vor.u32 $0x3800, v0;
	v8 =	vor.u32 $0x4000, v0;
	v9 =	vor.u32 $0x4800, v0;
	s9 =	simm.s32 $0x4;
	s0 =	sadd.s32 s23, s4;
	[dreg:$0x14] =	wrdreg s26  }
0x1c: {  	v10 =	vor.u32 $0x5000, v0;
	v11 =	vor.u32 $0x5800, v0;
	v12 =	vor.u32 $0x6000, v0;
	s4 =	simm.s32 $0x680;
	s23 =	simm.s32 $0x8680;
	s26 =	simm.s32 $0xE680  }
0x1d: {  	v13 =	vor.u32 $0x6800, v0;
	v14 =	vor.u32 $0x7000, v0;
	v15 =	vor.u32 $0x7800, v0;
	s15 =	sadd.s32 s25, s0;
	s25 =	simm.s32 $0x400;
	s0 =	simm.s32 $0x2680  }
.LBB2_6:
0x1e: {  	[tilespmem:s12+$0x10680] =	vst v17;
	s11 =	rddreg [dreg:$0x11]  }
0x1f: {  	[hbm4b:s11+s5] =	stream.linear.scatter [tilespmem:s30], [sflag:$0x5], $0x8000, $0x38;
	[tilespmem:$0x19710] =	vst v63  }
0x20: {  	_ =	swait.ge [sflag:s21], $0x8000  }
0x21: {  	[sflag:s21] =	ssyncset.done $0x0  }
0x22: {  	[sflag:s21] =	ssyncadd.s32 $0xFFFF8000  }
.LBB2_7:
0x23: {  	s10 =	sadd.s32 $0x1, s10;
	s11 =	rddreg [dreg:$0x14]  }
0x24: {  	p1 =	sne.s32 s10, s11  }
.Ltmp1:
0x25: {  	_ = 	snop;
	(pc) =	sbr.rel @!p1 .LBB2_8-.Ltmp1, $1  }
0x26: {  	_ =	sdelay $0x3  }
.LBB2_1:
0x27: {  	s11 =	rddreg [dreg:$0x8]  }
0x28: {  	[tilespmem:s5], [sflag:$0x5] =	stream.linear.gather [hbm4b:s11+s5], $0x200, $0x38;
	[tilespmem:$0x19710] =	vst v63  }
0x29: {  	_ =	swait.ge [sflag:s21], $0x200  }
0x2a: {  	[sflag:s21] =	ssyncset.done $0x0  }
0x2b: {  	s12 =	simm.s32 $0x280;
	[sflag:s21] =	ssyncadd.s32 $0xFFFFFE00  }
0x2c: {  	[tilespmem:s12], [sflag:$0x5] =	stream.linear.gather [hbm4b:s7+s5], $0x80, $0x38;
	[tilespmem:$0x19710] =	vst v63  }
0x2d: {  	_ =	swait.ge [sflag:s21], $0x80  }
0x2e: {  	[sflag:s21] =	ssyncset.done $0x0  }
0x2f: {  	s13 =	simm.s32 $0x300;
	s18 =	rddreg [dreg:$0x9];
	[sflag:s21] =	ssyncadd.s32 $0xFFFFFF80  }
0x30: {  	[tilespmem:s13], [sflag:$0x5] =	stream.linear.gather [hbm4b:s18+s5], $0x80, $0x38;
	[tilespmem:$0x19710] =	vst v63  }
0x31: {  	_ =	swait.ge [sflag:s21], $0x80  }
0x32: {  	[sflag:s21] =	ssyncset.done $0x0  }
0x33: {  	s14 =	simm.s32 $0x380;
	s20 =	rddreg [dreg:$0xa];
	[sflag:s21] =	ssyncadd.s32 $0xFFFFFF80  }
0x34: {  	[tilespmem:s14], [sflag:$0x5] =	stream.linear.gather [hbm4b:s20+s5], $0x80, $0x38;
	[tilespmem:$0x19710] =	vst v63  }
0x35: {  	_ =	swait.ge [sflag:s21], $0x80  }
0x36: {  	[sflag:s21] =	ssyncset.done $0x0  }
0x37: {  	s17 =	rddreg [dreg:$0xb];
	[sflag:s21] =	ssyncadd.s32 $0xFFFFFF80  }
0x38: {  	[tilespmem:s25], [sflag:$0x5] =	stream.linear.gather [hbm4b:s17+s5], $0x80, $0x38;
	[tilespmem:$0x19710] =	vst v63  }
0x39: {  	_ =	swait.ge [sflag:s21], $0x80  }
0x3a: {  	[sflag:s21] =	ssyncset.done $0x0  }
0x3b: {  	s17 =	simm.s32 $0x480;
	s18 =	rddreg [dreg:$0xc];
	[sflag:s21] =	ssyncadd.s32 $0xFFFFFF80  }
0x3c: {  	[tilespmem:s17], [sflag:$0x5] =	stream.linear.gather [hbm4b:s18+s5], $0x80, $0x38;
	[tilespmem:$0x19710] =	vst v63  }
0x3d: {  	_ =	swait.ge [sflag:s21], $0x80  }
0x3e: {  	[sflag:s21] =	ssyncset.done $0x0  }
0x3f: {  	s18 =	simm.s32 $0x500;
	s20 =	rddreg [dreg:$0xd];
	[sflag:s21] =	ssyncadd.s32 $0xFFFFFF80  }
0x40: {  	[tilespmem:s18], [sflag:$0x5] =	stream.linear.gather [hbm4b:s20+s5], $0x80, $0x38;
	[tilespmem:$0x19710] =	vst v63  }
0x41: {  	_ =	swait.ge [sflag:s21], $0x80  }
0x42: {  	[sflag:s21] =	ssyncset.done $0x0  }
0x43: {  	s20 =	simm.s32 $0x580;
	s11 =	rddreg [dreg:$0xe];
	[sflag:s21] =	ssyncadd.s32 $0xFFFFFF80  }
0x44: {  	[tilespmem:s20], [sflag:$0x5] =	stream.linear.gather [hbm4b:s11+s5], $0x80, $0x38;
	[tilespmem:$0x19710] =	vst v63  }
0x45: {  	_ =	swait.ge [sflag:s21], $0x80  }
0x46: {  	[sflag:s21] =	ssyncset.done $0x0  }
0x47: {  	s11 =	rddreg [dreg:$0xf];
	[sflag:s21] =	ssyncadd.s32 $0xFFFFFF80  }
0x48: {  	[tilespmem:s19], [sflag:$0x5] =	stream.linear.gather [hbm4b:s11+s5], $0x80, $0x38;
	[tilespmem:$0x19710] =	vst v63  }
0x49: {  	_ =	swait.ge [sflag:s21], $0x80  }
0x4a: {  	[sflag:s21] =	ssyncset.done $0x0  }
0x4b: {  	s11 =	simm.s32 $0x18680;
	[sflag:s21] =	ssyncadd.s32 $0xFFFFFF80  }
0x4c: {  	[tilespmem:s11], [sflag:$0x3] =	stream.indirect.gather [hbm4b:s2+s31], $0x1, s12, s31, $0xb8;
	[tilespmem:$0x19710] =	vst v63  }
0x4d: {  	s12 =	simm.s32 $0x18700  }
0x4e: {  	[tilespmem:s12], [sflag:$0x3] =	stream.indirect.gather [hbm4b:s2+s31], $0x1, s13, s31, $0xb8;
	[tilespmem:$0x19710] =	vst v63  }
0x4f: {  	s12 =	simm.s32 $0x18780  }
0x50: {  	[tilespmem:s12], [sflag:$0x3] =	stream.indirect.gather [hbm4b:s2+s31], $0x1, s14, s31, $0xb8;
	[tilespmem:$0x19710] =	vst v63  }
0x51: {  	s13 =	simm.s32 $0x18800  }
0x52: {  	[tilespmem:s13], [sflag:$0x3] =	stream.indirect.gather [hbm4b:s2+s31], $0x1, s25, s31, $0xb8;
	[tilespmem:$0x19710] =	vst v63  }
0x53: {  	s14 =	simm.s32 $0x18880  }
0x54: {  	[tilespmem:s14], [sflag:$0x3] =	stream.indirect.gather [hbm4b:s2+s31], $0x1, s17, s31, $0xb8;
	[tilespmem:$0x19710] =	vst v63  }
0x55: {  	s17 =	simm.s32 $0x18900  }
0x56: {  	[tilespmem:s17], [sflag:$0x3] =	stream.indirect.gather [hbm4b:s2+s31], $0x1, s18, s31, $0xb8;
	[tilespmem:$0x19710] =	vst v63  }
0x57: {  	s18 =	simm.s32 $0x18980  }
0x58: {  	[tilespmem:s18], [sflag:$0x3] =	stream.indirect.gather [hbm4b:s2+s31], $0x1, s20, s31, $0xb8;
	[tilespmem:$0x19710] =	vst v63  }
0x59: {  	s12 =	simm.s32 $0x18A00  }
0x5a: {  	[tilespmem:s12], [sflag:$0x3] =	stream.indirect.gather [hbm4b:s2+s31], $0x1, s19, s31, $0xb8;
	[tilespmem:$0x19710] =	vst v63  }
0x5b: {  	s13 =	rddreg [dreg:$0x10];
	s14 =	simm.s32 $0x18A80  }
0x5c: {  	[tilespmem:s14], [sflag:$0x5] =	stream.linear.gather [hbm4b:s13+s5], $0x400, $0x38;
	[tilespmem:$0x19710] =	vst v63  }
0x5d: {  	_ =	swait.ge [sflag:s21], $0x400  }
0x5e: {  	[sflag:s21] =	ssyncset.done $0x0  }
0x5f: {  	s17 =	simm.s32 $0x0;
	[sflag:s21] =	ssyncadd.s32 $0xFFFFFC00  }
0x60: {  	v18 =	vld [tilespmem:s17+$0x0];
	_ =	sdelay $0x4  }
0x61: {  	v19 =	vand.u32 $0xFFFFFF80, v18  }
0x62: {  	v19 =	vadd.s32 s1, v19  }
0x63: {  	(v2sf) =	vpush v19, $0x0;
	_ =	sdelay $0x1  }
0x64: {  	(v2sf) =	vpush v19, $0x1;
	_ =	sdelay $0x1  }
0x65: {  	(v2sf) =	vpush v19, $0x2;
	_ =	sdelay $0x1  }
0x66: {  	(v2sf) =	vpush v19, $0x3;
	_ =	sdelay $0x1  }
0x67: {  	(v2sf) =	vpush v19, $0x4;
	_ =	sdelay $0x1  }
0x68: {  	(v2sf) =	vpush v19, $0x5;
	_ =	sdelay $0x1  }
0x69: {  	(v2sf) =	vpush v19, $0x6;
	_ =	sdelay $0x1  }
0x6a: {  	(v2sf) =	vpush v19, $0x7  }
0x6b: {  	s18 =	spop (v2sf)  }
0x6c: {  	[tilespmem:s4], [sflag:$0x1] =	stream.strided.gather [hbm4b:s18+s25], $0x2000, s3, s25, $0x38;
	[tilespmem:$0x19710] =	vst v63  }
0x6d: {  	s20 =	spop (v2sf)  }
0x6e: {  	[tilespmem:s0], [sflag:$0x1] =	stream.strided.gather [hbm4b:s20+s25], $0x2000, s3, s25, $0x38;
	[tilespmem:$0x19710] =	vst v63  }
0x6f: {  	s12 =	spop (v2sf)  }
0x70: {  	[tilespmem:s16], [sflag:$0x1] =	stream.strided.gather [hbm4b:s12+s25], $0x2000, s3, s25, $0x38;
	[tilespmem:$0x19710] =	vst v63  }
0x71: {  	s13 =	spop (v2sf)  }
0x72: {  	[tilespmem:s22], [sflag:$0x1] =	stream.strided.gather [hbm4b:s13+s25], $0x2000, s3, s25, $0x38;
	[tilespmem:$0x19710] =	vst v63  }
0x73: {  	s14 =	spop (v2sf)  }
0x74: {  	[tilespmem:s23], [sflag:$0x2] =	stream.strided.gather [hbm4b:s14+s25], $0x2000, s3, s25, $0x38;
	[tilespmem:$0x19710] =	vst v63  }
0x75: {  	s17 =	spop (v2sf)  }
0x76: {  	[tilespmem:s24], [sflag:$0x2] =	stream.strided.gather [hbm4b:s17+s25], $0x2000, s3, s25, $0x38;
	[tilespmem:$0x19710] =	vst v63  }
0x77: {  	s18 =	spop (v2sf)  }
0x78: {  	[tilespmem:s6], [sflag:$0x2] =	stream.strided.gather [hbm4b:s18+s25], $0x2000, s3, s25, $0x38;
	[tilespmem:$0x19710] =	vst v63  }
0x79: {  	s20 =	spop (v2sf)  }
0x7a: {  	[tilespmem:s26], [sflag:$0x2] =	stream.strided.gather [hbm4b:s20+s25], $0x2000, s3, s25, $0x38;
	[tilespmem:$0x19710] =	vst v63  }
0x7b: {  	_ =	swait.ge [sflag:s28], $0x2000  }
0x7c: {  	[sflag:s28] =	ssyncset.done $0x0  }
0x7d: {  	[sflag:s28] =	ssyncadd.s32 $0xFFFFE000  }
0x7e: {  	_ =	swait.ge [sflag:s28], $0x2000  }
0x7f: {  	v18 =	vand.u32 $0x7F, v18;
	[sflag:s28] =	ssyncset.done $0x0  }
0x80: {  	v19 =	vbroadcast v18, $0x0;
	[sflag:s28] =	ssyncadd.s32 $0xFFFFE000  }
0x81: {  	_ =	swait.ge [sflag:s28], $0x2000  }
0x82: {  	v20 =	vor.u32 v0, v19;
	[sflag:s28] =	ssyncset.done $0x0  }
0x83: {  	[sflag:s28] =	ssyncadd.s32 $0xFFFFE000  }
0x84: {  	_ =	swait.ge [sflag:s28], $0x2000  }
0x85: {  	[sflag:s28] =	ssyncset.done $0x0  }
0x86: {  	[sflag:s28] =	ssyncadd.s32 $0xFFFFE000  }
0x87: {  	v20 =	vld.idx.msk [tilespmem:v20+s4+$0x0], $0xffff  }
0x88: {  	v21 =	vor.u32 v1, v19;
	_ =	sdelay $0x3  }
0x89: {  	[tilespmem:s30+$0x0] =	vst v20  }
0x8a: {  	v20 =	vld.idx.msk [tilespmem:v21+s4+$0x0], $0xffff  }
0x8b: {  	v32 =	vor.u32 v2, v19;
	_ =	sdelay $0x3  }
0x8c: {  	[tilespmem:s30+$0x10] =	vst v20  }
0x8d: {  	v20 =	vld.idx.msk [tilespmem:v32+s4+$0x0], $0xffff  }
0x8e: {  	v19 =	vor.u32 v3, v19;
	_ =	sdelay $0x3  }
0x8f: {  	v33 =	vbroadcast v18, $0x1;
	[tilespmem:s30+$0x20] =	vst v20  }
0x90: {  	v19 =	vld.idx.msk [tilespmem:v19+s4+$0x0], $0xffff  }
0x91: {  	v34 =	vor.u32 v4, v33;
	_ =	sdelay $0x3  }
0x92: {  	[tilespmem:s30+$0x30] =	vst v19  }
0x93: {  	v19 =	vld.idx.msk [tilespmem:v34+s4+$0x0], $0xffff  }
0x94: {  	v35 =	vor.u32 v5, v33;
	_ =	sdelay $0x3  }
0x95: {  	[tilespmem:s30+$0x40] =	vst v19  }
0x96: {  	v19 =	vld.idx.msk [tilespmem:v35+s4+$0x0], $0xffff  }
0x97: {  	v36 =	vor.u32 v6, v33;
	_ =	sdelay $0x3  }
0x98: {  	[tilespmem:s30+$0x50] =	vst v19  }
0x99: {  	v19 =	vld.idx.msk [tilespmem:v36+s4+$0x0], $0xffff  }
0x9a: {  	v37 =	vor.u32 v7, v33;
	_ =	sdelay $0x3  }
0x9b: {  	v38 =	vbroadcast v18, $0x2;
	[tilespmem:s30+$0x60] =	vst v19  }
0x9c: {  	v19 =	vld.idx.msk [tilespmem:v37+s4+$0x0], $0xffff  }
0x9d: {  	v39 =	vor.u32 v8, v38;
	_ =	sdelay $0x3  }
0x9e: {  	[tilespmem:s30+$0x70] =	vst v19  }
0x9f: {  	v19 =	vld.idx.msk [tilespmem:v39+s4+$0x0], $0xffff  }
0xa0: {  	v40 =	vor.u32 v9, v38;
	_ =	sdelay $0x3  }
0xa1: {  	[tilespmem:s30+$0x80] =	vst v19  }
0xa2: {  	v19 =	vld.idx.msk [tilespmem:v40+s4+$0x0], $0xffff  }
0xa3: {  	v41 =	vor.u32 v10, v38;
	_ =	sdelay $0x3  }
0xa4: {  	[tilespmem:s30+$0x90] =	vst v19  }
0xa5: {  	v19 =	vld.idx.msk [tilespmem:v41+s4+$0x0], $0xffff  }
0xa6: {  	v42 =	vor.u32 v11, v38;
	_ =	sdelay $0x3  }
0xa7: {  	v43 =	vbroadcast v18, $0x3;
	[tilespmem:s30+$0xA0] =	vst v19  }
0xa8: {  	v19 =	vld.idx.msk [tilespmem:v42+s4+$0x0], $0xffff  }
0xa9: {  	v44 =	vor.u32 v12, v43;
	_ =	sdelay $0x3  }
0xaa: {  	[tilespmem:s30+$0xB0] =	vst v19  }
0xab: {  	v19 =	vld.idx.msk [tilespmem:v44+s4+$0x0], $0xffff  }
0xac: {  	v45 =	vor.u32 v13, v43;
	_ =	sdelay $0x3  }
0xad: {  	[tilespmem:s30+$0xC0] =	vst v19  }
0xae: {  	v19 =	vld.idx.msk [tilespmem:v45+s4+$0x0], $0xffff  }
0xaf: {  	v46 =	vor.u32 v14, v43;
	_ =	sdelay $0x3  }
0xb0: {  	[tilespmem:s30+$0xD0] =	vst v19  }
0xb1: {  	v19 =	vld.idx.msk [tilespmem:v46+s4+$0x0], $0xffff  }
0xb2: {  	v47 =	vor.u32 v15, v43;
	_ =	sdelay $0x3  }
0xb3: {  	[tilespmem:s30+$0xE0] =	vst v19  }
0xb4: {  	v19 =	vld.idx.msk [tilespmem:v47+s4+$0x0], $0xffff;
	_ =	sdelay $0x4  }
0xb5: {  	[tilespmem:s30+$0xF0] =	vst v19  }
0xb6: {  	_ =	swait.ge [sflag:s8], $0x2000  }
0xb7: {  	[sflag:s8] =	ssyncset.done $0x0  }
0xb8: {  	[sflag:s8] =	ssyncadd.s32 $0xFFFFE000  }
0xb9: {  	_ =	swait.ge [sflag:s8], $0x2000  }
0xba: {  	[sflag:s8] =	ssyncset.done $0x0  }
0xbb: {  	v19 =	vbroadcast v18, $0x4;
	[sflag:s8] =	ssyncadd.s32 $0xFFFFE000  }
0xbc: {  	_ =	swait.ge [sflag:s8], $0x2000  }
0xbd: {  	v48 =	vor.u32 v0, v19;
	[sflag:s8] =	ssyncset.done $0x0  }
0xbe: {  	[sflag:s8] =	ssyncadd.s32 $0xFFFFE000  }
0xbf: {  	_ =	swait.ge [sflag:s8], $0x2000  }
0xc0: {  	[sflag:s8] =	ssyncset.done $0x0  }
0xc1: {  	[sflag:s8] =	ssyncadd.s32 $0xFFFFE000  }
0xc2: {  	v20 =	vld.idx.msk [tilespmem:v48+s23+$0x0], $0xffff  }
0xc3: {  	v49 =	vor.u32 v1, v19;
	_ =	sdelay $0x3  }
0xc4: {  	[tilespmem:s30+$0x100] =	vst v20  }
0xc5: {  	v20 =	vld.idx.msk [tilespmem:v49+s23+$0x0], $0xffff  }
0xc6: {  	v50 =	vor.u32 v2, v19;
	_ =	sdelay $0x3  }
0xc7: {  	[tilespmem:s30+$0x110] =	vst v20  }
0xc8: {  	v20 =	vld.idx.msk [tilespmem:v50+s23+$0x0], $0xffff  }
0xc9: {  	v19 =	vor.u32 v3, v19;
	_ =	sdelay $0x3  }
0xca: {  	v51 =	vbroadcast v18, $0x5;
	[tilespmem:s30+$0x120] =	vst v20  }
0xcb: {  	v19 =	vld.idx.msk [tilespmem:v19+s23+$0x0], $0xffff  }
0xcc: {  	v52 =	vor.u32 v4, v51;
	_ =	sdelay $0x3  }
0xcd: {  	[tilespmem:s30+$0x130] =	vst v19  }
0xce: {  	v19 =	vld.idx.msk [tilespmem:v52+s23+$0x0], $0xffff  }
0xcf: {  	v53 =	vor.u32 v5, v51;
	_ =	sdelay $0x3  }
0xd0: {  	[tilespmem:s30+$0x140] =	vst v19  }
0xd1: {  	v19 =	vld.idx.msk [tilespmem:v53+s23+$0x0], $0xffff  }
0xd2: {  	v54 =	vor.u32 v6, v51;
	_ =	sdelay $0x3  }
0xd3: {  	[tilespmem:s30+$0x150] =	vst v19  }
0xd4: {  	v19 =	vld.idx.msk [tilespmem:v54+s23+$0x0], $0xffff  }
0xd5: {  	v55 =	vor.u32 v7, v51;
	_ =	sdelay $0x3  }
0xd6: {  	v56 =	vbroadcast v18, $0x6;
	[tilespmem:s30+$0x160] =	vst v19  }
0xd7: {  	v19 =	vld.idx.msk [tilespmem:v55+s23+$0x0], $0xffff  }
0xd8: {  	v57 =	vor.u32 v8, v56;
	_ =	sdelay $0x3  }
0xd9: {  	[tilespmem:s30+$0x170] =	vst v19  }
0xda: {  	v19 =	vld.idx.msk [tilespmem:v57+s23+$0x0], $0xffff  }
0xdb: {  	v58 =	vor.u32 v9, v56;
	_ =	sdelay $0x3  }
0xdc: {  	[tilespmem:s30+$0x180] =	vst v19  }
0xdd: {  	v19 =	vld.idx.msk [tilespmem:v58+s23+$0x0], $0xffff  }
0xde: {  	v59 =	vor.u32 v10, v56;
	_ =	sdelay $0x3  }
0xdf: {  	[tilespmem:s30+$0x190] =	vst v19  }
0xe0: {  	v19 =	vld.idx.msk [tilespmem:v59+s23+$0x0], $0xffff  }
0xe1: {  	v60 =	vor.u32 v11, v56;
	_ =	sdelay $0x3  }
0xe2: {  	v18 =	vbroadcast v18, $0x7;
	[tilespmem:s30+$0x1A0] =	vst v19  }
0xe3: {  	v19 =	vld.idx.msk [tilespmem:v60+s23+$0x0], $0xffff  }
0xe4: {  	v61 =	vor.u32 v12, v18;
	_ =	sdelay $0x3  }
0xe5: {  	[tilespmem:s30+$0x1B0] =	vst v19  }
0xe6: {  	v19 =	vld.idx.msk [tilespmem:v61+s23+$0x0], $0xffff  }
0xe7: {  	v62 =	vor.u32 v13, v18;
	_ =	sdelay $0x3  }
0xe8: {  	[tilespmem:s30+$0x1C0] =	vst v19  }
0xe9: {  	v19 =	vld.idx.msk [tilespmem:v62+s23+$0x0], $0xffff  }
0xea: {  	v63 =	vor.u32 v14, v18;
	_ =	sdelay $0x3  }
0xeb: {  	[tilespmem:s30+$0x1D0] =	vst v19  }
0xec: {  	v19 =	vld.idx.msk [tilespmem:v63+s23+$0x0], $0xffff  }
0xed: {  	v18 =	vor.u32 v15, v18;
	_ =	sdelay $0x3  }
0xee: {  	[tilespmem:s30+$0x1E0] =	vst v19  }
0xef: {  	v18 =	vld.idx.msk [tilespmem:v18+s23+$0x0], $0xffff;
	_ =	sdelay $0x3  }
0xf0: {  	s11 =	sadd.s32 $0x40, s15;
	s12 =	simm.s32 $0x10880;
	s13 =	simm.s32 $0x8  }
0xf1: {  	s14 =	simm.s32 $0x40;
	s17 =	simm.s32 $0x10680;
	s20 =	smov.u32 s15;
	[tilespmem:s30+$0x1F0] =	vst v18  }
.LBB2_2:
0xf2: {  	[hbm4b:s20+s5] =	stream.linear.scatter [tilespmem:s17], [sflag:$0x4], $0x200, $0x38;
	[tilespmem:$0x19710] =	vst v63  }
0xf3: {  	p1 =	sne.s32 s14, $0x7E0;
	v18 =	vld [tilespmem:s13+$0x0];
	s13 =	sshra.s32 s14, $0x2;
	s14 =	sadd.s32 $0x20, s14  }
0xf4: {  	s20 =	smov.u32 s11;
	s17 =	smov.u32 s12;
	_ =	sdelay $0x3  }
0xf5: {  	v25 =	vand.u32 $0x7F, v18;
	v18 =	vand.u32 $0xFFFFFF80, v18  }
0xf6: {  	v26 =	vadd.s32 s1, v18;
	v27 =	vbroadcast v25, $0x0;
	v24 =	vbroadcast v25, $0x1  }
0xf7: {  	v23 =	vbroadcast v25, $0x2;
	v22 =	vbroadcast v25, $0x3;
	(v2sf) =	vpush v26, $0x0  }
0xf8: {  	v21 =	vbroadcast v25, $0x4;
	v20 =	vbroadcast v25, $0x5  }
0xf9: {  	v19 =	vbroadcast v25, $0x6;
	v18 =	vbroadcast v25, $0x7;
	(v2sf) =	vpush v26, $0x1;
	_ =	sdelay $0x1  }
0xfa: {  	(v2sf) =	vpush v26, $0x2;
	_ =	sdelay $0x1  }
0xfb: {  	(v2sf) =	vpush v26, $0x3;
	_ =	sdelay $0x1  }
0xfc: {  	(v2sf) =	vpush v26, $0x4;
	_ =	sdelay $0x1  }
0xfd: {  	(v2sf) =	vpush v26, $0x5;
	_ =	sdelay $0x1  }
0xfe: {  	(v2sf) =	vpush v26, $0x6;
	_ =	sdelay $0x1  }
0xff: {  	(v2sf) =	vpush v26, $0x7  }
0x100: {  	s18 =	spop (v2sf)  }
0x101: {  	[tilespmem:s4], [sflag:$0x1] =	stream.strided.gather [hbm4b:s18+s25], $0x2000, s3, s25, $0x38;
	[tilespmem:$0x19710] =	vst v63  }
0x102: {  	s18 =	spop (v2sf)  }
0x103: {  	[tilespmem:s0], [sflag:$0x1] =	stream.strided.gather [hbm4b:s18+s25], $0x2000, s3, s25, $0x38;
	[tilespmem:$0x19710] =	vst v63  }
0x104: {  	s18 =	spop (v2sf)  }
0x105: {  	[tilespmem:s16], [sflag:$0x1] =	stream.strided.gather [hbm4b:s18+s25], $0x2000, s3, s25, $0x38;
	[tilespmem:$0x19710] =	vst v63  }
0x106: {  	s18 =	spop (v2sf)  }
0x107: {  	[tilespmem:s22], [sflag:$0x1] =	stream.strided.gather [hbm4b:s18+s25], $0x2000, s3, s25, $0x38;
	[tilespmem:$0x19710] =	vst v63  }
0x108: {  	s18 =	spop (v2sf)  }
0x109: {  	[tilespmem:s23], [sflag:$0x2] =	stream.strided.gather [hbm4b:s18+s25], $0x2000, s3, s25, $0x38;
	[tilespmem:$0x19710] =	vst v63  }
0x10a: {  	s18 =	spop (v2sf)  }
0x10b: {  	[tilespmem:s24], [sflag:$0x2] =	stream.strided.gather [hbm4b:s18+s25], $0x2000, s3, s25, $0x38;
	[tilespmem:$0x19710] =	vst v63  }
0x10c: {  	s18 =	spop (v2sf)  }
0x10d: {  	[tilespmem:s6], [sflag:$0x2] =	stream.strided.gather [hbm4b:s18+s25], $0x2000, s3, s25, $0x38;
	[tilespmem:$0x19710] =	vst v63  }
0x10e: {  	s18 =	spop (v2sf)  }
0x10f: {  	[tilespmem:s26], [sflag:$0x2] =	stream.strided.gather [hbm4b:s18+s25], $0x2000, s3, s25, $0x38;
	[tilespmem:$0x19710] =	vst v63  }
0x110: {  	_ =	swait.ge [sflag:s28], $0x2000  }
0x111: {  	[sflag:s28] =	ssyncset.done $0x0  }
0x112: {  	[sflag:s28] =	ssyncadd.s32 $0xFFFFE000  }
0x113: {  	_ =	swait.ge [sflag:s28], $0x2000  }
0x114: {  	[sflag:s28] =	ssyncset.done $0x0  }
0x115: {  	[sflag:s28] =	ssyncadd.s32 $0xFFFFE000  }
0x116: {  	_ =	swait.ge [sflag:s28], $0x2000  }
0x117: {  	v25 =	vor.u32 v0, v27;
	[sflag:s28] =	ssyncset.done $0x0  }
0x118: {  	[sflag:s28] =	ssyncadd.s32 $0xFFFFE000  }
0x119: {  	_ =	swait.ge [sflag:s28], $0x2000  }
0x11a: {  	[sflag:s28] =	ssyncset.done $0x0  }
0x11b: {  	[sflag:s28] =	ssyncadd.s32 $0xFFFFE000  }
0x11c: {  	v25 =	vld.idx.msk [tilespmem:v25+s4+$0x0], $0xffff;
	_ =	sdelay $0x1  }
0x11d: {  	v26 =	vor.u32 v1, v27;
	_ =	sdelay $0x3  }
0x11e: {  	[tilespmem:s12+$0x0] =	vst v25  }
0x11f: {  	v25 =	vld.idx.msk [tilespmem:v26+s4+$0x0], $0xffff;
	_ =	sdelay $0x1  }
0x120: {  	v26 =	vor.u32 v2, v27;
	_ =	sdelay $0x3  }
0x121: {  	[tilespmem:s12+$0x10] =	vst v25  }
0x122: {  	v25 =	vld.idx.msk [tilespmem:v26+s4+$0x0], $0xffff;
	_ =	sdelay $0x1  }
0x123: {  	v26 =	vor.u32 v3, v27;
	_ =	sdelay $0x3  }
0x124: {  	[tilespmem:s12+$0x20] =	vst v25  }
0x125: {  	v25 =	vld.idx.msk [tilespmem:v26+s4+$0x0], $0xffff;
	_ =	sdelay $0x1  }
0x126: {  	v26 =	vor.u32 v4, v24;
	_ =	sdelay $0x3  }
0x127: {  	[tilespmem:s12+$0x30] =	vst v25  }
0x128: {  	v25 =	vld.idx.msk [tilespmem:v26+s4+$0x0], $0xffff;
	_ =	sdelay $0x1  }
0x129: {  	v26 =	vor.u32 v5, v24;
	_ =	sdelay $0x3  }
0x12a: {  	[tilespmem:s12+$0x40] =	vst v25  }
0x12b: {  	v25 =	vld.idx.msk [tilespmem:v26+s4+$0x0], $0xffff;
	_ =	sdelay $0x1  }
0x12c: {  	v26 =	vor.u32 v6, v24;
	_ =	sdelay $0x3  }
0x12d: {  	[tilespmem:s12+$0x50] =	vst v25  }
0x12e: {  	v25 =	vld.idx.msk [tilespmem:v26+s4+$0x0], $0xffff;
	_ =	sdelay $0x1  }
0x12f: {  	v24 =	vor.u32 v7, v24;
	_ =	sdelay $0x3  }
0x130: {  	[tilespmem:s12+$0x60] =	vst v25  }
0x131: {  	v24 =	vld.idx.msk [tilespmem:v24+s4+$0x0], $0xffff;
	_ =	sdelay $0x1  }
0x132: {  	v25 =	vor.u32 v8, v23;
	_ =	sdelay $0x3  }
0x133: {  	[tilespmem:s12+$0x70] =	vst v24  }
0x134: {  	v24 =	vld.idx.msk [tilespmem:v25+s4+$0x0], $0xffff;
	_ =	sdelay $0x1  }
0x135: {  	v25 =	vor.u32 v9, v23;
	_ =	sdelay $0x3  }
0x136: {  	[tilespmem:s12+$0x80] =	vst v24  }
0x137: {  	v24 =	vld.idx.msk [tilespmem:v25+s4+$0x0], $0xffff;
	_ =	sdelay $0x1  }
0x138: {  	v25 =	vor.u32 v10, v23;
	_ =	sdelay $0x3  }
0x139: {  	[tilespmem:s12+$0x90] =	vst v24  }
0x13a: {  	v24 =	vld.idx.msk [tilespmem:v25+s4+$0x0], $0xffff;
	_ =	sdelay $0x1  }
0x13b: {  	v23 =	vor.u32 v11, v23;
	_ =	sdelay $0x3  }
0x13c: {  	[tilespmem:s12+$0xA0] =	vst v24  }
0x13d: {  	v23 =	vld.idx.msk [tilespmem:v23+s4+$0x0], $0xffff;
	_ =	sdelay $0x1  }
0x13e: {  	v24 =	vor.u32 v12, v22;
	_ =	sdelay $0x3  }
0x13f: {  	[tilespmem:s12+$0xB0] =	vst v23  }
0x140: {  	v23 =	vld.idx.msk [tilespmem:v24+s4+$0x0], $0xffff;
	_ =	sdelay $0x1  }
0x141: {  	v24 =	vor.u32 v13, v22;
	_ =	sdelay $0x3  }
0x142: {  	[tilespmem:s12+$0xC0] =	vst v23  }
0x143: {  	v23 =	vld.idx.msk [tilespmem:v24+s4+$0x0], $0xffff;
	_ =	sdelay $0x1  }
0x144: {  	v24 =	vor.u32 v14, v22;
	_ =	sdelay $0x3  }
0x145: {  	[tilespmem:s12+$0xD0] =	vst v23  }
0x146: {  	v23 =	vld.idx.msk [tilespmem:v24+s4+$0x0], $0xffff;
	_ =	sdelay $0x1  }
0x147: {  	v22 =	vor.u32 v15, v22;
	_ =	sdelay $0x3  }
0x148: {  	[tilespmem:s12+$0xE0] =	vst v23  }
0x149: {  	v22 =	vld.idx.msk [tilespmem:v22+s4+$0x0], $0xffff;
	_ =	sdelay $0x5  }
0x14a: {  	[tilespmem:s12+$0xF0] =	vst v22  }
0x14b: {  	_ =	swait.ge [sflag:s8], $0x2000  }
0x14c: {  	[sflag:s8] =	ssyncset.done $0x0  }
0x14d: {  	[sflag:s8] =	ssyncadd.s32 $0xFFFFE000  }
0x14e: {  	_ =	swait.ge [sflag:s8], $0x2000  }
0x14f: {  	[sflag:s8] =	ssyncset.done $0x0  }
0x150: {  	[sflag:s8] =	ssyncadd.s32 $0xFFFFE000  }
0x151: {  	_ =	swait.ge [sflag:s8], $0x2000  }
0x152: {  	v22 =	vor.u32 v0, v21;
	[sflag:s8] =	ssyncset.done $0x0  }
0x153: {  	[sflag:s8] =	ssyncadd.s32 $0xFFFFE000  }
0x154: {  	_ =	swait.ge [sflag:s8], $0x2000  }
0x155: {  	[sflag:s8] =	ssyncset.done $0x0  }
0x156: {  	[sflag:s8] =	ssyncadd.s32 $0xFFFFE000  }
0x157: {  	v22 =	vld.idx.msk [tilespmem:v22+s23+$0x0], $0xffff;
	_ =	sdelay $0x1  }
0x158: {  	v23 =	vor.u32 v1, v21;
	_ =	sdelay $0x3  }
0x159: {  	[tilespmem:s12+$0x100] =	vst v22  }
0x15a: {  	v22 =	vld.idx.msk [tilespmem:v23+s23+$0x0], $0xffff;
	_ =	sdelay $0x1  }
0x15b: {  	v23 =	vor.u32 v2, v21;
	_ =	sdelay $0x3  }
0x15c: {  	[tilespmem:s12+$0x110] =	vst v22  }
0x15d: {  	v22 =	vld.idx.msk [tilespmem:v23+s23+$0x0], $0xffff;
	_ =	sdelay $0x1  }
0x15e: {  	v21 =	vor.u32 v3, v21;
	_ =	sdelay $0x3  }
0x15f: {  	[tilespmem:s12+$0x120] =	vst v22  }
0x160: {  	v21 =	vld.idx.msk [tilespmem:v21+s23+$0x0], $0xffff;
	_ =	sdelay $0x1  }
0x161: {  	v22 =	vor.u32 v4, v20;
	_ =	sdelay $0x3  }
0x162: {  	[tilespmem:s12+$0x130] =	vst v21  }
0x163: {  	v21 =	vld.idx.msk [tilespmem:v22+s23+$0x0], $0xffff;
	_ =	sdelay $0x1  }
0x164: {  	v22 =	vor.u32 v5, v20;
	_ =	sdelay $0x3  }
0x165: {  	[tilespmem:s12+$0x140] =	vst v21  }
0x166: {  	v21 =	vld.idx.msk [tilespmem:v22+s23+$0x0], $0xffff;
	_ =	sdelay $0x1  }
0x167: {  	v22 =	vor.u32 v6, v20;
	_ =	sdelay $0x3  }
0x168: {  	[tilespmem:s12+$0x150] =	vst v21  }
0x169: {  	v21 =	vld.idx.msk [tilespmem:v22+s23+$0x0], $0xffff;
	_ =	sdelay $0x1  }
0x16a: {  	v20 =	vor.u32 v7, v20;
	_ =	sdelay $0x3  }
0x16b: {  	[tilespmem:s12+$0x160] =	vst v21  }
0x16c: {  	v20 =	vld.idx.msk [tilespmem:v20+s23+$0x0], $0xffff;
	_ =	sdelay $0x1  }
0x16d: {  	v21 =	vor.u32 v8, v19;
	_ =	sdelay $0x3  }
0x16e: {  	[tilespmem:s12+$0x170] =	vst v20  }
0x16f: {  	v20 =	vld.idx.msk [tilespmem:v21+s23+$0x0], $0xffff;
	_ =	sdelay $0x1  }
0x170: {  	v21 =	vor.u32 v9, v19;
	_ =	sdelay $0x3  }
0x171: {  	[tilespmem:s12+$0x180] =	vst v20  }
0x172: {  	v20 =	vld.idx.msk [tilespmem:v21+s23+$0x0], $0xffff;
	_ =	sdelay $0x1  }
0x173: {  	v21 =	vor.u32 v10, v19;
	_ =	sdelay $0x3  }
0x174: {  	[tilespmem:s12+$0x190] =	vst v20  }
0x175: {  	v20 =	vld.idx.msk [tilespmem:v21+s23+$0x0], $0xffff;
	_ =	sdelay $0x1  }
0x176: {  	v19 =	vor.u32 v11, v19;
	_ =	sdelay $0x3  }
0x177: {  	[tilespmem:s12+$0x1A0] =	vst v20  }
0x178: {  	v19 =	vld.idx.msk [tilespmem:v19+s23+$0x0], $0xffff;
	_ =	sdelay $0x1  }
0x179: {  	v20 =	vor.u32 v12, v18;
	_ =	sdelay $0x3  }
0x17a: {  	[tilespmem:s12+$0x1B0] =	vst v19  }
0x17b: {  	v19 =	vld.idx.msk [tilespmem:v20+s23+$0x0], $0xffff;
	_ =	sdelay $0x1  }
0x17c: {  	v20 =	vor.u32 v13, v18;
	_ =	sdelay $0x3  }
0x17d: {  	[tilespmem:s12+$0x1C0] =	vst v19  }
0x17e: {  	v19 =	vld.idx.msk [tilespmem:v20+s23+$0x0], $0xffff;
	_ =	sdelay $0x1  }
0x17f: {  	v20 =	vor.u32 v14, v18;
	_ =	sdelay $0x3  }
0x180: {  	[tilespmem:s12+$0x1D0] =	vst v19  }
0x181: {  	v19 =	vld.idx.msk [tilespmem:v20+s23+$0x0], $0xffff;
	_ =	sdelay $0x1  }
0x182: {  	v18 =	vor.u32 v15, v18;
	_ =	sdelay $0x3  }
0x183: {  	[tilespmem:s12+$0x1E0] =	vst v19  }
0x184: {  	v18 =	vld.idx.msk [tilespmem:v18+s23+$0x0], $0xffff;
	_ =	sdelay $0x1  }
.Ltmp2:
0x185: {  	(pc) =	sbr.rel @p1 .LBB2_2-.Ltmp2, $2  }
0x186: {  	_ =	sdelay $0x2  }
0x187: {  	s11 =	sadd.s32 $0x40, s11;
	s12 =	sadd.s32 $0x200, s12;
	[tilespmem:s17+$0x1F0] =	vst v18  }
0x188: {  	[hbm4b:s20+s5] =	stream.linear.scatter [tilespmem:s17], [sflag:$0x4], $0x200, $0x38;
	[tilespmem:$0x19710] =	vst v63  }
0x189: {  	v18 =	vld [tilespmem:s13+$0x0];
	_ =	sdelay $0x4  }
0x18a: {  	v19 =	vand.u32 $0xFFFFFF80, v18  }
0x18b: {  	v19 =	vadd.s32 s1, v19  }
0x18c: {  	(v2sf) =	vpush v19, $0x0;
	_ =	sdelay $0x1  }
0x18d: {  	(v2sf) =	vpush v19, $0x1;
	_ =	sdelay $0x1  }
0x18e: {  	(v2sf) =	vpush v19, $0x2;
	_ =	sdelay $0x1  }
0x18f: {  	(v2sf) =	vpush v19, $0x3;
	_ =	sdelay $0x1  }
0x190: {  	(v2sf) =	vpush v19, $0x4;
	_ =	sdelay $0x1  }
0x191: {  	(v2sf) =	vpush v19, $0x5;
	_ =	sdelay $0x1  }
0x192: {  	(v2sf) =	vpush v19, $0x6;
	_ =	sdelay $0x1  }
0x193: {  	(v2sf) =	vpush v19, $0x7  }
0x194: {  	s14 =	spop (v2sf)  }
0x195: {  	[tilespmem:s4], [sflag:$0x1] =	stream.strided.gather [hbm4b:s14+s25], $0x2000, s3, s25, $0x38;
	[tilespmem:$0x19710] =	vst v63  }
0x196: {  	s17 =	spop (v2sf)  }
0x197: {  	[tilespmem:s0], [sflag:$0x1] =	stream.strided.gather [hbm4b:s17+s25], $0x2000, s3, s25, $0x38;
	[tilespmem:$0x19710] =	vst v63  }
0x198: {  	s18 =	spop (v2sf)  }
0x199: {  	[tilespmem:s16], [sflag:$0x1] =	stream.strided.gather [hbm4b:s18+s25], $0x2000, s3, s25, $0x38;
	[tilespmem:$0x19710] =	vst v63  }
0x19a: {  	s20 =	spop (v2sf)  }
0x19b: {  	[tilespmem:s22], [sflag:$0x1] =	stream.strided.gather [hbm4b:s20+s25], $0x2000, s3, s25, $0x38;
	[tilespmem:$0x19710] =	vst v63  }
0x19c: {  	s14 =	spop (v2sf)  }
0x19d: {  	[tilespmem:s23], [sflag:$0x2] =	stream.strided.gather [hbm4b:s14+s25], $0x2000, s3, s25, $0x38;
	[tilespmem:$0x19710] =	vst v63  }
0x19e: {  	s17 =	spop (v2sf)  }
0x19f: {  	[tilespmem:s24], [sflag:$0x2] =	stream.strided.gather [hbm4b:s17+s25], $0x2000, s3, s25, $0x38;
	[tilespmem:$0x19710] =	vst v63  }
0x1a0: {  	s18 =	spop (v2sf)  }
0x1a1: {  	[tilespmem:s6], [sflag:$0x2] =	stream.strided.gather [hbm4b:s18+s25], $0x2000, s3, s25, $0x38;
	[tilespmem:$0x19710] =	vst v63  }
0x1a2: {  	s20 =	spop (v2sf)  }
0x1a3: {  	[tilespmem:s26], [sflag:$0x2] =	stream.strided.gather [hbm4b:s20+s25], $0x2000, s3, s25, $0x38;
	[tilespmem:$0x19710] =	vst v63  }
0x1a4: {  	_ =	swait.ge [sflag:s28], $0x2000  }
0x1a5: {  	[sflag:s28] =	ssyncset.done $0x0  }
0x1a6: {  	[sflag:s28] =	ssyncadd.s32 $0xFFFFE000  }
0x1a7: {  	_ =	swait.ge [sflag:s28], $0x2000  }
0x1a8: {  	v18 =	vand.u32 $0x7F, v18;
	[sflag:s28] =	ssyncset.done $0x0  }
0x1a9: {  	v19 =	vbroadcast v18, $0x0;
	[sflag:s28] =	ssyncadd.s32 $0xFFFFE000  }
0x1aa: {  	_ =	swait.ge [sflag:s28], $0x2000  }
0x1ab: {  	v20 =	vor.u32 v0, v19;
	[sflag:s28] =	ssyncset.done $0x0  }
0x1ac: {  	[sflag:s28] =	ssyncadd.s32 $0xFFFFE000  }
0x1ad: {  	_ =	swait.ge [sflag:s28], $0x2000  }
0x1ae: {  	[sflag:s28] =	ssyncset.done $0x0  }
0x1af: {  	[sflag:s28] =	ssyncadd.s32 $0xFFFFE000  }
0x1b0: {  	v20 =	vld.idx.msk [tilespmem:v20+s4+$0x0], $0xffff  }
0x1b1: {  	v21 =	vor.u32 v1, v19;
	_ =	sdelay $0x3  }
0x1b2: {  	[tilespmem:s12+$0x0] =	vst v20  }
0x1b3: {  	v20 =	vld.idx.msk [tilespmem:v21+s4+$0x0], $0xffff  }
0x1b4: {  	v24 =	vor.u32 v2, v19;
	_ =	sdelay $0x3  }
0x1b5: {  	[tilespmem:s12+$0x10] =	vst v20  }
0x1b6: {  	v20 =	vld.idx.msk [tilespmem:v24+s4+$0x0], $0xffff  }
0x1b7: {  	v19 =	vor.u32 v3, v19;
	_ =	sdelay $0x3  }
0x1b8: {  	v25 =	vbroadcast v18, $0x1;
	[tilespmem:s12+$0x20] =	vst v20  }
0x1b9: {  	v19 =	vld.idx.msk [tilespmem:v19+s4+$0x0], $0xffff  }
0x1ba: {  	v26 =	vor.u32 v4, v25;
	_ =	sdelay $0x3  }
0x1bb: {  	[tilespmem:s12+$0x30] =	vst v19  }
0x1bc: {  	v19 =	vld.idx.msk [tilespmem:v26+s4+$0x0], $0xffff  }
0x1bd: {  	v27 =	vor.u32 v5, v25;
	_ =	sdelay $0x3  }
0x1be: {  	[tilespmem:s12+$0x40] =	vst v19  }
0x1bf: {  	v19 =	vld.idx.msk [tilespmem:v27+s4+$0x0], $0xffff  }
0x1c0: {  	v28 =	vor.u32 v6, v25;
	_ =	sdelay $0x3  }
0x1c1: {  	[tilespmem:s12+$0x50] =	vst v19  }
0x1c2: {  	v19 =	vld.idx.msk [tilespmem:v28+s4+$0x0], $0xffff  }
0x1c3: {  	v29 =	vor.u32 v7, v25;
	_ =	sdelay $0x3  }
0x1c4: {  	v30 =	vbroadcast v18, $0x2;
	[tilespmem:s12+$0x60] =	vst v19  }
0x1c5: {  	v19 =	vld.idx.msk [tilespmem:v29+s4+$0x0], $0xffff  }
0x1c6: {  	v31 =	vor.u32 v8, v30;
	_ =	sdelay $0x3  }
0x1c7: {  	[tilespmem:s12+$0x70] =	vst v19  }
0x1c8: {  	v19 =	vld.idx.msk [tilespmem:v31+s4+$0x0], $0xffff  }
0x1c9: {  	v32 =	vor.u32 v9, v30;
	_ =	sdelay $0x3  }
0x1ca: {  	[tilespmem:s12+$0x80] =	vst v19  }
0x1cb: {  	v19 =	vld.idx.msk [tilespmem:v32+s4+$0x0], $0xffff  }
0x1cc: {  	v33 =	vor.u32 v10, v30;
	_ =	sdelay $0x3  }
0x1cd: {  	[tilespmem:s12+$0x90] =	vst v19  }
0x1ce: {  	v19 =	vld.idx.msk [tilespmem:v33+s4+$0x0], $0xffff  }
0x1cf: {  	v34 =	vor.u32 v11, v30;
	_ =	sdelay $0x3  }
0x1d0: {  	v35 =	vbroadcast v18, $0x3;
	[tilespmem:s12+$0xA0] =	vst v19  }
0x1d1: {  	v19 =	vld.idx.msk [tilespmem:v34+s4+$0x0], $0xffff  }
0x1d2: {  	v36 =	vor.u32 v12, v35;
	_ =	sdelay $0x3  }
0x1d3: {  	[tilespmem:s12+$0xB0] =	vst v19  }
0x1d4: {  	v19 =	vld.idx.msk [tilespmem:v36+s4+$0x0], $0xffff  }
0x1d5: {  	v37 =	vor.u32 v13, v35;
	_ =	sdelay $0x3  }
0x1d6: {  	[tilespmem:s12+$0xC0] =	vst v19  }
0x1d7: {  	v19 =	vld.idx.msk [tilespmem:v37+s4+$0x0], $0xffff  }
0x1d8: {  	v38 =	vor.u32 v14, v35;
	_ =	sdelay $0x3  }
0x1d9: {  	[tilespmem:s12+$0xD0] =	vst v19  }
0x1da: {  	v19 =	vld.idx.msk [tilespmem:v38+s4+$0x0], $0xffff  }
0x1db: {  	v39 =	vor.u32 v15, v35;
	_ =	sdelay $0x3  }
0x1dc: {  	[tilespmem:s12+$0xE0] =	vst v19  }
0x1dd: {  	v19 =	vld.idx.msk [tilespmem:v39+s4+$0x0], $0xffff;
	_ =	sdelay $0x4  }
0x1de: {  	[tilespmem:s12+$0xF0] =	vst v19  }
0x1df: {  	_ =	swait.ge [sflag:s8], $0x2000  }
0x1e0: {  	[sflag:s8] =	ssyncset.done $0x0  }
0x1e1: {  	[sflag:s8] =	ssyncadd.s32 $0xFFFFE000  }
0x1e2: {  	_ =	swait.ge [sflag:s8], $0x2000  }
0x1e3: {  	[sflag:s8] =	ssyncset.done $0x0  }
0x1e4: {  	v19 =	vbroadcast v18, $0x4;
	[sflag:s8] =	ssyncadd.s32 $0xFFFFE000  }
0x1e5: {  	_ =	swait.ge [sflag:s8], $0x2000  }
0x1e6: {  	v40 =	vor.u32 v0, v19;
	[sflag:s8] =	ssyncset.done $0x0  }
0x1e7: {  	[sflag:s8] =	ssyncadd.s32 $0xFFFFE000  }
0x1e8: {  	_ =	swait.ge [sflag:s8], $0x2000  }
0x1e9: {  	[sflag:s8] =	ssyncset.done $0x0  }
0x1ea: {  	[sflag:s8] =	ssyncadd.s32 $0xFFFFE000  }
0x1eb: {  	v20 =	vld.idx.msk [tilespmem:v40+s23+$0x0], $0xffff  }
0x1ec: {  	v41 =	vor.u32 v1, v19;
	_ =	sdelay $0x3  }
0x1ed: {  	[tilespmem:s12+$0x100] =	vst v20  }
0x1ee: {  	v20 =	vld.idx.msk [tilespmem:v41+s23+$0x0], $0xffff  }
0x1ef: {  	v42 =	vor.u32 v2, v19;
	_ =	sdelay $0x3  }
0x1f0: {  	[tilespmem:s12+$0x110] =	vst v20  }
0x1f1: {  	v20 =	vld.idx.msk [tilespmem:v42+s23+$0x0], $0xffff  }
0x1f2: {  	v19 =	vor.u32 v3, v19;
	_ =	sdelay $0x3  }
0x1f3: {  	v43 =	vbroadcast v18, $0x5;
	[tilespmem:s12+$0x120] =	vst v20  }
0x1f4: {  	v19 =	vld.idx.msk [tilespmem:v19+s23+$0x0], $0xffff  }
0x1f5: {  	v44 =	vor.u32 v4, v43;
	_ =	sdelay $0x3  }
0x1f6: {  	[tilespmem:s12+$0x130] =	vst v19  }
0x1f7: {  	v19 =	vld.idx.msk [tilespmem:v44+s23+$0x0], $0xffff  }
0x1f8: {  	v45 =	vor.u32 v5, v43;
	_ =	sdelay $0x3  }
0x1f9: {  	[tilespmem:s12+$0x140] =	vst v19  }
0x1fa: {  	v19 =	vld.idx.msk [tilespmem:v45+s23+$0x0], $0xffff  }
0x1fb: {  	v46 =	vor.u32 v6, v43;
	_ =	sdelay $0x3  }
0x1fc: {  	[tilespmem:s12+$0x150] =	vst v19  }
0x1fd: {  	v19 =	vld.idx.msk [tilespmem:v46+s23+$0x0], $0xffff  }
0x1fe: {  	v47 =	vor.u32 v7, v43;
	_ =	sdelay $0x3  }
0x1ff: {  	v48 =	vbroadcast v18, $0x6;
	[tilespmem:s12+$0x160] =	vst v19  }
0x200: {  	v19 =	vld.idx.msk [tilespmem:v47+s23+$0x0], $0xffff  }
0x201: {  	v49 =	vor.u32 v8, v48;
	_ =	sdelay $0x3  }
0x202: {  	[tilespmem:s12+$0x170] =	vst v19  }
0x203: {  	v19 =	vld.idx.msk [tilespmem:v49+s23+$0x0], $0xffff  }
0x204: {  	v50 =	vor.u32 v9, v48;
	_ =	sdelay $0x3  }
0x205: {  	[tilespmem:s12+$0x180] =	vst v19  }
0x206: {  	v19 =	vld.idx.msk [tilespmem:v50+s23+$0x0], $0xffff  }
0x207: {  	v51 =	vor.u32 v10, v48;
	_ =	sdelay $0x3  }
0x208: {  	[tilespmem:s12+$0x190] =	vst v19  }
0x209: {  	v19 =	vld.idx.msk [tilespmem:v51+s23+$0x0], $0xffff  }
0x20a: {  	v52 =	vor.u32 v11, v48;
	_ =	sdelay $0x3  }
0x20b: {  	v18 =	vbroadcast v18, $0x7;
	[tilespmem:s12+$0x1A0] =	vst v19  }
0x20c: {  	v19 =	vld.idx.msk [tilespmem:v52+s23+$0x0], $0xffff  }
0x20d: {  	v53 =	vor.u32 v12, v18;
	_ =	sdelay $0x3  }
0x20e: {  	[tilespmem:s12+$0x1B0] =	vst v19  }
0x20f: {  	v19 =	vld.idx.msk [tilespmem:v53+s23+$0x0], $0xffff  }
0x210: {  	v54 =	vor.u32 v13, v18;
	_ =	sdelay $0x3  }
0x211: {  	[tilespmem:s12+$0x1C0] =	vst v19  }
0x212: {  	v19 =	vld.idx.msk [tilespmem:v54+s23+$0x0], $0xffff  }
0x213: {  	v55 =	vor.u32 v14, v18;
	_ =	sdelay $0x3  }
0x214: {  	[tilespmem:s12+$0x1D0] =	vst v19  }
0x215: {  	v19 =	vld.idx.msk [tilespmem:v55+s23+$0x0], $0xffff  }
0x216: {  	v18 =	vor.u32 v15, v18;
	_ =	sdelay $0x3  }
0x217: {  	[tilespmem:s12+$0x1E0] =	vst v19  }
0x218: {  	v18 =	vld.idx.msk [tilespmem:v18+s23+$0x0], $0xffff;
	_ =	sdelay $0x4  }
0x219: {  	[tilespmem:s12+$0x1F0] =	vst v18  }
0x21a: {  	[hbm4b:s11+s5] =	stream.linear.scatter [tilespmem:s12], [sflag:$0x4], $0x200, $0x38;
	[tilespmem:$0x19710] =	vst v63  }
0x21b: {  	_ =	swait.ge [sflag:s29], $0x80  }
0x21c: {  	[sflag:s29] =	ssyncset.done $0x0  }
0x21d: {  	[sflag:s29] =	ssyncadd.s32 $0xFFFFFF80  }
0x21e: {  	_ =	swait.ge [sflag:s29], $0x80  }
0x21f: {  	[sflag:s29] =	ssyncset.done $0x0  }
0x220: {  	[sflag:s29] =	ssyncadd.s32 $0xFFFFFF80  }
0x221: {  	_ =	swait.ge [sflag:s29], $0x80  }
0x222: {  	[sflag:s29] =	ssyncset.done $0x0  }
0x223: {  	[sflag:s29] =	ssyncadd.s32 $0xFFFFFF80  }
0x224: {  	_ =	swait.ge [sflag:s29], $0x80  }
0x225: {  	[sflag:s29] =	ssyncset.done $0x0  }
0x226: {  	[sflag:s29] =	ssyncadd.s32 $0xFFFFFF80  }
0x227: {  	_ =	swait.ge [sflag:s29], $0x80  }
0x228: {  	[sflag:s29] =	ssyncset.done $0x0  }
0x229: {  	[sflag:s29] =	ssyncadd.s32 $0xFFFFFF80  }
0x22a: {  	_ =	swait.ge [sflag:s29], $0x80  }
0x22b: {  	[sflag:s29] =	ssyncset.done $0x0  }
0x22c: {  	[sflag:s29] =	ssyncadd.s32 $0xFFFFFF80  }
0x22d: {  	_ =	swait.ge [sflag:s29], $0x80  }
0x22e: {  	[sflag:s29] =	ssyncset.done $0x0  }
0x22f: {  	[sflag:s29] =	ssyncadd.s32 $0xFFFFFF80  }
0x230: {  	_ =	swait.ge [sflag:s29], $0x80  }
0x231: {  	[sflag:s29] =	ssyncset.done $0x0  }
0x232: {  	[sflag:s29] =	ssyncadd.s32 $0xFFFFFF80  }
0x233: {  	v18 =	vld [tilespmem:$0x18A80]  }
0x234: {  	v19 =	vld [tilespmem:$0x18680]  }
0x235: {  	v56 =	vld [tilespmem:$0x18A90]  }
0x236: {  	v57 =	vld [tilespmem:$0x18690]  }
0x237: {  	v22 =	vld [tilespmem:$0x18AA0]  }
0x238: {  	v23 =	vld [tilespmem:$0x186A0]  }
0x239: {  	v24 =	vld [tilespmem:$0x18AB0]  }
0x23a: {  	v25 =	vld [tilespmem:$0x186B0]  }
0x23b: {  	v58 =	vld [tilespmem:$0x186C0];
	vm0 =	vgt.f32 v18, v19;
	vm1 =	vgt.f32 v56, v57  }
0x23c: {  	v18 =	vld [tilespmem:$0x18AC0];
	v19 =	vsel vm0, $0x3F800000, v16;
	v20 =	vsel vm1, $0x3F800000, v16  }
0x23d: {  	v59 =	vld [tilespmem:$0x18AD0];
	vm14 =	vgt.f32 v22, v23;
	v19 =	vadd.f32 v20, v19  }
0x23e: {  	v60 =	vld [tilespmem:$0x186D0];
	v22 =	vsel vm14, $0x3F800000, v16  }
0x23f: {  	v61 =	vld [tilespmem:$0x18AE0];
	vm15 =	vgt.f32 v24, v25;
	v19 =	vadd.f32 v22, v19  }
0x240: {  	v62 =	vld [tilespmem:$0x186E0];
	v24 =	vsel vm15, $0x3F800000, v16  }
0x241: {  	v63 =	vld [tilespmem:$0x186F0];
	vm4 =	vgt.f32 v18, v58;
	v19 =	vadd.f32 v24, v19  }
0x242: {  	v18 =	vld [tilespmem:$0x18AF0];
	v21 =	vsel vm4, $0x3F800000, v16  }
0x243: {  	v28 =	vld [tilespmem:$0x18B00];
	vm5 =	vgt.f32 v59, v60;
	v19 =	vadd.f32 v21, v19  }
0x244: {  	v30 =	vld [tilespmem:$0x18700];
	v29 =	vsel vm5, $0x3F800000, v16  }
0x245: {  	v31 =	vld [tilespmem:$0x18B10];
	vm6 =	vgt.f32 v61, v62;
	v19 =	vadd.f32 v29, v19  }
0x246: {  	v32 =	vld [tilespmem:$0x18710];
	v22 =	vsel vm6, $0x3F800000, v16  }
0x247: {  	v34 =	vld [tilespmem:$0x18720];
	vm7 =	vgt.f32 v18, v63;
	v19 =	vadd.f32 v22, v19  }
0x248: {  	v18 =	vld [tilespmem:$0x18B20];
	v33 =	vsel vm7, $0x3F800000, v16  }
0x249: {  	v35 =	vld [tilespmem:$0x18B30];
	vm8 =	vgt.f32 v28, v30;
	v19 =	vadd.f32 v33, v19  }
0x24a: {  	v37 =	vld [tilespmem:$0x18730];
	v36 =	vsel vm8, $0x3F800000, v16  }
0x24b: {  	v38 =	vld [tilespmem:$0x18B40];
	vm9 =	vgt.f32 v31, v32;
	v19 =	vadd.f32 v36, v19  }
0x24c: {  	v40 =	vld [tilespmem:$0x18740];
	v39 =	vsel vm9, $0x3F800000, v16  }
0x24d: {  	v42 =	vld [tilespmem:$0x18750];
	vm10 =	vgt.f32 v18, v34;
	v19 =	vadd.f32 v39, v19  }
0x24e: {  	v18 =	vld [tilespmem:$0x18B50];
	v41 =	vsel vm10, $0x3F800000, v16  }
0x24f: {  	v43 =	vld [tilespmem:$0x18B60];
	vm11 =	vgt.f32 v35, v37;
	v19 =	vadd.f32 v41, v19  }
0x250: {  	v45 =	vld [tilespmem:$0x18760];
	v44 =	vsel vm11, $0x3F800000, v16  }
0x251: {  	v46 =	vld [tilespmem:$0x18B70];
	vm12 =	vgt.f32 v38, v40;
	v19 =	vadd.f32 v44, v19  }
0x252: {  	v48 =	vld [tilespmem:$0x18770];
	v47 =	vsel vm12, $0x3F800000, v16  }
0x253: {  	v50 =	vld [tilespmem:$0x18780];
	vm13 =	vgt.f32 v18, v42;
	v19 =	vadd.f32 v47, v19  }
0x254: {  	v18 =	vld [tilespmem:$0x18B80];
	v49 =	vsel vm13, $0x3F800000, v16  }
0x255: {  	v51 =	vld [tilespmem:$0x18B90];
	vm14 =	vgt.f32 v43, v45;
	v19 =	vadd.f32 v49, v19  }
0x256: {  	v53 =	vld [tilespmem:$0x18790];
	v52 =	vsel vm14, $0x3F800000, v16  }
0x257: {  	v54 =	vld [tilespmem:$0x18BA0];
	vm15 =	vgt.f32 v46, v48;
	v19 =	vadd.f32 v52, v19  }
0x258: {  	v56 =	vld [tilespmem:$0x187A0];
	v55 =	vsel vm15, $0x3F800000, v16  }
0x259: {  	v58 =	vld [tilespmem:$0x187B0];
	vm4 =	vgt.f32 v18, v50;
	v19 =	vadd.f32 v55, v19  }
0x25a: {  	v18 =	vld [tilespmem:$0x18BB0];
	v57 =	vsel vm4, $0x3F800000, v16  }
0x25b: {  	v59 =	vld [tilespmem:$0x18BC0];
	vm5 =	vgt.f32 v51, v53;
	v19 =	vadd.f32 v57, v19  }
0x25c: {  	v61 =	vld [tilespmem:$0x187C0];
	v60 =	vsel vm5, $0x3F800000, v16  }
0x25d: {  	v62 =	vld [tilespmem:$0x18BD0];
	vm6 =	vgt.f32 v54, v56;
	v19 =	vadd.f32 v60, v19  }
0x25e: {  	v28 =	vld [tilespmem:$0x187D0];
	v63 =	vsel vm6, $0x3F800000, v16  }
0x25f: {  	v30 =	vld [tilespmem:$0x187E0];
	vm7 =	vgt.f32 v18, v58;
	v19 =	vadd.f32 v63, v19  }
0x260: {  	v18 =	vld [tilespmem:$0x18BE0];
	v29 =	vsel vm7, $0x3F800000, v16  }
0x261: {  	v31 =	vld [tilespmem:$0x18BF0];
	vm8 =	vgt.f32 v59, v61;
	v19 =	vadd.f32 v29, v19  }
0x262: {  	v32 =	vsel vm8, $0x3F800000, v16;
	v33 =	vld [tilespmem:$0x187F0]  }
0x263: {  	vm9 =	vgt.f32 v62, v28;
	v34 =	vld [tilespmem:$0x18C00];
	v19 =	vadd.f32 v32, v19  }
0x264: {  	v35 =	vsel vm9, $0x3F800000, v16;
	v36 =	vld [tilespmem:$0x18800]  }
0x265: {  	v38 =	vld [tilespmem:$0x18810];
	vm10 =	vgt.f32 v18, v30;
	v19 =	vadd.f32 v35, v19  }
0x266: {  	v18 =	vld [tilespmem:$0x18C10];
	v37 =	vsel vm10, $0x3F800000, v16  }
0x267: {  	v39 =	vld [tilespmem:$0x18C20];
	vm11 =	vgt.f32 v31, v33;
	v19 =	vadd.f32 v37, v19  }
0x268: {  	v40 =	vsel vm11, $0x3F800000, v16;
	v41 =	vld [tilespmem:$0x18820]  }
0x269: {  	v42 =	vld [tilespmem:$0x18C30];
	vm12 =	vgt.f32 v34, v36;
	v19 =	vadd.f32 v40, v19  }
0x26a: {  	v43 =	vsel vm12, $0x3F800000, v16;
	v44 =	vld [tilespmem:$0x18830]  }
0x26b: {  	v46 =	vld [tilespmem:$0x18840];
	vm13 =	vgt.f32 v18, v38;
	v19 =	vadd.f32 v43, v19  }
0x26c: {  	v18 =	vld [tilespmem:$0x18C40];
	v45 =	vsel vm13, $0x3F800000, v16  }
0x26d: {  	v47 =	vld [tilespmem:$0x18C50];
	vm14 =	vgt.f32 v39, v41;
	v19 =	vadd.f32 v45, v19  }
0x26e: {  	v48 =	vsel vm14, $0x3F800000, v16;
	v49 =	vld [tilespmem:$0x18850]  }
0x26f: {  	v50 =	vld [tilespmem:$0x18C60];
	vm15 =	vgt.f32 v42, v44;
	v19 =	vadd.f32 v48, v19  }
0x270: {  	v51 =	vsel vm15, $0x3F800000, v16;
	v52 =	vld [tilespmem:$0x18860]  }
0x271: {  	v54 =	vld [tilespmem:$0x18870];
	vm4 =	vgt.f32 v18, v46;
	v19 =	vadd.f32 v51, v19  }
0x272: {  	v18 =	vld [tilespmem:$0x18C70];
	v53 =	vsel vm4, $0x3F800000, v16  }
0x273: {  	v55 =	vld [tilespmem:$0x18C80];
	vm5 =	vgt.f32 v47, v49;
	v19 =	vadd.f32 v53, v19  }
0x274: {  	v56 =	vsel vm5, $0x3F800000, v16;
	v57 =	vld [tilespmem:$0x18880]  }
0x275: {  	v58 =	vld [tilespmem:$0x18C90];
	vm6 =	vgt.f32 v50, v52;
	v19 =	vadd.f32 v56, v19  }
0x276: {  	v59 =	vsel vm6, $0x3F800000, v16;
	v60 =	vld [tilespmem:$0x18890]  }
0x277: {  	v62 =	vld [tilespmem:$0x188A0];
	vm7 =	vgt.f32 v18, v54;
	v19 =	vadd.f32 v59, v19  }
0x278: {  	v18 =	vld [tilespmem:$0x18CA0];
	v61 =	vsel vm7, $0x3F800000, v16  }
0x279: {  	v63 =	vld [tilespmem:$0x18CB0];
	vm8 =	vgt.f32 v55, v57;
	v19 =	vadd.f32 v61, v19  }
0x27a: {  	v28 =	vsel vm8, $0x3F800000, v16;
	v29 =	vld [tilespmem:$0x188B0]  }
0x27b: {  	v30 =	vld [tilespmem:$0x18CC0];
	vm9 =	vgt.f32 v58, v60;
	v19 =	vadd.f32 v28, v19  }
0x27c: {  	v31 =	vsel vm9, $0x3F800000, v16;
	v32 =	vld [tilespmem:$0x188C0]  }
0x27d: {  	v34 =	vld [tilespmem:$0x188D0];
	vm10 =	vgt.f32 v18, v62;
	v19 =	vadd.f32 v31, v19  }
0x27e: {  	v18 =	vld [tilespmem:$0x18CD0];
	v33 =	vsel vm10, $0x3F800000, v16  }
0x27f: {  	v35 =	vld [tilespmem:$0x18CE0];
	vm11 =	vgt.f32 v63, v29;
	v19 =	vadd.f32 v33, v19  }
0x280: {  	v36 =	vsel vm11, $0x3F800000, v16;
	v37 =	vld [tilespmem:$0x188E0]  }
0x281: {  	v38 =	vld [tilespmem:$0x18CF0];
	vm12 =	vgt.f32 v30, v32;
	v19 =	vadd.f32 v36, v19  }
0x282: {  	v39 =	vsel vm12, $0x3F800000, v16;
	v40 =	vld [tilespmem:$0x188F0]  }
0x283: {  	v42 =	vld [tilespmem:$0x18900];
	vm13 =	vgt.f32 v18, v34;
	v19 =	vadd.f32 v39, v19  }
0x284: {  	v18 =	vld [tilespmem:$0x18D00];
	v41 =	vsel vm13, $0x3F800000, v16  }
0x285: {  	v43 =	vld [tilespmem:$0x18D10];
	vm14 =	vgt.f32 v35, v37;
	v19 =	vadd.f32 v41, v19  }
0x286: {  	v44 =	vsel vm14, $0x3F800000, v16;
	v45 =	vld [tilespmem:$0x18910]  }
0x287: {  	v46 =	vld [tilespmem:$0x18D20];
	vm15 =	vgt.f32 v38, v40;
	v19 =	vadd.f32 v44, v19  }
0x288: {  	v47 =	vsel vm15, $0x3F800000, v16;
	v48 =	vld [tilespmem:$0x18920]  }
0x289: {  	v50 =	vld [tilespmem:$0x18930];
	vm4 =	vgt.f32 v18, v42;
	v19 =	vadd.f32 v47, v19  }
0x28a: {  	v18 =	vld [tilespmem:$0x18D30];
	v49 =	vsel vm4, $0x3F800000, v16  }
0x28b: {  	v51 =	vld [tilespmem:$0x18D40];
	vm5 =	vgt.f32 v43, v45;
	v19 =	vadd.f32 v49, v19  }
0x28c: {  	v52 =	vsel vm5, $0x3F800000, v16;
	v53 =	vld [tilespmem:$0x18940]  }
0x28d: {  	v54 =	vld [tilespmem:$0x18D50];
	vm6 =	vgt.f32 v46, v48;
	v19 =	vadd.f32 v52, v19  }
0x28e: {  	v55 =	vsel vm6, $0x3F800000, v16;
	v56 =	vld [tilespmem:$0x18950]  }
0x28f: {  	v58 =	vld [tilespmem:$0x18960];
	vm7 =	vgt.f32 v18, v50;
	v19 =	vadd.f32 v55, v19  }
0x290: {  	v18 =	vld [tilespmem:$0x18D60];
	v57 =	vsel vm7, $0x3F800000, v16  }
0x291: {  	v59 =	vld [tilespmem:$0x18D70];
	vm8 =	vgt.f32 v51, v53;
	v19 =	vadd.f32 v57, v19  }
0x292: {  	v60 =	vsel vm8, $0x3F800000, v16;
	v61 =	vld [tilespmem:$0x18970]  }
0x293: {  	v62 =	vld [tilespmem:$0x18D80];
	vm9 =	vgt.f32 v54, v56;
	v19 =	vadd.f32 v60, v19  }
0x294: {  	v63 =	vsel vm9, $0x3F800000, v16;
	v28 =	vld [tilespmem:$0x18980]  }
0x295: {  	v30 =	vld [tilespmem:$0x18990];
	vm10 =	vgt.f32 v18, v58;
	v19 =	vadd.f32 v63, v19  }
0x296: {  	v18 =	vld [tilespmem:$0x18D90];
	v29 =	vsel vm10, $0x3F800000, v16  }
0x297: {  	v31 =	vld [tilespmem:$0x18DA0];
	vm11 =	vgt.f32 v59, v61;
	v19 =	vadd.f32 v29, v19  }
0x298: {  	v32 =	vsel vm11, $0x3F800000, v16;
	v33 =	vld [tilespmem:$0x189A0]  }
0x299: {  	v34 =	vld [tilespmem:$0x18DB0];
	vm12 =	vgt.f32 v62, v28;
	v19 =	vadd.f32 v32, v19  }
0x29a: {  	v35 =	vsel vm12, $0x3F800000, v16;
	v36 =	vld [tilespmem:$0x189B0]  }
0x29b: {  	v38 =	vld [tilespmem:$0x189C0];
	vm13 =	vgt.f32 v18, v30;
	v19 =	vadd.f32 v35, v19  }
0x29c: {  	v18 =	vld [tilespmem:$0x18DC0];
	v37 =	vsel vm13, $0x3F800000, v16  }
0x29d: {  	v39 =	vld [tilespmem:$0x18DD0];
	vm14 =	vgt.f32 v31, v33;
	v19 =	vadd.f32 v37, v19  }
0x29e: {  	v40 =	vsel vm14, $0x3F800000, v16;
	v41 =	vld [tilespmem:$0x189D0]  }
0x29f: {  	v42 =	vld [tilespmem:$0x18DE0];
	vm15 =	vgt.f32 v34, v36;
	v19 =	vadd.f32 v40, v19  }
0x2a0: {  	v43 =	vsel vm15, $0x3F800000, v16;
	v44 =	vld [tilespmem:$0x189E0]  }
0x2a1: {  	v46 =	vld [tilespmem:$0x189F0];
	vm4 =	vgt.f32 v18, v38;
	v19 =	vadd.f32 v43, v19  }
0x2a2: {  	v18 =	vld [tilespmem:$0x18DF0];
	v45 =	vsel vm4, $0x3F800000, v16  }
0x2a3: {  	v47 =	vld [tilespmem:$0x18E00];
	vm5 =	vgt.f32 v39, v41;
	v19 =	vadd.f32 v45, v19  }
0x2a4: {  	v48 =	vsel vm5, $0x3F800000, v16;
	v49 =	vld [tilespmem:$0x18A00]  }
0x2a5: {  	v50 =	vld [tilespmem:$0x18E10];
	vm6 =	vgt.f32 v42, v44;
	v19 =	vadd.f32 v48, v19  }
0x2a6: {  	v51 =	vsel vm6, $0x3F800000, v16;
	v52 =	vld [tilespmem:$0x18A10]  }
0x2a7: {  	v54 =	vld [tilespmem:$0x18A20];
	vm7 =	vgt.f32 v18, v46;
	v19 =	vadd.f32 v51, v19  }
0x2a8: {  	v18 =	vld [tilespmem:$0x18E20];
	v53 =	vsel vm7, $0x3F800000, v16  }
0x2a9: {  	v55 =	vld [tilespmem:$0x18E30];
	vm8 =	vgt.f32 v47, v49;
	v19 =	vadd.f32 v53, v19  }
0x2aa: {  	v56 =	vsel vm8, $0x3F800000, v16;
	v57 =	vld [tilespmem:$0x18A30]  }
0x2ab: {  	v58 =	vld [tilespmem:$0x18E40];
	vm9 =	vgt.f32 v50, v52;
	v19 =	vadd.f32 v56, v19  }
0x2ac: {  	v59 =	vsel vm9, $0x3F800000, v16;
	v60 =	vld [tilespmem:$0x18A40]  }
0x2ad: {  	v62 =	vld [tilespmem:$0x18A50];
	vm10 =	vgt.f32 v18, v54;
	v19 =	vadd.f32 v59, v19  }
0x2ae: {  	v18 =	vld [tilespmem:$0x18E50];
	v61 =	vsel vm10, $0x3F800000, v16  }
0x2af: {  	v63 =	vld [tilespmem:$0x18E60];
	vm11 =	vgt.f32 v55, v57;
	v19 =	vadd.f32 v61, v19  }
0x2b0: {  	v28 =	vsel vm11, $0x3F800000, v16;
	v29 =	vld [tilespmem:$0x18A60]  }
0x2b1: {  	v30 =	vld [tilespmem:$0x18E70];
	vm12 =	vgt.f32 v58, v60;
	v19 =	vadd.f32 v28, v19  }
0x2b2: {  	v31 =	vsel vm12, $0x3F800000, v16;
	v32 =	vld [tilespmem:$0x18A70]  }
0x2b3: {  	vm13 =	vgt.f32 v18, v62;
	v19 =	vadd.f32 v31, v19  }
0x2b4: {  	v18 =	vsel vm13, $0x3F800000, v16  }
0x2b5: {  	vm14 =	vgt.f32 v63, v29;
	v18 =	vadd.f32 v18, v19  }
0x2b6: {  	v19 =	vsel vm14, $0x3F800000, v16  }
0x2b7: {  	vm15 =	vgt.f32 v30, v32;
	v18 =	vadd.f32 v19, v18  }
0x2b8: {  	v19 =	vsel vm15, $0x3F800000, v16  }
0x2b9: {  	v18 =	vadd.f32 v19, v18;
	_ =	sdelay $0x1  }
0x2ba: {  	s17 =	simm.s32 $0x18E80;
	s14 =	rddreg [dreg:$0x12];
	[tilespmem:$0x18E80] =	vst v18  }
0x2bb: {  	[spmem:s14] =	stream.linear.scatter [tilespmem:s17], [sflag:$0x5], $0x80, $0x38;
	[tilespmem:$0x19710] =	vst v63  }
0x2bc: {  	_ =	swait.ge [sflag:s21], $0x80  }
0x2bd: {  	[sflag:s21] =	ssyncset.done $0x0  }
0x2be: {  	[sflag:s21] =	ssyncadd.s32 $0xFFFFFF80  }
0x2bf: {  	[bflag:$0x0] =	sbarrier.arrive $0xFFFF  }
0x2c0: {  	s20 =	simm.s32 $0x18F00;
	s18 =	rddreg [dreg:$0x6]  }
0x2c1: {  	[tilespmem:s20], [sflag:$0x5] =	stream.linear.gather [spmem:s18], $0x800, $0x38;
	[tilespmem:$0x19710] =	vst v63  }
0x2c2: {  	_ =	swait.ge [sflag:s21], $0x800  }
0x2c3: {  	[sflag:s21] =	ssyncset.done $0x0  }
0x2c4: {  	[sflag:s21] =	ssyncadd.s32 $0xFFFFF800  }
0x2c5: {  	v18 =	vld [tilespmem:$0x18F00];
	_ =	sdelay $0x1  }
0x2c6: {  	v19 =	vld [tilespmem:$0x18F80];
	_ =	sdelay $0x1  }
0x2c7: {  	v33 =	vld [tilespmem:$0x19000]  }
0x2c8: {  	v18 =	vadd.f32 $0.0e+00, v18  }
0x2c9: {  	v34 =	vld [tilespmem:$0x19080]  }
0x2ca: {  	v18 =	vadd.f32 v19, v18  }
0x2cb: {  	v19 =	vld [tilespmem:$0x19100]  }
0x2cc: {  	v18 =	vadd.f32 v33, v18  }
0x2cd: {  	v35 =	vld [tilespmem:$0x19180]  }
0x2ce: {  	v18 =	vadd.f32 v34, v18  }
0x2cf: {  	v36 =	vld [tilespmem:$0x19200]  }
0x2d0: {  	v18 =	vadd.f32 v19, v18  }
0x2d1: {  	v19 =	vld [tilespmem:$0x19280]  }
0x2d2: {  	v18 =	vadd.f32 v35, v18  }
0x2d3: {  	v37 =	vld [tilespmem:$0x19300]  }
0x2d4: {  	v18 =	vadd.f32 v36, v18  }
0x2d5: {  	v38 =	vld [tilespmem:$0x19380]  }
0x2d6: {  	v18 =	vadd.f32 v19, v18  }
0x2d7: {  	v19 =	vld [tilespmem:$0x19400]  }
0x2d8: {  	v18 =	vadd.f32 v37, v18  }
0x2d9: {  	v39 =	vld [tilespmem:$0x19480]  }
0x2da: {  	v18 =	vadd.f32 v38, v18  }
0x2db: {  	v40 =	vld [tilespmem:$0x19500]  }
0x2dc: {  	v18 =	vadd.f32 v19, v18  }
0x2dd: {  	v19 =	vld [tilespmem:$0x19580]  }
0x2de: {  	v18 =	vadd.f32 v39, v18  }
0x2df: {  	v41 =	vld [tilespmem:$0x19600]  }
0x2e0: {  	v18 =	vadd.f32 v40, v18  }
0x2e1: {  	v42 =	vld [tilespmem:$0x19680]  }
0x2e2: {  	v18 =	vadd.f32 v19, v18;
	_ =	sdelay $0x1  }
0x2e3: {  	v18 =	vadd.f32 v41, v18;
	_ =	sdelay $0x1  }
0x2e4: {  	v18 =	vadd.f32 v42, v18;
	_ =	sdelay $0x1  }
0x2e5: {  	(v2sf) =	vpush v18, $0x0  }
0x2e6: {  	(v2sf) =	vpush v18, $0x1;
	_ =	sdelay $0x1  }
0x2e7: {  	(v2sf) =	vpush v18, $0x2;
	_ =	sdelay $0x1  }
0x2e8: {  	(v2sf) =	vpush v18, $0x3;
	_ =	sdelay $0x1  }
0x2e9: {  	(v2sf) =	vpush v18, $0x4;
	_ =	sdelay $0x1  }
0x2ea: {  	(v2sf) =	vpush v18, $0x5;
	_ =	sdelay $0x1  }
0x2eb: {  	(v2sf) =	vpush v18, $0x6;
	_ =	sdelay $0x1  }
0x2ec: {  	(v2sf) =	vpush v18, $0x7;
	_ =	sdelay $0x1  }
0x2ed: {  	s12 =	spop (v2sf);
	(v2sf) =	vpush v18, $0x8  }
0x2ee: {  	s13 =	spop (v2sf)  }
0x2ef: {  	(v2sf) =	vpush v18, $0x9;
	s11 =	sadd.f32 s13, s12  }
0x2f0: {  	s14 =	spop (v2sf)  }
0x2f1: {  	(v2sf) =	vpush v18, $0xA;
	s11 =	sadd.f32 s11, s14  }
0x2f2: {  	s17 =	spop (v2sf)  }
0x2f3: {  	(v2sf) =	vpush v18, $0xB;
	s11 =	sadd.f32 s11, s17  }
0x2f4: {  	s18 =	spop (v2sf)  }
0x2f5: {  	(v2sf) =	vpush v18, $0xC;
	s11 =	sadd.f32 s11, s18  }
0x2f6: {  	s20 =	spop (v2sf)  }
0x2f7: {  	(v2sf) =	vpush v18, $0xD;
	s11 =	sadd.f32 s11, s20  }
0x2f8: {  	s13 =	spop (v2sf)  }
0x2f9: {  	(v2sf) =	vpush v18, $0xE;
	s11 =	sadd.f32 s11, s13  }
0x2fa: {  	s14 =	spop (v2sf)  }
0x2fb: {  	(v2sf) =	vpush v18, $0xF;
	s11 =	sadd.f32 s11, s14  }
0x2fc: {  	s17 =	spop (v2sf)  }
0x2fd: {  	s11 =	sadd.f32 s11, s17  }
0x2fe: {  	s18 =	spop (v2sf)  }
0x2ff: {  	s11 =	sadd.f32 s11, s18  }
0x300: {  	s20 =	spop (v2sf)  }
0x301: {  	s11 =	sadd.f32 s11, s20  }
0x302: {  	s13 =	spop (v2sf)  }
0x303: {  	s11 =	sadd.f32 s11, s13  }
0x304: {  	s14 =	spop (v2sf)  }
0x305: {  	s11 =	sadd.f32 s11, s14  }
0x306: {  	s17 =	spop (v2sf)  }
0x307: {  	s11 =	sadd.f32 s11, s17  }
0x308: {  	s18 =	spop (v2sf)  }
0x309: {  	s11 =	sadd.f32 s11, s18  }
0x30a: {  	s20 =	spop (v2sf)  }
0x30b: {  	v19 =	vld [tilespmem:$0x18680];
	s11 =	sadd.f32 s11, s20  }
0x30c: {  	v43 =	vld [tilespmem:$0x18690]  }
0x30d: {  	v44 =	vld [tilespmem:$0x186A0];
	p1 =	sgt.f32 s11, $0.0e+00  }
0x30e: {  	v45 =	vld [tilespmem:$0x186B0]  }
0x30f: {  	v46 =	vld [tilespmem:$0x186C0];
	v18 =	vpsel !p1, $0x0, v17  }
0x310: {  	v47 =	vld [tilespmem:$0x186D0];
	v19 =	vadd.f32 v18, v19  }
0x311: {  	v48 =	vld [tilespmem:$0x186E0];
	v20 =	vadd.f32 v18, v43  }
0x312: {  	v49 =	vld [tilespmem:$0x186F0];
	[tilespmem:$0x18680] =	vst v19;
	v19 =	vadd.f32 v18, v44  }
0x313: {  	v51 =	vld [tilespmem:$0x18700];
	v50 =	vadd.f32 v18, v45;
	[tilespmem:$0x18690] =	vst v20  }
0x314: {  	v52 =	vld [tilespmem:$0x18710];
	[tilespmem:$0x186A0] =	vst v19;
	v19 =	vadd.f32 v18, v46  }
0x315: {  	v54 =	vld [tilespmem:$0x18720];
	v53 =	vadd.f32 v18, v47;
	[tilespmem:$0x186B0] =	vst v50  }
0x316: {  	v55 =	vld [tilespmem:$0x18730];
	[tilespmem:$0x186C0] =	vst v19;
	v19 =	vadd.f32 v18, v48  }
0x317: {  	v57 =	vld [tilespmem:$0x18740];
	v56 =	vadd.f32 v18, v49;
	[tilespmem:$0x186D0] =	vst v53  }
0x318: {  	v58 =	vld [tilespmem:$0x18750];
	[tilespmem:$0x186E0] =	vst v19;
	v19 =	vadd.f32 v18, v51  }
0x319: {  	v60 =	vld [tilespmem:$0x18760];
	v59 =	vadd.f32 v18, v52;
	[tilespmem:$0x186F0] =	vst v56  }
0x31a: {  	v61 =	vld [tilespmem:$0x18770];
	[tilespmem:$0x18700] =	vst v19;
	v19 =	vadd.f32 v54, v18  }
0x31b: {  	v63 =	vld [tilespmem:$0x18780];
	v62 =	vadd.f32 v55, v18;
	[tilespmem:$0x18710] =	vst v59  }
0x31c: {  	v28 =	vld [tilespmem:$0x18790];
	[tilespmem:$0x18720] =	vst v19;
	v19 =	vadd.f32 v57, v18  }
0x31d: {  	v30 =	vld [tilespmem:$0x187A0];
	v29 =	vadd.f32 v58, v18;
	[tilespmem:$0x18730] =	vst v62  }
0x31e: {  	v31 =	vld [tilespmem:$0x187B0];
	[tilespmem:$0x18740] =	vst v19;
	v19 =	vadd.f32 v60, v18  }
0x31f: {  	v33 =	vld [tilespmem:$0x187C0];
	v32 =	vadd.f32 v61, v18;
	[tilespmem:$0x18750] =	vst v29  }
0x320: {  	v34 =	vld [tilespmem:$0x187D0];
	[tilespmem:$0x18760] =	vst v19;
	v19 =	vadd.f32 v63, v18  }
0x321: {  	v36 =	vld [tilespmem:$0x187E0];
	v35 =	vadd.f32 v28, v18;
	[tilespmem:$0x18770] =	vst v32  }
0x322: {  	v40 =	vld [tilespmem:$0x18810];
	[tilespmem:$0x18780] =	vst v19;
	v19 =	vadd.f32 v30, v18  }
0x323: {  	v39 =	vld [tilespmem:$0x18800];
	v38 =	vadd.f32 v31, v18;
	[tilespmem:$0x18790] =	vst v35  }
0x324: {  	v37 =	vld [tilespmem:$0x187F0];
	[tilespmem:$0x187A0] =	vst v19;
	v19 =	vadd.f32 v33, v18  }
0x325: {  	v42 =	vld [tilespmem:$0x18820];
	v41 =	vadd.f32 v34, v18;
	[tilespmem:$0x187B0] =	vst v38  }
0x326: {  	v43 =	vld [tilespmem:$0x18830];
	[tilespmem:$0x187C0] =	vst v19;
	v19 =	vadd.f32 v36, v18  }
0x327: {  	v45 =	vld [tilespmem:$0x18840];
	v47 =	vadd.f32 v40, v18;
	[tilespmem:$0x187D0] =	vst v41  }
0x328: {  	v49 =	vld [tilespmem:$0x18870];
	[tilespmem:$0x187E0] =	vst v19;
	v19 =	vadd.f32 v39, v18  }
0x329: {  	v44 =	vadd.f32 v37, v18;
	[tilespmem:$0x18810] =	vst v47;
	v48 =	vld [tilespmem:$0x18860]  }
0x32a: {  	v52 =	vld [tilespmem:$0x18890];
	[tilespmem:$0x18800] =	vst v19;
	v19 =	vadd.f32 v42, v18  }
0x32b: {  	[tilespmem:$0x187F0] =	vst v44;
	v50 =	vadd.f32 v43, v18;
	v51 =	vld [tilespmem:$0x18880]  }
0x32c: {  	v55 =	vld [tilespmem:$0x188B0];
	[tilespmem:$0x18820] =	vst v19;
	v19 =	vadd.f32 v45, v18  }
0x32d: {  	v56 =	vadd.f32 v49, v18;
	[tilespmem:$0x18830] =	vst v50;
	v54 =	vld [tilespmem:$0x188A0]  }
0x32e: {  	v58 =	vld [tilespmem:$0x188D0];
	[tilespmem:$0x18840] =	vst v19;
	v19 =	vadd.f32 v48, v18  }
0x32f: {  	v59 =	vadd.f32 v52, v18;
	[tilespmem:$0x18870] =	vst v56;
	v57 =	vld [tilespmem:$0x188C0]  }
0x330: {  	v61 =	vld [tilespmem:$0x188F0];
	[tilespmem:$0x18860] =	vst v19;
	v19 =	vadd.f32 v51, v18  }
0x331: {  	v62 =	vadd.f32 v55, v18;
	[tilespmem:$0x18890] =	vst v59;
	v60 =	vld [tilespmem:$0x188E0]  }
0x332: {  	v28 =	vld [tilespmem:$0x18910];
	[tilespmem:$0x18880] =	vst v19;
	v19 =	vadd.f32 v54, v18  }
0x333: {  	v29 =	vadd.f32 v58, v18;
	[tilespmem:$0x188B0] =	vst v62;
	v63 =	vld [tilespmem:$0x18900]  }
0x334: {  	v31 =	vld [tilespmem:$0x18930];
	[tilespmem:$0x188A0] =	vst v19;
	v19 =	vadd.f32 v57, v18  }
0x335: {  	v32 =	vadd.f32 v61, v18;
	[tilespmem:$0x188D0] =	vst v29;
	v30 =	vld [tilespmem:$0x18920]  }
0x336: {  	v34 =	vld [tilespmem:$0x18950];
	[tilespmem:$0x188C0] =	vst v19;
	v19 =	vadd.f32 v60, v18  }
0x337: {  	v35 =	vadd.f32 v28, v18;
	[tilespmem:$0x188F0] =	vst v32;
	v33 =	vld [tilespmem:$0x18940]  }
0x338: {  	v40 =	vld [tilespmem:$0x18990];
	[tilespmem:$0x188E0] =	vst v19;
	v19 =	vadd.f32 v63, v18  }
0x339: {  	v38 =	vadd.f32 v31, v18;
	[tilespmem:$0x18910] =	vst v35;
	v36 =	vld [tilespmem:$0x18960]  }
0x33a: {  	v37 =	vld [tilespmem:$0x18970];
	[tilespmem:$0x18900] =	vst v19;
	v19 =	vadd.f32 v30, v18  }
0x33b: {  	v41 =	vadd.f32 v34, v18;
	[tilespmem:$0x18930] =	vst v38;
	v39 =	vld [tilespmem:$0x18980]  }
0x33c: {  	v46 =	vld [tilespmem:$0x18850];
	[tilespmem:$0x18920] =	vst v19;
	v19 =	vadd.f32 v33, v18  }
0x33d: {  	v47 =	vadd.f32 v40, v18;
	[tilespmem:$0x18950] =	vst v41;
	v42 =	vld [tilespmem:$0x189A0]  }
0x33e: {  	v43 =	vld [tilespmem:$0x189B0];
	[tilespmem:$0x18940] =	vst v19;
	v19 =	vadd.f32 v36, v18  }
0x33f: {  	v44 =	vadd.f32 v37, v18;
	[tilespmem:$0x18990] =	vst v47;
	v45 =	vld [tilespmem:$0x189C0]  }
0x340: {  	v49 =	vld [tilespmem:$0x189F0];
	[tilespmem:$0x18960] =	vst v19;
	v19 =	vadd.f32 v39, v18  }
0x341: {  	v53 =	vadd.f32 v46, v18;
	[tilespmem:$0x18970] =	vst v44;
	v48 =	vld [tilespmem:$0x189E0]  }
0x342: {  	v52 =	vld [tilespmem:$0x18A10];
	[tilespmem:$0x18980] =	vst v19;
	v19 =	vadd.f32 v42, v18  }
0x343: {  	v50 =	vadd.f32 v43, v18;
	[tilespmem:$0x18850] =	vst v53;
	v51 =	vld [tilespmem:$0x18A00]  }
0x344: {  	v55 =	vld [tilespmem:$0x18A30];
	[tilespmem:$0x189A0] =	vst v19;
	v19 =	vadd.f32 v45, v18  }
0x345: {  	v56 =	vadd.f32 v49, v18;
	[tilespmem:$0x189B0] =	vst v50;
	v54 =	vld [tilespmem:$0x18A20]  }
0x346: {  	v46 =	vld [tilespmem:$0x189D0];
	[tilespmem:$0x189C0] =	vst v19;
	v19 =	vadd.f32 v48, v18  }
0x347: {  	v59 =	vadd.f32 v52, v18;
	[tilespmem:$0x189F0] =	vst v56;
	v57 =	vld [tilespmem:$0x18A40]  }
0x348: {  	v58 =	vld [tilespmem:$0x18A50];
	[tilespmem:$0x189E0] =	vst v19;
	v19 =	vadd.f32 v51, v18  }
0x349: {  	v62 =	vadd.f32 v55, v18;
	[tilespmem:$0x18A10] =	vst v59;
	v60 =	vld [tilespmem:$0x18A60]  }
0x34a: {  	v61 =	vld [tilespmem:$0x18A70];
	[tilespmem:$0x18A00] =	vst v19;
	v19 =	vadd.f32 v54, v18  }
0x34b: {  	[tilespmem:$0x18A30] =	vst v62;
	v53 =	vadd.f32 v46, v18  }
0x34c: {  	[tilespmem:$0x18A20] =	vst v19;
	v19 =	vadd.f32 v57, v18  }
0x34d: {  	[tilespmem:$0x189D0] =	vst v53;
	v63 =	vadd.f32 v58, v18  }
0x34e: {  	[tilespmem:$0x18A40] =	vst v19;
	v19 =	vadd.f32 v60, v18  }
0x34f: {  	[tilespmem:$0x18A50] =	vst v63;
	v18 =	vadd.f32 v61, v18  }
0x350: {  	[tilespmem:$0x18A60] =	vst v19  }
0x351: {  	s12 =	simm.s32 @!p0 $0x18680;
	s13 =	rddreg [dreg:$0x13];
	s11 =	simm.s32 @!p0 $0x0;
	[tilespmem:$0x18A70] =	vst v18  }
0x352: {  	[hbm4b:s13+s11] =	stream.linear.scatter @!p0 [tilespmem:s12], [sflag:$0x5], $0x400, $0x38;
	[tilespmem:$0x19710] =	vst v63  }
0x353: {  	s11 =	simm.s32 @!p0 $0x5  }
0x354: {  	_ =	swait.ge @!p0 [sflag:s11], $0x400  }
.Ltmp3:
0x355: {  	[sflag:s11] =	ssyncset.done @!p0 $0x0;
	(pc) =	sbr.rel @!p1 .LBB2_7-.Ltmp3, $4  }
0x356: {  	[sflag:s11] =	ssyncadd.s32 @!p0 $0xFFFFFC00  }
0x357: {  	_ =	swait.ge [sflag:s9], $0x8000  }
0x358: {  	[sflag:s9] =	ssyncset.done $0x0  }
0x359: {  	[sflag:s9] =	ssyncadd.s32 $0xFFFF8000  }
0x35a: {  	s11 =	simm.s32 $0x40;
	s12 =	simm.s32 $0x0  }
.LBB2_5:
0x35b: {  	p1 =	sne.s32 s11, $0x1FFC0;
	[tilespmem:s12+$0x10680] =	vst v17;
	s12 =	smov.u32 s11;
	s11 =	sadd.s32 $0x40, s11  }
.Ltmp4:
0x35c: {  	(pc) =	sbr.rel @p1 .LBB2_5-.Ltmp4, $2  }
0x35d: {  	_ =	sdelay $0x2  }
0x35e: {  	s12 =	sshra.s32 s12, $0x2  }
.Ltmp5:
0x35f: {  	_ = 	snop;
	(pc) =	sbr.rel .LBB2_6-.Ltmp5, $1  }
0x360: {  	_ =	sdelay $0x3  }
.LBB2_8:
0x361: {  	_ =	sfence.sel $0x180000  }
0x362: {  	[bflag:$0x0] =	sbarrier.arrive $0xFFFF  }
0x363: {  	_ =	strace $0x90000047  }
0x364: {  	s0 =	stileid.u32;
	[bflag:$0x2] =	sbarrier.arrive $0xFFFF  }
0x365: {  	p0 =	sne.s32 s0, $0x0;
	s0 =	rddreg [dreg:$0x7]  }
0x366: {  	s0 =	sadd.s32 @!p0 $0x100000, s0  }
0x367: {  	[sflag:s0] =	ssyncadd.tile.s32 @!p0 $0x1;
	_ =	shalt  }
.Lfunc_end2:
_tile_overlayer_lowered:
.L_overlay_start_2:
0x368: {  	(tag) =	ssettag $0x2  }
0x369: {  	s0 =	rddreg [dreg:$0x0];
	s2 =	stileid.u32  }
0x36a: {  	s1 =	rddreg [dreg:$0x1];
	p0 =	sne.s32 s2, $0x0  }
0x36b: {  	s3 =	rddreg [dreg:$0x2];
	[bflag:$0x3] =	sbarrier.arrive $0xFFFF;
	s2 =	simm.s32 @!p0 $0x1C05  }
0x36c: {  	[timem:s3], [sflag:s2] =	dma.local @!p0 [hbm:s0], s1  }
0x36d: {  	s0 =	simm.s32 @!p0 $0x5  }
0x36e: {  	_ =	swait.ge @!p0 [sflag:s0], s1  }
0x36f: {  	s1 =	ssub.s32 @!p0 $0x0, s1;
	[sflag:s0] =	ssyncset.done @!p0 $0x0  }
0x370: {  	[sflag:s0] =	ssyncadd.s32 @!p0 s1  }
0x371: {  	[bflag:$0x3] =	sbarrier.arrive $0xFFFF  }
0x372: {  	_ =	shalt  }

</sc_bundles>
